<compile_context>
chip_gen: v7x
topology: tpu7x:2x2x1
jax: 0.10.2.dev20260603
libtpu: 0.0.44.dev20260713+nightly
codegen_flags: <defaults>
</compile_context>

<pallas_src>
import functools

import jax
import jax.numpy as jnp
from jax import lax
from jax.experimental import pallas as pl
from jax.experimental.pallas import tpu as pltpu
from jax.experimental.pallas import tpu_sc as plsc

B, NPATCH, DIM = 64, 576, 768
L = 577
LPW = 18


def _sc_gather(pcol_flat, table):
    info = plsc.get_sparse_core_info()
    nw = info.num_cores * info.num_subcores
    mesh = plsc.VectorSubcoreMesh(core_axis_name="c", subcore_axis_name="s")

    @functools.partial(
        pl.kernel,
        mesh=mesh,
        out_type=jax.ShapeDtypeStruct((L, B, DIM), jnp.float32),
        scratch_types=[
            pltpu.VMEM((LPW * B,), jnp.int32),
            pltpu.VMEM((B,), jnp.int32),
            pltpu.VMEM((B, DIM), jnp.float32),
            pltpu.VMEM((B, DIM), jnp.float32),
            pltpu.SemaphoreType.DMA,
            pltpu.SemaphoreType.DMA,
            pltpu.SemaphoreType.DMA,
            pltpu.SemaphoreType.DMA,
        ],
    )
    def run(pcol_hbm, table_hbm, out_hbm, idxv, tidxv, rows0, rows1,
            gs0, gs1, ws0, ws1):
        wid = lax.axis_index("s") * info.num_cores + lax.axis_index("c")
        l0 = wid * LPW
        rows, gsems, wsems = (rows0, rows1), (gs0, gs1), (ws0, ws1)

        base = pl.multiple_of(wid * (LPW * B), LPW * B)
        pltpu.sync_copy(pcol_hbm.at[pl.ds(base, LPW * B)], idxv)

        g = [None] * LPW
        w = [None] * LPW
        for t in range(LPW):
            if t >= 2:
                w[t - 2].wait()
            g[t] = pltpu.async_copy(
                table_hbm.at[idxv.at[pl.ds(t * B, B)]], rows[t % 2], gsems[t % 2]
            )
            if t >= 1:
                g[t - 1].wait()
                w[t - 1] = pltpu.async_copy(
                    rows[(t - 1) % 2], out_hbm.at[l0 + t - 1], wsems[(t - 1) % 2]
                )
        g[LPW - 1].wait()
        w[LPW - 1] = pltpu.async_copy(
            rows[(LPW - 1) % 2], out_hbm.at[l0 + LPW - 1], wsems[(LPW - 1) % 2]
        )
        w[LPW - 2].wait()
        @pl.when(wid == nw - 1)
        def _tail():
            pltpu.sync_copy(pcol_hbm.at[pl.ds(nw * LPW * B, B)], tidxv)
            pltpu.async_copy(table_hbm.at[tidxv], rows0, gs0).wait()
            pltpu.sync_copy(rows0, out_hbm.at[nw * LPW])
        w[LPW - 1].wait()

    return run(pcol_flat, table)


def kernel(pid, pos_embeds):
    p = jnp.pad(pid.astype(jnp.int32).T + 1, ((1, 0), (0, 0)))
    out_t = _sc_gather(p.reshape(-1), pos_embeds)
    return jnp.transpose(out_t, (1, 0, 2))

# --- scband reference (transcript-rebuilt; emitter-appended) ---
"""Pipeline reference for scband-absolute-position-embeds-59871844106767 (READ-ONLY COPY).

The authoritative reference and input builder live on the scoring server;
editing this copy changes nothing except your own understanding.
"""

import jax, jax.numpy as jnp
import numpy as np

GY, GX = 24, 24
DIM = 768
B, NPATCH = 64, 576


def build_pos_embeds(gY, gX, dim):
    # SinCosPEs(dim, input_rng=(0,1), target_range=(0, gY)) applied to meshgrid locations
    omega = jnp.arange(dim // 4, dtype=jnp.float32) / dim * 4.0
    omega = 1.0 / (10000.0 ** omega)
    xs = jnp.linspace(0.0, 1.0, gX)
    ys = jnp.linspace(0.0, 1.0, gY)
    mg0, mg1 = jnp.meshgrid(xs, ys, indexing='ij')  # torch.meshgrid default is 'ij'
    loc = jnp.stack([mg0, mg1], axis=2).reshape(-1, 2)  # (gX*gY, 2)
    y = loc[:, 0:1]
    x = loc[:, 1:2]
    scale = (gY - 0.0) / (1.0 - 0.0)

    def sincos(pos):
        pos_scaled = (pos - 0.0) * scale + 0.0
        out = jnp.einsum('ml,d->mld', pos_scaled, omega)
        return jnp.concatenate([jnp.sin(out), jnp.cos(out)], axis=-1)

    x_pe = sincos(x)
    y_pe = sincos(y)
    pes = jnp.concatenate([x_pe, y_pe], axis=-1).squeeze(1)  # (gX*gY, dim)
    L = gX * gY + 1
    table = jnp.zeros((L, dim), dtype=jnp.float32)
    table = table.at[1:].set(pes)
    return table


def setup_inputs(seed: int = 0) -> dict:
    key = jax.random.key(seed)
    pid = jax.random.randint(key, (B, NPATCH), 0, NPATCH, dtype=jnp.int64) if jax.config.read('jax_enable_x64') else jax.random.randint(key, (B, NPATCH), 0, NPATCH, dtype=jnp.int32)
    pos_embeds = build_pos_embeds(GY, GX, DIM)
    return {"pid": pid, "pos_embeds": pos_embeds}


def reference(pid, pos_embeds):
    p = pid + 1
    p = jnp.pad(p, ((0, 0), (1, 0)), constant_values=0)  # prepend cls token index 0
    return pos_embeds[p]

if __name__ == "__main__":
    import jax
    _d = setup_inputs()
    print(jax.jit(kernel)(*tuple(_d.values())))

</pallas_src>

<mosaic_0001>
#map = affine_map<(d0, d1) -> (0)>
#map1 = affine_map<(d0, d1) -> (0, 0)>
#map2 = affine_map<(d0, d1) -> (0, 0, 0)>
module attributes {stable_mosaic.version = 14 : i64} {
  func.func @run(%arg0: i32, %arg1: i32, %arg2: memref<36928xi32, #tpu.memory_space<hbm>>, %arg3: memref<577x768xf32, #tpu.memory_space<hbm>>, %arg4: memref<577x64x768xf32, #tpu.memory_space<hbm>>, %arg5: memref<1152xi32, #tpu.memory_space<vmem>>, %arg6: memref<64xi32, #tpu.memory_space<vmem>>, %arg7: memref<64x768xf32, #tpu.memory_space<vmem>>, %arg8: memref<64x768xf32, #tpu.memory_space<vmem>>, %arg9: memref<!tpu.dma_semaphore, #tpu.memory_space<semaphore_mem>>, %arg10: memref<!tpu.dma_semaphore, #tpu.memory_space<semaphore_mem>>, %arg11: memref<!tpu.dma_semaphore, #tpu.memory_space<semaphore_mem>>, %arg12: memref<!tpu.dma_semaphore, #tpu.memory_space<semaphore_mem>>) attributes {dimension_semantics = [#tpu.dimension_semantics<core_parallel>, #tpu.dimension_semantics<subcore_parallel>], iteration_bounds = array<i64: 2, 16>, scalar_prefetch = 0 : i64, scratch_operands = 8 : i64, tpu.core_type = #tpu.core_type<sc_vector_subcore>, window_params = [{transform_indices = #map}, {transform_indices = #map1}, {transform_indices = #map2}]} {
    %mul3A = arith.constant 2 : i32
    %mul3A_0 = arith.muli %arg1, %mul3A : i32
    %add3A = arith.addi %mul3A_0, %arg0 : i32
    %mul3A_1 = arith.constant 18 : i32
    %mul3A_2 = arith.muli %add3A, %mul3A_1 : i32
    %mul3A_3 = arith.constant 1152 : i32
    %mul3A_4 = arith.muli %add3A, %mul3A_3 : i32
    %multiple_of3A = tpu.assume_multiple %mul3A_4, 1152 : i32
    "tpu.region"() ({
      %run_scoped3A = tpu.sem_alloc : memref<!tpu.dma_semaphore, #tpu.memory_space<semaphore_mem>>
      %dma_start3A_544 = tpu.memref_slice %arg2[%multiple_of3A] : memref<36928xi32, #tpu.memory_space<hbm>> -> memref<1152xi32, #tpu.memory_space<hbm>>
      %dma_start3A_545 = tpu.memref_slice %arg2[%multiple_of3A] : memref<36928xi32, #tpu.memory_space<hbm>> -> memref<1152xi32, #tpu.memory_space<hbm>>
      tpu.enqueue_dma source(%dma_start3A_545 : memref<1152xi32, #tpu.memory_space<hbm>>) target(%arg5 : memref<1152xi32, #tpu.memory_space<vmem>>) target_semaphore(%run_scoped3A : memref<!tpu.dma_semaphore, #tpu.memory_space<semaphore_mem>>)
      %dma_wait3A_546 = tpu.memref_slice %arg2[%multiple_of3A] : memref<36928xi32, #tpu.memory_space<hbm>> -> memref<1152xi32, #tpu.memory_space<hbm>>
      %dma_wait3A_547 = tpu.memref_slice %arg2[%multiple_of3A] : memref<36928xi32, #tpu.memory_space<hbm>> -> memref<1152xi32, #tpu.memory_space<hbm>>
      tpu.wait_dma2 semaphore(%run_scoped3A : memref<!tpu.dma_semaphore, #tpu.memory_space<semaphore_mem>>) src(%dma_wait3A_547 : memref<1152xi32, #tpu.memory_space<hbm>>) dst(%arg5 : memref<1152xi32, #tpu.memory_space<vmem>>)
      tpu.yield
    }) : () -> ()
    %dma_start3A = arith.constant 0 : i32
    %dma_start3A_5 = tpu.memref_slice %arg5[%dma_start3A] : memref<1152xi32, #tpu.memory_space<vmem>> -> memref<64xi32, #tpu.memory_space<vmem>>
    %dma_start3A_6 = arith.constant 0 : i32
    %dma_start3A_7 = arith.constant 0 : i32
    %dma_start3A_8 = tpu.memref_slice %arg3[%dma_start3A_6, %dma_start3A_7] : memref<577x768xf32, #tpu.memory_space<hbm>> -> memref<577x768xf32, #tpu.memory_space<hbm>>
    tpu.enqueue_indirect_dma source(%dma_start3A_8 : memref<577x768xf32, #tpu.memory_space<hbm>>) target(%arg7 : memref<64x768xf32, #tpu.memory_space<vmem>>) offsets(%dma_start3A_5 : memref<64xi32, #tpu.memory_space<vmem>>) semaphore(%arg9 : memref<!tpu.dma_semaphore, #tpu.memory_space<semaphore_mem>>)
    %dma_start3A_9 = arith.constant 64 : i32
    %dma_start3A_10 = tpu.memref_slice %arg5[%dma_start3A_9] : memref<1152xi32, #tpu.memory_space<vmem>> -> memref<64xi32, #tpu.memory_space<vmem>>
    %dma_start3A_11 = arith.constant 0 : i32
    %dma_start3A_12 = arith.constant 0 : i32
    %dma_start3A_13 = tpu.memref_slice %arg3[%dma_start3A_11, %dma_start3A_12] : memref<577x768xf32, #tpu.memory_space<hbm>> -> memref<577x768xf32, #tpu.memory_space<hbm>>
    tpu.enqueue_indirect_dma source(%dma_start3A_13 : memref<577x768xf32, #tpu.memory_space<hbm>>) target(%arg8 : memref<64x768xf32, #tpu.memory_space<vmem>>) offsets(%dma_start3A_10 : memref<64xi32, #tpu.memory_space<vmem>>) semaphore(%arg10 : memref<!tpu.dma_semaphore, #tpu.memory_space<semaphore_mem>>)
    %dma_wait3A = arith.constant 0 : i32
    %dma_wait3A_14 = tpu.memref_slice %arg5[%dma_wait3A] : memref<1152xi32, #tpu.memory_space<vmem>> -> memref<64xi32, #tpu.memory_space<vmem>>
    %dma_wait3A_15 = arith.constant 0 : i32
    %dma_wait3A_16 = arith.constant 0 : i32
    %dma_wait3A_17 = tpu.memref_slice %arg3[%dma_wait3A_15, %dma_wait3A_16] : memref<577x768xf32, #tpu.memory_space<hbm>> -> memref<577x768xf32, #tpu.memory_space<hbm>>
    tpu.wait_indirect_dma semaphore(%arg9 : memref<!tpu.dma_semaphore, #tpu.memory_space<semaphore_mem>>) src(%dma_wait3A_17 : memref<577x768xf32, #tpu.memory_space<hbm>>) dst(%arg7 : memref<64x768xf32, #tpu.memory_space<vmem>>)
    %add3A_18 = arith.constant 1 : i32
    %add3A_19 = arith.addi %mul3A_2, %add3A_18 : i32
    %sub3A = arith.constant 1 : i32
    %sub3A_20 = arith.subi %add3A_19, %sub3A : i32
    %dma_start3A_21 = arith.constant 0 : i32
    %dma_start3A_22 = arith.constant 0 : i32
    %dma_start3A_23 = tpu.memref_slice %arg4[%sub3A_20, %dma_start3A_21, %dma_start3A_22] : memref<577x64x768xf32, #tpu.memory_space<hbm>> -> memref<1x64x768xf32, #tpu.memory_space<hbm>>
    %dma_start3A_24 = tpu.memref_squeeze %dma_start3A_23 : memref<1x64x768xf32, #tpu.memory_space<hbm>> -> memref<64x768xf32, #tpu.memory_space<hbm>>
    %dma_start3A_25 = arith.constant 0 : i32
    %dma_start3A_26 = arith.constant 0 : i32
    %dma_start3A_27 = tpu.memref_slice %arg4[%sub3A_20, %dma_start3A_25, %dma_start3A_26] : memref<577x64x768xf32, #tpu.memory_space<hbm>> -> memref<1x64x768xf32, #tpu.memory_space<hbm>>
    %dma_start3A_28 = tpu.memref_squeeze %dma_start3A_27 : memref<1x64x768xf32, #tpu.memory_space<hbm>> -> memref<64x768xf32, #tpu.memory_space<hbm>>
    tpu.enqueue_dma source(%arg7 : memref<64x768xf32, #tpu.memory_space<vmem>>) target(%dma_start3A_28 : memref<64x768xf32, #tpu.memory_space<hbm>>) target_semaphore(%arg11 : memref<!tpu.dma_semaphore, #tpu.memory_space<semaphore_mem>>)
    %dma_wait3A_29 = arith.constant 0 : i32
    %dma_wait3A_30 = arith.constant 0 : i32
    %dma_wait3A_31 = tpu.memref_slice %arg4[%sub3A_20, %dma_wait3A_29, %dma_wait3A_30] : memref<577x64x768xf32, #tpu.memory_space<hbm>> -> memref<1x64x768xf32, #tpu.memory_space<hbm>>
    %dma_wait3A_32 = tpu.memref_squeeze %dma_wait3A_31 : memref<1x64x768xf32, #tpu.memory_space<hbm>> -> memref<64x768xf32, #tpu.memory_space<hbm>>
    %dma_wait3A_33 = arith.constant 0 : i32
    %dma_wait3A_34 = arith.constant 0 : i32
    %dma_wait3A_35 = tpu.memref_slice %arg4[%sub3A_20, %dma_wait3A_33, %dma_wait3A_34] : memref<577x64x768xf32, #tpu.memory_space<hbm>> -> memref<1x64x768xf32, #tpu.memory_space<hbm>>
    %dma_wait3A_36 = tpu.memref_squeeze %dma_wait3A_35 : memref<1x64x768xf32, #tpu.memory_space<hbm>> -> memref<64x768xf32, #tpu.memory_space<hbm>>
    tpu.wait_dma2 semaphore(%arg11 : memref<!tpu.dma_semaphore, #tpu.memory_space<semaphore_mem>>) src(%arg7 : memref<64x768xf32, #tpu.memory_space<vmem>>) dst(%dma_wait3A_36 : memref<64x768xf32, #tpu.memory_space<hbm>>)
    %dma_start3A_37 = arith.constant 128 : i32
    %dma_start3A_38 = tpu.memref_slice %arg5[%dma_start3A_37] : memref<1152xi32, #tpu.memory_space<vmem>> -> memref<64xi32, #tpu.memory_space<vmem>>
    %dma_start3A_39 = arith.constant 0 : i32
    %dma_start3A_40 = arith.constant 0 : i32
    %dma_start3A_41 = tpu.memref_slice %arg3[%dma_start3A_39, %dma_start3A_40] : memref<577x768xf32, #tpu.memory_space<hbm>> -> memref<577x768xf32, #tpu.memory_space<hbm>>
    tpu.enqueue_indirect_dma source(%dma_start3A_41 : memref<577x768xf32, #tpu.memory_space<hbm>>) target(%arg7 : memref<64x768xf32, #tpu.memory_space<vmem>>) offsets(%dma_start3A_38 : memref<64xi32, #tpu.memory_space<vmem>>) semaphore(%arg9 : memref<!tpu.dma_semaphore, #tpu.memory_space<semaphore_mem>>)
    %dma_wait3A_42 = arith.constant 64 : i32
    %dma_wait3A_43 = tpu.memref_slice %arg5[%dma_wait3A_42] : memref<1152xi32, #tpu.memory_space<vmem>> -> memref<64xi32, #tpu.memory_space<vmem>>
    %dma_wait3A_44 = arith.constant 0 : i32
    %dma_wait3A_45 = arith.constant 0 : i32
    %dma_wait3A_46 = tpu.memref_slice %arg3[%dma_wait3A_44, %dma_wait3A_45] : memref<577x768xf32, #tpu.memory_space<hbm>> -> memref<577x768xf32, #tpu.memory_space<hbm>>
    tpu.wait_indirect_dma semaphore(%arg10 : memref<!tpu.dma_semaphore, #tpu.memory_space<semaphore_mem>>) src(%dma_wait3A_46 : memref<577x768xf32, #tpu.memory_space<hbm>>) dst(%arg8 : memref<64x768xf32, #tpu.memory_space<vmem>>)
    %add3A_47 = arith.constant 2 : i32
    %add3A_48 = arith.addi %mul3A_2, %add3A_47 : i32
    %sub3A_49 = arith.constant 1 : i32
    %sub3A_50 = arith.subi %add3A_48, %sub3A_49 : i32
    %dma_start3A_51 = arith.constant 0 : i32
    %dma_start3A_52 = arith.constant 0 : i32
    %dma_start3A_53 = tpu.memref_slice %arg4[%sub3A_50, %dma_start3A_51, %dma_start3A_52] : memref<577x64x768xf32, #tpu.memory_space<hbm>> -> memref<1x64x768xf32, #tpu.memory_space<hbm>>
    %dma_start3A_54 = tpu.memref_squeeze %dma_start3A_53 : memref<1x64x768xf32, #tpu.memory_space<hbm>> -> memref<64x768xf32, #tpu.memory_space<hbm>>
    %dma_start3A_55 = arith.constant 0 : i32
    %dma_start3A_56 = arith.constant 0 : i32
    %dma_start3A_57 = tpu.memref_slice %arg4[%sub3A_50, %dma_start3A_55, %dma_start3A_56] : memref<577x64x768xf32, #tpu.memory_space<hbm>> -> memref<1x64x768xf32, #tpu.memory_space<hbm>>
    %dma_start3A_58 = tpu.memref_squeeze %dma_start3A_57 : memref<1x64x768xf32, #tpu.memory_space<hbm>> -> memref<64x768xf32, #tpu.memory_space<hbm>>
    tpu.enqueue_dma source(%arg8 : memref<64x768xf32, #tpu.memory_space<vmem>>) target(%dma_start3A_58 : memref<64x768xf32, #tpu.memory_space<hbm>>) target_semaphore(%arg12 : memref<!tpu.dma_semaphore, #tpu.memory_space<semaphore_mem>>)
    %dma_wait3A_59 = arith.constant 0 : i32
    %dma_wait3A_60 = arith.constant 0 : i32
    %dma_wait3A_61 = tpu.memref_slice %arg4[%sub3A_50, %dma_wait3A_59, %dma_wait3A_60] : memref<577x64x768xf32, #tpu.memory_space<hbm>> -> memref<1x64x768xf32, #tpu.memory_space<hbm>>
    %dma_wait3A_62 = tpu.memref_squeeze %dma_wait3A_61 : memref<1x64x768xf32, #tpu.memory_space<hbm>> -> memref<64x768xf32, #tpu.memory_space<hbm>>
    %dma_wait3A_63 = arith.constant 0 : i32
    %dma_wait3A_64 = arith.constant 0 : i32
    %dma_wait3A_65 = tpu.memref_slice %arg4[%sub3A_50, %dma_wait3A_63, %dma_wait3A_64] : memref<577x64x768xf32, #tpu.memory_space<hbm>> -> memref<1x64x768xf32, #tpu.memory_space<hbm>>
    %dma_wait3A_66 = tpu.memref_squeeze %dma_wait3A_65 : memref<1x64x768xf32, #tpu.memory_space<hbm>> -> memref<64x768xf32, #tpu.memory_space<hbm>>
    tpu.wait_dma2 semaphore(%arg12 : memref<!tpu.dma_semaphore, #tpu.memory_space<semaphore_mem>>) src(%arg8 : memref<64x768xf32, #tpu.memory_space<vmem>>) dst(%dma_wait3A_66 : memref<64x768xf32, #tpu.memory_space<hbm>>)
    %dma_start3A_67 = arith.constant 192 : i32
    %dma_start3A_68 = tpu.memref_slice %arg5[%dma_start3A_67] : memref<1152xi32, #tpu.memory_space<vmem>> -> memref<64xi32, #tpu.memory_space<vmem>>
    %dma_start3A_69 = arith.constant 0 : i32
    %dma_start3A_70 = arith.constant 0 : i32
    %dma_start3A_71 = tpu.memref_slice %arg3[%dma_start3A_69, %dma_start3A_70] : memref<577x768xf32, #tpu.memory_space<hbm>> -> memref<577x768xf32, #tpu.memory_space<hbm>>
    tpu.enqueue_indirect_dma source(%dma_start3A_71 : memref<577x768xf32, #tpu.memory_space<hbm>>) target(%arg8 : memref<64x768xf32, #tpu.memory_space<vmem>>) offsets(%dma_start3A_68 : memref<64xi32, #tpu.memory_space<vmem>>) semaphore(%arg10 : memref<!tpu.dma_semaphore, #tpu.memory_space<semaphore_mem>>)
    %dma_wait3A_72 = arith.constant 128 : i32
    %dma_wait3A_73 = tpu.memref_slice %arg5[%dma_wait3A_72] : memref<1152xi32, #tpu.memory_space<vmem>> -> memref<64xi32, #tpu.memory_space<vmem>>
    %dma_wait3A_74 = arith.constant 0 : i32
    %dma_wait3A_75 = arith.constant 0 : i32
    %dma_wait3A_76 = tpu.memref_slice %arg3[%dma_wait3A_74, %dma_wait3A_75] : memref<577x768xf32, #tpu.memory_space<hbm>> -> memref<577x768xf32, #tpu.memory_space<hbm>>
    tpu.wait_indirect_dma semaphore(%arg9 : memref<!tpu.dma_semaphore, #tpu.memory_space<semaphore_mem>>) src(%dma_wait3A_76 : memref<577x768xf32, #tpu.memory_space<hbm>>) dst(%arg7 : memref<64x768xf32, #tpu.memory_space<vmem>>)
    %add3A_77 = arith.constant 3 : i32
    %add3A_78 = arith.addi %mul3A_2, %add3A_77 : i32
    %sub3A_79 = arith.constant 1 : i32
    %sub3A_80 = arith.subi %add3A_78, %sub3A_79 : i32
    %dma_start3A_81 = arith.constant 0 : i32
    %dma_start3A_82 = arith.constant 0 : i32
    %dma_start3A_83 = tpu.memref_slice %arg4[%sub3A_80, %dma_start3A_81, %dma_start3A_82] : memref<577x64x768xf32, #tpu.memory_space<hbm>> -> memref<1x64x768xf32, #tpu.memory_space<hbm>>
    %dma_start3A_84 = tpu.memref_squeeze %dma_start3A_83 : memref<1x64x768xf32, #tpu.memory_space<hbm>> -> memref<64x768xf32, #tpu.memory_space<hbm>>
    %dma_start3A_85 = arith.constant 0 : i32
    %dma_start3A_86 = arith.constant 0 : i32
    %dma_start3A_87 = tpu.memref_slice %arg4[%sub3A_80, %dma_start3A_85, %dma_start3A_86] : memref<577x64x768xf32, #tpu.memory_space<hbm>> -> memref<1x64x768xf32, #tpu.memory_space<hbm>>
    %dma_start3A_88 = tpu.memref_squeeze %dma_start3A_87 : memref<1x64x768xf32, #tpu.memory_space<hbm>> -> memref<64x768xf32, #tpu.memory_space<hbm>>
    tpu.enqueue_dma source(%arg7 : memref<64x768xf32, #tpu.memory_space<vmem>>) target(%dma_start3A_88 : memref<64x768xf32, #tpu.memory_space<hbm>>) target_semaphore(%arg11 : memref<!tpu.dma_semaphore, #tpu.memory_space<semaphore_mem>>)
    %dma_wait3A_89 = arith.constant 0 : i32
    %dma_wait3A_90 = arith.constant 0 : i32
    %dma_wait3A_91 = tpu.memref_slice %arg4[%sub3A_80, %dma_wait3A_89, %dma_wait3A_90] : memref<577x64x768xf32, #tpu.memory_space<hbm>> -> memref<1x64x768xf32, #tpu.memory_space<hbm>>
    %dma_wait3A_92 = tpu.memref_squeeze %dma_wait3A_91 : memref<1x64x768xf32, #tpu.memory_space<hbm>> -> memref<64x768xf32, #tpu.memory_space<hbm>>
    %dma_wait3A_93 = arith.constant 0 : i32
    %dma_wait3A_94 = arith.constant 0 : i32
    %dma_wait3A_95 = tpu.memref_slice %arg4[%sub3A_80, %dma_wait3A_93, %dma_wait3A_94] : memref<577x64x768xf32, #tpu.memory_space<hbm>> -> memref<1x64x768xf32, #tpu.memory_space<hbm>>
    %dma_wait3A_96 = tpu.memref_squeeze %dma_wait3A_95 : memref<1x64x768xf32, #tpu.memory_space<hbm>> -> memref<64x768xf32, #tpu.memory_space<hbm>>
    tpu.wait_dma2 semaphore(%arg11 : memref<!tpu.dma_semaphore, #tpu.memory_space<semaphore_mem>>) src(%arg7 : memref<64x768xf32, #tpu.memory_space<vmem>>) dst(%dma_wait3A_96 : memref<64x768xf32, #tpu.memory_space<hbm>>)
    %dma_start3A_97 = arith.constant 256 : i32
    %dma_start3A_98 = tpu.memref_slice %arg5[%dma_start3A_97] : memref<1152xi32, #tpu.memory_space<vmem>> -> memref<64xi32, #tpu.memory_space<vmem>>
    %dma_start3A_99 = arith.constant 0 : i32
    %dma_start3A_100 = arith.constant 0 : i32
    %dma_start3A_101 = tpu.memref_slice %arg3[%dma_start3A_99, %dma_start3A_100] : memref<577x768xf32, #tpu.memory_space<hbm>> -> memref<577x768xf32, #tpu.memory_space<hbm>>
    tpu.enqueue_indirect_dma source(%dma_start3A_101 : memref<577x768xf32, #tpu.memory_space<hbm>>) target(%arg7 : memref<64x768xf32, #tpu.memory_space<vmem>>) offsets(%dma_start3A_98 : memref<64xi32, #tpu.memory_space<vmem>>) semaphore(%arg9 : memref<!tpu.dma_semaphore, #tpu.memory_space<semaphore_mem>>)
    %dma_wait3A_102 = arith.constant 192 : i32
    %dma_wait3A_103 = tpu.memref_slice %arg5[%dma_wait3A_102] : memref<1152xi32, #tpu.memory_space<vmem>> -> memref<64xi32, #tpu.memory_space<vmem>>
    %dma_wait3A_104 = arith.constant 0 : i32
    %dma_wait3A_105 = arith.constant 0 : i32
    %dma_wait3A_106 = tpu.memref_slice %arg3[%dma_wait3A_104, %dma_wait3A_105] : memref<577x768xf32, #tpu.memory_space<hbm>> -> memref<577x768xf32, #tpu.memory_space<hbm>>
    tpu.wait_indirect_dma semaphore(%arg10 : memref<!tpu.dma_semaphore, #tpu.memory_space<semaphore_mem>>) src(%dma_wait3A_106 : memref<577x768xf32, #tpu.memory_space<hbm>>) dst(%arg8 : memref<64x768xf32, #tpu.memory_space<vmem>>)
    %add3A_107 = arith.constant 4 : i32
    %add3A_108 = arith.addi %mul3A_2, %add3A_107 : i32
    %sub3A_109 = arith.constant 1 : i32
    %sub3A_110 = arith.subi %add3A_108, %sub3A_109 : i32
    %dma_start3A_111 = arith.constant 0 : i32
    %dma_start3A_112 = arith.constant 0 : i32
    %dma_start3A_113 = tpu.memref_slice %arg4[%sub3A_110, %dma_start3A_111, %dma_start3A_112] : memref<577x64x768xf32, #tpu.memory_space<hbm>> -> memref<1x64x768xf32, #tpu.memory_space<hbm>>
    %dma_start3A_114 = tpu.memref_squeeze %dma_start3A_113 : memref<1x64x768xf32, #tpu.memory_space<hbm>> -> memref<64x768xf32, #tpu.memory_space<hbm>>
    %dma_start3A_115 = arith.constant 0 : i32
    %dma_start3A_116 = arith.constant 0 : i32
    %dma_start3A_117 = tpu.memref_slice %arg4[%sub3A_110, %dma_start3A_115, %dma_start3A_116] : memref<577x64x768xf32, #tpu.memory_space<hbm>> -> memref<1x64x768xf32, #tpu.memory_space<hbm>>
    %dma_start3A_118 = tpu.memref_squeeze %dma_start3A_117 : memref<1x64x768xf32, #tpu.memory_space<hbm>> -> memref<64x768xf32, #tpu.memory_space<hbm>>
    tpu.enqueue_dma source(%arg8 : memref<64x768xf32, #tpu.memory_space<vmem>>) target(%dma_start3A_118 : memref<64x768xf32, #tpu.memory_space<hbm>>) target_semaphore(%arg12 : memref<!tpu.dma_semaphore, #tpu.memory_space<semaphore_mem>>)
    %dma_wait3A_119 = arith.constant 0 : i32
    %dma_wait3A_120 = arith.constant 0 : i32
    %dma_wait3A_121 = tpu.memref_slice %arg4[%sub3A_110, %dma_wait3A_119, %dma_wait3A_120] : memref<577x64x768xf32, #tpu.memory_space<hbm>> -> memref<1x64x768xf32, #tpu.memory_space<hbm>>
    %dma_wait3A_122 = tpu.memref_squeeze %dma_wait3A_121 : memref<1x64x768xf32, #tpu.memory_space<hbm>> -> memref<64x768xf32, #tpu.memory_space<hbm>>
    %dma_wait3A_123 = arith.constant 0 : i32
    %dma_wait3A_124 = arith.constant 0 : i32
    %dma_wait3A_125 = tpu.memref_slice %arg4[%sub3A_110, %dma_wait3A_123, %dma_wait3A_124] : memref<577x64x768xf32, #tpu.memory_space<hbm>> -> memref<1x64x768xf32, #tpu.memory_space<hbm>>
    %dma_wait3A_126 = tpu.memref_squeeze %dma_wait3A_125 : memref<1x64x768xf32, #tpu.memory_space<hbm>> -> memref<64x768xf32, #tpu.memory_space<hbm>>
    tpu.wait_dma2 semaphore(%arg12 : memref<!tpu.dma_semaphore, #tpu.memory_space<semaphore_mem>>) src(%arg8 : memref<64x768xf32, #tpu.memory_space<vmem>>) dst(%dma_wait3A_126 : memref<64x768xf32, #tpu.memory_space<hbm>>)
    %dma_start3A_127 = arith.constant 320 : i32
    %dma_start3A_128 = tpu.memref_slice %arg5[%dma_start3A_127] : memref<1152xi32, #tpu.memory_space<vmem>> -> memref<64xi32, #tpu.memory_space<vmem>>
    %dma_start3A_129 = arith.constant 0 : i32
    %dma_start3A_130 = arith.constant 0 : i32
    %dma_start3A_131 = tpu.memref_slice %arg3[%dma_start3A_129, %dma_start3A_130] : memref<577x768xf32, #tpu.memory_space<hbm>> -> memref<577x768xf32, #tpu.memory_space<hbm>>
    tpu.enqueue_indirect_dma source(%dma_start3A_131 : memref<577x768xf32, #tpu.memory_space<hbm>>) target(%arg8 : memref<64x768xf32, #tpu.memory_space<vmem>>) offsets(%dma_start3A_128 : memref<64xi32, #tpu.memory_space<vmem>>) semaphore(%arg10 : memref<!tpu.dma_semaphore, #tpu.memory_space<semaphore_mem>>)
    %dma_wait3A_132 = arith.constant 256 : i32
    %dma_wait3A_133 = tpu.memref_slice %arg5[%dma_wait3A_132] : memref<1152xi32, #tpu.memory_space<vmem>> -> memref<64xi32, #tpu.memory_space<vmem>>
    %dma_wait3A_134 = arith.constant 0 : i32
    %dma_wait3A_135 = arith.constant 0 : i32
    %dma_wait3A_136 = tpu.memref_slice %arg3[%dma_wait3A_134, %dma_wait3A_135] : memref<577x768xf32, #tpu.memory_space<hbm>> -> memref<577x768xf32, #tpu.memory_space<hbm>>
    tpu.wait_indirect_dma semaphore(%arg9 : memref<!tpu.dma_semaphore, #tpu.memory_space<semaphore_mem>>) src(%dma_wait3A_136 : memref<577x768xf32, #tpu.memory_space<hbm>>) dst(%arg7 : memref<64x768xf32, #tpu.memory_space<vmem>>)
    %add3A_137 = arith.constant 5 : i32
    %add3A_138 = arith.addi %mul3A_2, %add3A_137 : i32
    %sub3A_139 = arith.constant 1 : i32
    %sub3A_140 = arith.subi %add3A_138, %sub3A_139 : i32
    %dma_start3A_141 = arith.constant 0 : i32
    %dma_start3A_142 = arith.constant 0 : i32
    %dma_start3A_143 = tpu.memref_slice %arg4[%sub3A_140, %dma_start3A_141, %dma_start3A_142] : memref<577x64x768xf32, #tpu.memory_space<hbm>> -> memref<1x64x768xf32, #tpu.memory_space<hbm>>
    %dma_start3A_144 = tpu.memref_squeeze %dma_start3A_143 : memref<1x64x768xf32, #tpu.memory_space<hbm>> -> memref<64x768xf32, #tpu.memory_space<hbm>>
    %dma_start3A_145 = arith.constant 0 : i32
    %dma_start3A_146 = arith.constant 0 : i32
    %dma_start3A_147 = tpu.memref_slice %arg4[%sub3A_140, %dma_start3A_145, %dma_start3A_146] : memref<577x64x768xf32, #tpu.memory_space<hbm>> -> memref<1x64x768xf32, #tpu.memory_space<hbm>>
    %dma_start3A_148 = tpu.memref_squeeze %dma_start3A_147 : memref<1x64x768xf32, #tpu.memory_space<hbm>> -> memref<64x768xf32, #tpu.memory_space<hbm>>
    tpu.enqueue_dma source(%arg7 : memref<64x768xf32, #tpu.memory_space<vmem>>) target(%dma_start3A_148 : memref<64x768xf32, #tpu.memory_space<hbm>>) target_semaphore(%arg11 : memref<!tpu.dma_semaphore, #tpu.memory_space<semaphore_mem>>)
    %dma_wait3A_149 = arith.constant 0 : i32
    %dma_wait3A_150 = arith.constant 0 : i32
    %dma_wait3A_151 = tpu.memref_slice %arg4[%sub3A_140, %dma_wait3A_149, %dma_wait3A_150] : memref<577x64x768xf32, #tpu.memory_space<hbm>> -> memref<1x64x768xf32, #tpu.memory_space<hbm>>
    %dma_wait3A_152 = tpu.memref_squeeze %dma_wait3A_151 : memref<1x64x768xf32, #tpu.memory_space<hbm>> -> memref<64x768xf32, #tpu.memory_space<hbm>>
    %dma_wait3A_153 = arith.constant 0 : i32
    %dma_wait3A_154 = arith.constant 0 : i32
    %dma_wait3A_155 = tpu.memref_slice %arg4[%sub3A_140, %dma_wait3A_153, %dma_wait3A_154] : memref<577x64x768xf32, #tpu.memory_space<hbm>> -> memref<1x64x768xf32, #tpu.memory_space<hbm>>
    %dma_wait3A_156 = tpu.memref_squeeze %dma_wait3A_155 : memref<1x64x768xf32, #tpu.memory_space<hbm>> -> memref<64x768xf32, #tpu.memory_space<hbm>>
    tpu.wait_dma2 semaphore(%arg11 : memref<!tpu.dma_semaphore, #tpu.memory_space<semaphore_mem>>) src(%arg7 : memref<64x768xf32, #tpu.memory_space<vmem>>) dst(%dma_wait3A_156 : memref<64x768xf32, #tpu.memory_space<hbm>>)
    %dma_start3A_157 = arith.constant 384 : i32
    %dma_start3A_158 = tpu.memref_slice %arg5[%dma_start3A_157] : memref<1152xi32, #tpu.memory_space<vmem>> -> memref<64xi32, #tpu.memory_space<vmem>>
    %dma_start3A_159 = arith.constant 0 : i32
    %dma_start3A_160 = arith.constant 0 : i32
    %dma_start3A_161 = tpu.memref_slice %arg3[%dma_start3A_159, %dma_start3A_160] : memref<577x768xf32, #tpu.memory_space<hbm>> -> memref<577x768xf32, #tpu.memory_space<hbm>>
    tpu.enqueue_indirect_dma source(%dma_start3A_161 : memref<577x768xf32, #tpu.memory_space<hbm>>) target(%arg7 : memref<64x768xf32, #tpu.memory_space<vmem>>) offsets(%dma_start3A_158 : memref<64xi32, #tpu.memory_space<vmem>>) semaphore(%arg9 : memref<!tpu.dma_semaphore, #tpu.memory_space<semaphore_mem>>)
    %dma_wait3A_162 = arith.constant 320 : i32
    %dma_wait3A_163 = tpu.memref_slice %arg5[%dma_wait3A_162] : memref<1152xi32, #tpu.memory_space<vmem>> -> memref<64xi32, #tpu.memory_space<vmem>>
    %dma_wait3A_164 = arith.constant 0 : i32
    %dma_wait3A_165 = arith.constant 0 : i32
    %dma_wait3A_166 = tpu.memref_slice %arg3[%dma_wait3A_164, %dma_wait3A_165] : memref<577x768xf32, #tpu.memory_space<hbm>> -> memref<577x768xf32, #tpu.memory_space<hbm>>
    tpu.wait_indirect_dma semaphore(%arg10 : memref<!tpu.dma_semaphore, #tpu.memory_space<semaphore_mem>>) src(%dma_wait3A_166 : memref<577x768xf32, #tpu.memory_space<hbm>>) dst(%arg8 : memref<64x768xf32, #tpu.memory_space<vmem>>)
    %add3A_167 = arith.constant 6 : i32
    %add3A_168 = arith.addi %mul3A_2, %add3A_167 : i32
    %sub3A_169 = arith.constant 1 : i32
    %sub3A_170 = arith.subi %add3A_168, %sub3A_169 : i32
    %dma_start3A_171 = arith.constant 0 : i32
    %dma_start3A_172 = arith.constant 0 : i32
    %dma_start3A_173 = tpu.memref_slice %arg4[%sub3A_170, %dma_start3A_171, %dma_start3A_172] : memref<577x64x768xf32, #tpu.memory_space<hbm>> -> memref<1x64x768xf32, #tpu.memory_space<hbm>>
    %dma_start3A_174 = tpu.memref_squeeze %dma_start3A_173 : memref<1x64x768xf32, #tpu.memory_space<hbm>> -> memref<64x768xf32, #tpu.memory_space<hbm>>
    %dma_start3A_175 = arith.constant 0 : i32
    %dma_start3A_176 = arith.constant 0 : i32
    %dma_start3A_177 = tpu.memref_slice %arg4[%sub3A_170, %dma_start3A_175, %dma_start3A_176] : memref<577x64x768xf32, #tpu.memory_space<hbm>> -> memref<1x64x768xf32, #tpu.memory_space<hbm>>
    %dma_start3A_178 = tpu.memref_squeeze %dma_start3A_177 : memref<1x64x768xf32, #tpu.memory_space<hbm>> -> memref<64x768xf32, #tpu.memory_space<hbm>>
    tpu.enqueue_dma source(%arg8 : memref<64x768xf32, #tpu.memory_space<vmem>>) target(%dma_start3A_178 : memref<64x768xf32, #tpu.memory_space<hbm>>) target_semaphore(%arg12 : memref<!tpu.dma_semaphore, #tpu.memory_space<semaphore_mem>>)
    %dma_wait3A_179 = arith.constant 0 : i32
    %dma_wait3A_180 = arith.constant 0 : i32
    %dma_wait3A_181 = tpu.memref_slice %arg4[%sub3A_170, %dma_wait3A_179, %dma_wait3A_180] : memref<577x64x768xf32, #tpu.memory_space<hbm>> -> memref<1x64x768xf32, #tpu.memory_space<hbm>>
    %dma_wait3A_182 = tpu.memref_squeeze %dma_wait3A_181 : memref<1x64x768xf32, #tpu.memory_space<hbm>> -> memref<64x768xf32, #tpu.memory_space<hbm>>
    %dma_wait3A_183 = arith.constant 0 : i32
    %dma_wait3A_184 = arith.constant 0 : i32
    %dma_wait3A_185 = tpu.memref_slice %arg4[%sub3A_170, %dma_wait3A_183, %dma_wait3A_184] : memref<577x64x768xf32, #tpu.memory_space<hbm>> -> memref<1x64x768xf32, #tpu.memory_space<hbm>>
    %dma_wait3A_186 = tpu.memref_squeeze %dma_wait3A_185 : memref<1x64x768xf32, #tpu.memory_space<hbm>> -> memref<64x768xf32, #tpu.memory_space<hbm>>
    tpu.wait_dma2 semaphore(%arg12 : memref<!tpu.dma_semaphore, #tpu.memory_space<semaphore_mem>>) src(%arg8 : memref<64x768xf32, #tpu.memory_space<vmem>>) dst(%dma_wait3A_186 : memref<64x768xf32, #tpu.memory_space<hbm>>)
    %dma_start3A_187 = arith.constant 448 : i32
    %dma_start3A_188 = tpu.memref_slice %arg5[%dma_start3A_187] : memref<1152xi32, #tpu.memory_space<vmem>> -> memref<64xi32, #tpu.memory_space<vmem>>
    %dma_start3A_189 = arith.constant 0 : i32
    %dma_start3A_190 = arith.constant 0 : i32
    %dma_start3A_191 = tpu.memref_slice %arg3[%dma_start3A_189, %dma_start3A_190] : memref<577x768xf32, #tpu.memory_space<hbm>> -> memref<577x768xf32, #tpu.memory_space<hbm>>
    tpu.enqueue_indirect_dma source(%dma_start3A_191 : memref<577x768xf32, #tpu.memory_space<hbm>>) target(%arg8 : memref<64x768xf32, #tpu.memory_space<vmem>>) offsets(%dma_start3A_188 : memref<64xi32, #tpu.memory_space<vmem>>) semaphore(%arg10 : memref<!tpu.dma_semaphore, #tpu.memory_space<semaphore_mem>>)
    %dma_wait3A_192 = arith.constant 384 : i32
    %dma_wait3A_193 = tpu.memref_slice %arg5[%dma_wait3A_192] : memref<1152xi32, #tpu.memory_space<vmem>> -> memref<64xi32, #tpu.memory_space<vmem>>
    %dma_wait3A_194 = arith.constant 0 : i32
    %dma_wait3A_195 = arith.constant 0 : i32
    %dma_wait3A_196 = tpu.memref_slice %arg3[%dma_wait3A_194, %dma_wait3A_195] : memref<577x768xf32, #tpu.memory_space<hbm>> -> memref<577x768xf32, #tpu.memory_space<hbm>>
    tpu.wait_indirect_dma semaphore(%arg9 : memref<!tpu.dma_semaphore, #tpu.memory_space<semaphore_mem>>) src(%dma_wait3A_196 : memref<577x768xf32, #tpu.memory_space<hbm>>) dst(%arg7 : memref<64x768xf32, #tpu.memory_space<vmem>>)
    %add3A_197 = arith.constant 7 : i32
    %add3A_198 = arith.addi %mul3A_2, %add3A_197 : i32
    %sub3A_199 = arith.constant 1 : i32
    %sub3A_200 = arith.subi %add3A_198, %sub3A_199 : i32
    %dma_start3A_201 = arith.constant 0 : i32
    %dma_start3A_202 = arith.constant 0 : i32
    %dma_start3A_203 = tpu.memref_slice %arg4[%sub3A_200, %dma_start3A_201, %dma_start3A_202] : memref<577x64x768xf32, #tpu.memory_space<hbm>> -> memref<1x64x768xf32, #tpu.memory_space<hbm>>
    %dma_start3A_204 = tpu.memref_squeeze %dma_start3A_203 : memref<1x64x768xf32, #tpu.memory_space<hbm>> -> memref<64x768xf32, #tpu.memory_space<hbm>>
    %dma_start3A_205 = arith.constant 0 : i32
    %dma_start3A_206 = arith.constant 0 : i32
    %dma_start3A_207 = tpu.memref_slice %arg4[%sub3A_200, %dma_start3A_205, %dma_start3A_206] : memref<577x64x768xf32, #tpu.memory_space<hbm>> -> memref<1x64x768xf32, #tpu.memory_space<hbm>>
    %dma_start3A_208 = tpu.memref_squeeze %dma_start3A_207 : memref<1x64x768xf32, #tpu.memory_space<hbm>> -> memref<64x768xf32, #tpu.memory_space<hbm>>
    tpu.enqueue_dma source(%arg7 : memref<64x768xf32, #tpu.memory_space<vmem>>) target(%dma_start3A_208 : memref<64x768xf32, #tpu.memory_space<hbm>>) target_semaphore(%arg11 : memref<!tpu.dma_semaphore, #tpu.memory_space<semaphore_mem>>)
    %dma_wait3A_209 = arith.constant 0 : i32
    %dma_wait3A_210 = arith.constant 0 : i32
    %dma_wait3A_211 = tpu.memref_slice %arg4[%sub3A_200, %dma_wait3A_209, %dma_wait3A_210] : memref<577x64x768xf32, #tpu.memory_space<hbm>> -> memref<1x64x768xf32, #tpu.memory_space<hbm>>
    %dma_wait3A_212 = tpu.memref_squeeze %dma_wait3A_211 : memref<1x64x768xf32, #tpu.memory_space<hbm>> -> memref<64x768xf32, #tpu.memory_space<hbm>>
    %dma_wait3A_213 = arith.constant 0 : i32
    %dma_wait3A_214 = arith.constant 0 : i32
    %dma_wait3A_215 = tpu.memref_slice %arg4[%sub3A_200, %dma_wait3A_213, %dma_wait3A_214] : memref<577x64x768xf32, #tpu.memory_space<hbm>> -> memref<1x64x768xf32, #tpu.memory_space<hbm>>
    %dma_wait3A_216 = tpu.memref_squeeze %dma_wait3A_215 : memref<1x64x768xf32, #tpu.memory_space<hbm>> -> memref<64x768xf32, #tpu.memory_space<hbm>>
    tpu.wait_dma2 semaphore(%arg11 : memref<!tpu.dma_semaphore, #tpu.memory_space<semaphore_mem>>) src(%arg7 : memref<64x768xf32, #tpu.memory_space<vmem>>) dst(%dma_wait3A_216 : memref<64x768xf32, #tpu.memory_space<hbm>>)
    %dma_start3A_217 = arith.constant 512 : i32
    %dma_start3A_218 = tpu.memref_slice %arg5[%dma_start3A_217] : memref<1152xi32, #tpu.memory_space<vmem>> -> memref<64xi32, #tpu.memory_space<vmem>>
    %dma_start3A_219 = arith.constant 0 : i32
    %dma_start3A_220 = arith.constant 0 : i32
    %dma_start3A_221 = tpu.memref_slice %arg3[%dma_start3A_219, %dma_start3A_220] : memref<577x768xf32, #tpu.memory_space<hbm>> -> memref<577x768xf32, #tpu.memory_space<hbm>>
    tpu.enqueue_indirect_dma source(%dma_start3A_221 : memref<577x768xf32, #tpu.memory_space<hbm>>) target(%arg7 : memref<64x768xf32, #tpu.memory_space<vmem>>) offsets(%dma_start3A_218 : memref<64xi32, #tpu.memory_space<vmem>>) semaphore(%arg9 : memref<!tpu.dma_semaphore, #tpu.memory_space<semaphore_mem>>)
    %dma_wait3A_222 = arith.constant 448 : i32
    %dma_wait3A_223 = tpu.memref_slice %arg5[%dma_wait3A_222] : memref<1152xi32, #tpu.memory_space<vmem>> -> memref<64xi32, #tpu.memory_space<vmem>>
    %dma_wait3A_224 = arith.constant 0 : i32
    %dma_wait3A_225 = arith.constant 0 : i32
    %dma_wait3A_226 = tpu.memref_slice %arg3[%dma_wait3A_224, %dma_wait3A_225] : memref<577x768xf32, #tpu.memory_space<hbm>> -> memref<577x768xf32, #tpu.memory_space<hbm>>
    tpu.wait_indirect_dma semaphore(%arg10 : memref<!tpu.dma_semaphore, #tpu.memory_space<semaphore_mem>>) src(%dma_wait3A_226 : memref<577x768xf32, #tpu.memory_space<hbm>>) dst(%arg8 : memref<64x768xf32, #tpu.memory_space<vmem>>)
    %add3A_227 = arith.constant 8 : i32
    %add3A_228 = arith.addi %mul3A_2, %add3A_227 : i32
    %sub3A_229 = arith.constant 1 : i32
    %sub3A_230 = arith.subi %add3A_228, %sub3A_229 : i32
    %dma_start3A_231 = arith.constant 0 : i32
    %dma_start3A_232 = arith.constant 0 : i32
    %dma_start3A_233 = tpu.memref_slice %arg4[%sub3A_230, %dma_start3A_231, %dma_start3A_232] : memref<577x64x768xf32, #tpu.memory_space<hbm>> -> memref<1x64x768xf32, #tpu.memory_space<hbm>>
    %dma_start3A_234 = tpu.memref_squeeze %dma_start3A_233 : memref<1x64x768xf32, #tpu.memory_space<hbm>> -> memref<64x768xf32, #tpu.memory_space<hbm>>
    %dma_start3A_235 = arith.constant 0 : i32
    %dma_start3A_236 = arith.constant 0 : i32
    %dma_start3A_237 = tpu.memref_slice %arg4[%sub3A_230, %dma_start3A_235, %dma_start3A_236] : memref<577x64x768xf32, #tpu.memory_space<hbm>> -> memref<1x64x768xf32, #tpu.memory_space<hbm>>
    %dma_start3A_238 = tpu.memref_squeeze %dma_start3A_237 : memref<1x64x768xf32, #tpu.memory_space<hbm>> -> memref<64x768xf32, #tpu.memory_space<hbm>>
    tpu.enqueue_dma source(%arg8 : memref<64x768xf32, #tpu.memory_space<vmem>>) target(%dma_start3A_238 : memref<64x768xf32, #tpu.memory_space<hbm>>) target_semaphore(%arg12 : memref<!tpu.dma_semaphore, #tpu.memory_space<semaphore_mem>>)
    %dma_wait3A_239 = arith.constant 0 : i32
    %dma_wait3A_240 = arith.constant 0 : i32
    %dma_wait3A_241 = tpu.memref_slice %arg4[%sub3A_230, %dma_wait3A_239, %dma_wait3A_240] : memref<577x64x768xf32, #tpu.memory_space<hbm>> -> memref<1x64x768xf32, #tpu.memory_space<hbm>>
    %dma_wait3A_242 = tpu.memref_squeeze %dma_wait3A_241 : memref<1x64x768xf32, #tpu.memory_space<hbm>> -> memref<64x768xf32, #tpu.memory_space<hbm>>
    %dma_wait3A_243 = arith.constant 0 : i32
    %dma_wait3A_244 = arith.constant 0 : i32
    %dma_wait3A_245 = tpu.memref_slice %arg4[%sub3A_230, %dma_wait3A_243, %dma_wait3A_244] : memref<577x64x768xf32, #tpu.memory_space<hbm>> -> memref<1x64x768xf32, #tpu.memory_space<hbm>>
    %dma_wait3A_246 = tpu.memref_squeeze %dma_wait3A_245 : memref<1x64x768xf32, #tpu.memory_space<hbm>> -> memref<64x768xf32, #tpu.memory_space<hbm>>
    tpu.wait_dma2 semaphore(%arg12 : memref<!tpu.dma_semaphore, #tpu.memory_space<semaphore_mem>>) src(%arg8 : memref<64x768xf32, #tpu.memory_space<vmem>>) dst(%dma_wait3A_246 : memref<64x768xf32, #tpu.memory_space<hbm>>)
    %dma_start3A_247 = arith.constant 576 : i32
    %dma_start3A_248 = tpu.memref_slice %arg5[%dma_start3A_247] : memref<1152xi32, #tpu.memory_space<vmem>> -> memref<64xi32, #tpu.memory_space<vmem>>
    %dma_start3A_249 = arith.constant 0 : i32
    %dma_start3A_250 = arith.constant 0 : i32
    %dma_start3A_251 = tpu.memref_slice %arg3[%dma_start3A_249, %dma_start3A_250] : memref<577x768xf32, #tpu.memory_space<hbm>> -> memref<577x768xf32, #tpu.memory_space<hbm>>
    tpu.enqueue_indirect_dma source(%dma_start3A_251 : memref<577x768xf32, #tpu.memory_space<hbm>>) target(%arg8 : memref<64x768xf32, #tpu.memory_space<vmem>>) offsets(%dma_start3A_248 : memref<64xi32, #tpu.memory_space<vmem>>) semaphore(%arg10 : memref<!tpu.dma_semaphore, #tpu.memory_space<semaphore_mem>>)
    %dma_wait3A_252 = arith.constant 512 : i32
    %dma_wait3A_253 = tpu.memref_slice %arg5[%dma_wait3A_252] : memref<1152xi32, #tpu.memory_space<vmem>> -> memref<64xi32, #tpu.memory_space<vmem>>
    %dma_wait3A_254 = arith.constant 0 : i32
    %dma_wait3A_255 = arith.constant 0 : i32
    %dma_wait3A_256 = tpu.memref_slice %arg3[%dma_wait3A_254, %dma_wait3A_255] : memref<577x768xf32, #tpu.memory_space<hbm>> -> memref<577x768xf32, #tpu.memory_space<hbm>>
    tpu.wait_indirect_dma semaphore(%arg9 : memref<!tpu.dma_semaphore, #tpu.memory_space<semaphore_mem>>) src(%dma_wait3A_256 : memref<577x768xf32, #tpu.memory_space<hbm>>) dst(%arg7 : memref<64x768xf32, #tpu.memory_space<vmem>>)
    %add3A_257 = arith.constant 9 : i32
    %add3A_258 = arith.addi %mul3A_2, %add3A_257 : i32
    %sub3A_259 = arith.constant 1 : i32
    %sub3A_260 = arith.subi %add3A_258, %sub3A_259 : i32
    %dma_start3A_261 = arith.constant 0 : i32
    %dma_start3A_262 = arith.constant 0 : i32
    %dma_start3A_263 = tpu.memref_slice %arg4[%sub3A_260, %dma_start3A_261, %dma_start3A_262] : memref<577x64x768xf32, #tpu.memory_space<hbm>> -> memref<1x64x768xf32, #tpu.memory_space<hbm>>
    %dma_start3A_264 = tpu.memref_squeeze %dma_start3A_263 : memref<1x64x768xf32, #tpu.memory_space<hbm>> -> memref<64x768xf32, #tpu.memory_space<hbm>>
    %dma_start3A_265 = arith.constant 0 : i32
    %dma_start3A_266 = arith.constant 0 : i32
    %dma_start3A_267 = tpu.memref_slice %arg4[%sub3A_260, %dma_start3A_265, %dma_start3A_266] : memref<577x64x768xf32, #tpu.memory_space<hbm>> -> memref<1x64x768xf32, #tpu.memory_space<hbm>>
    %dma_start3A_268 = tpu.memref_squeeze %dma_start3A_267 : memref<1x64x768xf32, #tpu.memory_space<hbm>> -> memref<64x768xf32, #tpu.memory_space<hbm>>
    tpu.enqueue_dma source(%arg7 : memref<64x768xf32, #tpu.memory_space<vmem>>) target(%dma_start3A_268 : memref<64x768xf32, #tpu.memory_space<hbm>>) target_semaphore(%arg11 : memref<!tpu.dma_semaphore, #tpu.memory_space<semaphore_mem>>)
    %dma_wait3A_269 = arith.constant 0 : i32
    %dma_wait3A_270 = arith.constant 0 : i32
    %dma_wait3A_271 = tpu.memref_slice %arg4[%sub3A_260, %dma_wait3A_269, %dma_wait3A_270] : memref<577x64x768xf32, #tpu.memory_space<hbm>> -> memref<1x64x768xf32, #tpu.memory_space<hbm>>
    %dma_wait3A_272 = tpu.memref_squeeze %dma_wait3A_271 : memref<1x64x768xf32, #tpu.memory_space<hbm>> -> memref<64x768xf32, #tpu.memory_space<hbm>>
    %dma_wait3A_273 = arith.constant 0 : i32
    %dma_wait3A_274 = arith.constant 0 : i32
    %dma_wait3A_275 = tpu.memref_slice %arg4[%sub3A_260, %dma_wait3A_273, %dma_wait3A_274] : memref<577x64x768xf32, #tpu.memory_space<hbm>> -> memref<1x64x768xf32, #tpu.memory_space<hbm>>
    %dma_wait3A_276 = tpu.memref_squeeze %dma_wait3A_275 : memref<1x64x768xf32, #tpu.memory_space<hbm>> -> memref<64x768xf32, #tpu.memory_space<hbm>>
    tpu.wait_dma2 semaphore(%arg11 : memref<!tpu.dma_semaphore, #tpu.memory_space<semaphore_mem>>) src(%arg7 : memref<64x768xf32, #tpu.memory_space<vmem>>) dst(%dma_wait3A_276 : memref<64x768xf32, #tpu.memory_space<hbm>>)
    %dma_start3A_277 = arith.constant 640 : i32
    %dma_start3A_278 = tpu.memref_slice %arg5[%dma_start3A_277] : memref<1152xi32, #tpu.memory_space<vmem>> -> memref<64xi32, #tpu.memory_space<vmem>>
    %dma_start3A_279 = arith.constant 0 : i32
    %dma_start3A_280 = arith.constant 0 : i32
    %dma_start3A_281 = tpu.memref_slice %arg3[%dma_start3A_279, %dma_start3A_280] : memref<577x768xf32, #tpu.memory_space<hbm>> -> memref<577x768xf32, #tpu.memory_space<hbm>>
    tpu.enqueue_indirect_dma source(%dma_start3A_281 : memref<577x768xf32, #tpu.memory_space<hbm>>) target(%arg7 : memref<64x768xf32, #tpu.memory_space<vmem>>) offsets(%dma_start3A_278 : memref<64xi32, #tpu.memory_space<vmem>>) semaphore(%arg9 : memref<!tpu.dma_semaphore, #tpu.memory_space<semaphore_mem>>)
    %dma_wait3A_282 = arith.constant 576 : i32
    %dma_wait3A_283 = tpu.memref_slice %arg5[%dma_wait3A_282] : memref<1152xi32, #tpu.memory_space<vmem>> -> memref<64xi32, #tpu.memory_space<vmem>>
    %dma_wait3A_284 = arith.constant 0 : i32
    %dma_wait3A_285 = arith.constant 0 : i32
    %dma_wait3A_286 = tpu.memref_slice %arg3[%dma_wait3A_284, %dma_wait3A_285] : memref<577x768xf32, #tpu.memory_space<hbm>> -> memref<577x768xf32, #tpu.memory_space<hbm>>
    tpu.wait_indirect_dma semaphore(%arg10 : memref<!tpu.dma_semaphore, #tpu.memory_space<semaphore_mem>>) src(%dma_wait3A_286 : memref<577x768xf32, #tpu.memory_space<hbm>>) dst(%arg8 : memref<64x768xf32, #tpu.memory_space<vmem>>)
    %add3A_287 = arith.constant 10 : i32
    %add3A_288 = arith.addi %mul3A_2, %add3A_287 : i32
    %sub3A_289 = arith.constant 1 : i32
    %sub3A_290 = arith.subi %add3A_288, %sub3A_289 : i32
    %dma_start3A_291 = arith.constant 0 : i32
    %dma_start3A_292 = arith.constant 0 : i32
    %dma_start3A_293 = tpu.memref_slice %arg4[%sub3A_290, %dma_start3A_291, %dma_start3A_292] : memref<577x64x768xf32, #tpu.memory_space<hbm>> -> memref<1x64x768xf32, #tpu.memory_space<hbm>>
    %dma_start3A_294 = tpu.memref_squeeze %dma_start3A_293 : memref<1x64x768xf32, #tpu.memory_space<hbm>> -> memref<64x768xf32, #tpu.memory_space<hbm>>
    %dma_start3A_295 = arith.constant 0 : i32
    %dma_start3A_296 = arith.constant 0 : i32
    %dma_start3A_297 = tpu.memref_slice %arg4[%sub3A_290, %dma_start3A_295, %dma_start3A_296] : memref<577x64x768xf32, #tpu.memory_space<hbm>> -> memref<1x64x768xf32, #tpu.memory_space<hbm>>
    %dma_start3A_298 = tpu.memref_squeeze %dma_start3A_297 : memref<1x64x768xf32, #tpu.memory_space<hbm>> -> memref<64x768xf32, #tpu.memory_space<hbm>>
    tpu.enqueue_dma source(%arg8 : memref<64x768xf32, #tpu.memory_space<vmem>>) target(%dma_start3A_298 : memref<64x768xf32, #tpu.memory_space<hbm>>) target_semaphore(%arg12 : memref<!tpu.dma_semaphore, #tpu.memory_space<semaphore_mem>>)
    %dma_wait3A_299 = arith.constant 0 : i32
    %dma_wait3A_300 = arith.constant 0 : i32
    %dma_wait3A_301 = tpu.memref_slice %arg4[%sub3A_290, %dma_wait3A_299, %dma_wait3A_300] : memref<577x64x768xf32, #tpu.memory_space<hbm>> -> memref<1x64x768xf32, #tpu.memory_space<hbm>>
    %dma_wait3A_302 = tpu.memref_squeeze %dma_wait3A_301 : memref<1x64x768xf32, #tpu.memory_space<hbm>> -> memref<64x768xf32, #tpu.memory_space<hbm>>
    %dma_wait3A_303 = arith.constant 0 : i32
    %dma_wait3A_304 = arith.constant 0 : i32
    %dma_wait3A_305 = tpu.memref_slice %arg4[%sub3A_290, %dma_wait3A_303, %dma_wait3A_304] : memref<577x64x768xf32, #tpu.memory_space<hbm>> -> memref<1x64x768xf32, #tpu.memory_space<hbm>>
    %dma_wait3A_306 = tpu.memref_squeeze %dma_wait3A_305 : memref<1x64x768xf32, #tpu.memory_space<hbm>> -> memref<64x768xf32, #tpu.memory_space<hbm>>
    tpu.wait_dma2 semaphore(%arg12 : memref<!tpu.dma_semaphore, #tpu.memory_space<semaphore_mem>>) src(%arg8 : memref<64x768xf32, #tpu.memory_space<vmem>>) dst(%dma_wait3A_306 : memref<64x768xf32, #tpu.memory_space<hbm>>)
    %dma_start3A_307 = arith.constant 704 : i32
    %dma_start3A_308 = tpu.memref_slice %arg5[%dma_start3A_307] : memref<1152xi32, #tpu.memory_space<vmem>> -> memref<64xi32, #tpu.memory_space<vmem>>
    %dma_start3A_309 = arith.constant 0 : i32
    %dma_start3A_310 = arith.constant 0 : i32
    %dma_start3A_311 = tpu.memref_slice %arg3[%dma_start3A_309, %dma_start3A_310] : memref<577x768xf32, #tpu.memory_space<hbm>> -> memref<577x768xf32, #tpu.memory_space<hbm>>
    tpu.enqueue_indirect_dma source(%dma_start3A_311 : memref<577x768xf32, #tpu.memory_space<hbm>>) target(%arg8 : memref<64x768xf32, #tpu.memory_space<vmem>>) offsets(%dma_start3A_308 : memref<64xi32, #tpu.memory_space<vmem>>) semaphore(%arg10 : memref<!tpu.dma_semaphore, #tpu.memory_space<semaphore_mem>>)
    %dma_wait3A_312 = arith.constant 640 : i32
    %dma_wait3A_313 = tpu.memref_slice %arg5[%dma_wait3A_312] : memref<1152xi32, #tpu.memory_space<vmem>> -> memref<64xi32, #tpu.memory_space<vmem>>
    %dma_wait3A_314 = arith.constant 0 : i32
    %dma_wait3A_315 = arith.constant 0 : i32
    %dma_wait3A_316 = tpu.memref_slice %arg3[%dma_wait3A_314, %dma_wait3A_315] : memref<577x768xf32, #tpu.memory_space<hbm>> -> memref<577x768xf32, #tpu.memory_space<hbm>>
    tpu.wait_indirect_dma semaphore(%arg9 : memref<!tpu.dma_semaphore, #tpu.memory_space<semaphore_mem>>) src(%dma_wait3A_316 : memref<577x768xf32, #tpu.memory_space<hbm>>) dst(%arg7 : memref<64x768xf32, #tpu.memory_space<vmem>>)
    %add3A_317 = arith.constant 11 : i32
    %add3A_318 = arith.addi %mul3A_2, %add3A_317 : i32
    %sub3A_319 = arith.constant 1 : i32
    %sub3A_320 = arith.subi %add3A_318, %sub3A_319 : i32
    %dma_start3A_321 = arith.constant 0 : i32
    %dma_start3A_322 = arith.constant 0 : i32
    %dma_start3A_323 = tpu.memref_slice %arg4[%sub3A_320, %dma_start3A_321, %dma_start3A_322] : memref<577x64x768xf32, #tpu.memory_space<hbm>> -> memref<1x64x768xf32, #tpu.memory_space<hbm>>
    %dma_start3A_324 = tpu.memref_squeeze %dma_start3A_323 : memref<1x64x768xf32, #tpu.memory_space<hbm>> -> memref<64x768xf32, #tpu.memory_space<hbm>>
    %dma_start3A_325 = arith.constant 0 : i32
    %dma_start3A_326 = arith.constant 0 : i32
    %dma_start3A_327 = tpu.memref_slice %arg4[%sub3A_320, %dma_start3A_325, %dma_start3A_326] : memref<577x64x768xf32, #tpu.memory_space<hbm>> -> memref<1x64x768xf32, #tpu.memory_space<hbm>>
    %dma_start3A_328 = tpu.memref_squeeze %dma_start3A_327 : memref<1x64x768xf32, #tpu.memory_space<hbm>> -> memref<64x768xf32, #tpu.memory_space<hbm>>
    tpu.enqueue_dma source(%arg7 : memref<64x768xf32, #tpu.memory_space<vmem>>) target(%dma_start3A_328 : memref<64x768xf32, #tpu.memory_space<hbm>>) target_semaphore(%arg11 : memref<!tpu.dma_semaphore, #tpu.memory_space<semaphore_mem>>)
    %dma_wait3A_329 = arith.constant 0 : i32
    %dma_wait3A_330 = arith.constant 0 : i32
    %dma_wait3A_331 = tpu.memref_slice %arg4[%sub3A_320, %dma_wait3A_329, %dma_wait3A_330] : memref<577x64x768xf32, #tpu.memory_space<hbm>> -> memref<1x64x768xf32, #tpu.memory_space<hbm>>
    %dma_wait3A_332 = tpu.memref_squeeze %dma_wait3A_331 : memref<1x64x768xf32, #tpu.memory_space<hbm>> -> memref<64x768xf32, #tpu.memory_space<hbm>>
    %dma_wait3A_333 = arith.constant 0 : i32
    %dma_wait3A_334 = arith.constant 0 : i32
    %dma_wait3A_335 = tpu.memref_slice %arg4[%sub3A_320, %dma_wait3A_333, %dma_wait3A_334] : memref<577x64x768xf32, #tpu.memory_space<hbm>> -> memref<1x64x768xf32, #tpu.memory_space<hbm>>
    %dma_wait3A_336 = tpu.memref_squeeze %dma_wait3A_335 : memref<1x64x768xf32, #tpu.memory_space<hbm>> -> memref<64x768xf32, #tpu.memory_space<hbm>>
    tpu.wait_dma2 semaphore(%arg11 : memref<!tpu.dma_semaphore, #tpu.memory_space<semaphore_mem>>) src(%arg7 : memref<64x768xf32, #tpu.memory_space<vmem>>) dst(%dma_wait3A_336 : memref<64x768xf32, #tpu.memory_space<hbm>>)
    %dma_start3A_337 = arith.constant 768 : i32
    %dma_start3A_338 = tpu.memref_slice %arg5[%dma_start3A_337] : memref<1152xi32, #tpu.memory_space<vmem>> -> memref<64xi32, #tpu.memory_space<vmem>>
    %dma_start3A_339 = arith.constant 0 : i32
    %dma_start3A_340 = arith.constant 0 : i32
    %dma_start3A_341 = tpu.memref_slice %arg3[%dma_start3A_339, %dma_start3A_340] : memref<577x768xf32, #tpu.memory_space<hbm>> -> memref<577x768xf32, #tpu.memory_space<hbm>>
    tpu.enqueue_indirect_dma source(%dma_start3A_341 : memref<577x768xf32, #tpu.memory_space<hbm>>) target(%arg7 : memref<64x768xf32, #tpu.memory_space<vmem>>) offsets(%dma_start3A_338 : memref<64xi32, #tpu.memory_space<vmem>>) semaphore(%arg9 : memref<!tpu.dma_semaphore, #tpu.memory_space<semaphore_mem>>)
    %dma_wait3A_342 = arith.constant 704 : i32
    %dma_wait3A_343 = tpu.memref_slice %arg5[%dma_wait3A_342] : memref<1152xi32, #tpu.memory_space<vmem>> -> memref<64xi32, #tpu.memory_space<vmem>>
    %dma_wait3A_344 = arith.constant 0 : i32
    %dma_wait3A_345 = arith.constant 0 : i32
    %dma_wait3A_346 = tpu.memref_slice %arg3[%dma_wait3A_344, %dma_wait3A_345] : memref<577x768xf32, #tpu.memory_space<hbm>> -> memref<577x768xf32, #tpu.memory_space<hbm>>
    tpu.wait_indirect_dma semaphore(%arg10 : memref<!tpu.dma_semaphore, #tpu.memory_space<semaphore_mem>>) src(%dma_wait3A_346 : memref<577x768xf32, #tpu.memory_space<hbm>>) dst(%arg8 : memref<64x768xf32, #tpu.memory_space<vmem>>)
    %add3A_347 = arith.constant 12 : i32
    %add3A_348 = arith.addi %mul3A_2, %add3A_347 : i32
    %sub3A_349 = arith.constant 1 : i32
    %sub3A_350 = arith.subi %add3A_348, %sub3A_349 : i32
    %dma_start3A_351 = arith.constant 0 : i32
    %dma_start3A_352 = arith.constant 0 : i32
    %dma_start3A_353 = tpu.memref_slice %arg4[%sub3A_350, %dma_start3A_351, %dma_start3A_352] : memref<577x64x768xf32, #tpu.memory_space<hbm>> -> memref<1x64x768xf32, #tpu.memory_space<hbm>>
    %dma_start3A_354 = tpu.memref_squeeze %dma_start3A_353 : memref<1x64x768xf32, #tpu.memory_space<hbm>> -> memref<64x768xf32, #tpu.memory_space<hbm>>
    %dma_start3A_355 = arith.constant 0 : i32
    %dma_start3A_356 = arith.constant 0 : i32
    %dma_start3A_357 = tpu.memref_slice %arg4[%sub3A_350, %dma_start3A_355, %dma_start3A_356] : memref<577x64x768xf32, #tpu.memory_space<hbm>> -> memref<1x64x768xf32, #tpu.memory_space<hbm>>
    %dma_start3A_358 = tpu.memref_squeeze %dma_start3A_357 : memref<1x64x768xf32, #tpu.memory_space<hbm>> -> memref<64x768xf32, #tpu.memory_space<hbm>>
    tpu.enqueue_dma source(%arg8 : memref<64x768xf32, #tpu.memory_space<vmem>>) target(%dma_start3A_358 : memref<64x768xf32, #tpu.memory_space<hbm>>) target_semaphore(%arg12 : memref<!tpu.dma_semaphore, #tpu.memory_space<semaphore_mem>>)
    %dma_wait3A_359 = arith.constant 0 : i32
    %dma_wait3A_360 = arith.constant 0 : i32
    %dma_wait3A_361 = tpu.memref_slice %arg4[%sub3A_350, %dma_wait3A_359, %dma_wait3A_360] : memref<577x64x768xf32, #tpu.memory_space<hbm>> -> memref<1x64x768xf32, #tpu.memory_space<hbm>>
    %dma_wait3A_362 = tpu.memref_squeeze %dma_wait3A_361 : memref<1x64x768xf32, #tpu.memory_space<hbm>> -> memref<64x768xf32, #tpu.memory_space<hbm>>
    %dma_wait3A_363 = arith.constant 0 : i32
    %dma_wait3A_364 = arith.constant 0 : i32
    %dma_wait3A_365 = tpu.memref_slice %arg4[%sub3A_350, %dma_wait3A_363, %dma_wait3A_364] : memref<577x64x768xf32, #tpu.memory_space<hbm>> -> memref<1x64x768xf32, #tpu.memory_space<hbm>>
    %dma_wait3A_366 = tpu.memref_squeeze %dma_wait3A_365 : memref<1x64x768xf32, #tpu.memory_space<hbm>> -> memref<64x768xf32, #tpu.memory_space<hbm>>
    tpu.wait_dma2 semaphore(%arg12 : memref<!tpu.dma_semaphore, #tpu.memory_space<semaphore_mem>>) src(%arg8 : memref<64x768xf32, #tpu.memory_space<vmem>>) dst(%dma_wait3A_366 : memref<64x768xf32, #tpu.memory_space<hbm>>)
    %dma_start3A_367 = arith.constant 832 : i32
    %dma_start3A_368 = tpu.memref_slice %arg5[%dma_start3A_367] : memref<1152xi32, #tpu.memory_space<vmem>> -> memref<64xi32, #tpu.memory_space<vmem>>
    %dma_start3A_369 = arith.constant 0 : i32
    %dma_start3A_370 = arith.constant 0 : i32
    %dma_start3A_371 = tpu.memref_slice %arg3[%dma_start3A_369, %dma_start3A_370] : memref<577x768xf32, #tpu.memory_space<hbm>> -> memref<577x768xf32, #tpu.memory_space<hbm>>
    tpu.enqueue_indirect_dma source(%dma_start3A_371 : memref<577x768xf32, #tpu.memory_space<hbm>>) target(%arg8 : memref<64x768xf32, #tpu.memory_space<vmem>>) offsets(%dma_start3A_368 : memref<64xi32, #tpu.memory_space<vmem>>) semaphore(%arg10 : memref<!tpu.dma_semaphore, #tpu.memory_space<semaphore_mem>>)
    %dma_wait3A_372 = arith.constant 768 : i32
    %dma_wait3A_373 = tpu.memref_slice %arg5[%dma_wait3A_372] : memref<1152xi32, #tpu.memory_space<vmem>> -> memref<64xi32, #tpu.memory_space<vmem>>
    %dma_wait3A_374 = arith.constant 0 : i32
    %dma_wait3A_375 = arith.constant 0 : i32
    %dma_wait3A_376 = tpu.memref_slice %arg3[%dma_wait3A_374, %dma_wait3A_375] : memref<577x768xf32, #tpu.memory_space<hbm>> -> memref<577x768xf32, #tpu.memory_space<hbm>>
    tpu.wait_indirect_dma semaphore(%arg9 : memref<!tpu.dma_semaphore, #tpu.memory_space<semaphore_mem>>) src(%dma_wait3A_376 : memref<577x768xf32, #tpu.memory_space<hbm>>) dst(%arg7 : memref<64x768xf32, #tpu.memory_space<vmem>>)
    %add3A_377 = arith.constant 13 : i32
    %add3A_378 = arith.addi %mul3A_2, %add3A_377 : i32
    %sub3A_379 = arith.constant 1 : i32
    %sub3A_380 = arith.subi %add3A_378, %sub3A_379 : i32
    %dma_start3A_381 = arith.constant 0 : i32
    %dma_start3A_382 = arith.constant 0 : i32
    %dma_start3A_383 = tpu.memref_slice %arg4[%sub3A_380, %dma_start3A_381, %dma_start3A_382] : memref<577x64x768xf32, #tpu.memory_space<hbm>> -> memref<1x64x768xf32, #tpu.memory_space<hbm>>
    %dma_start3A_384 = tpu.memref_squeeze %dma_start3A_383 : memref<1x64x768xf32, #tpu.memory_space<hbm>> -> memref<64x768xf32, #tpu.memory_space<hbm>>
    %dma_start3A_385 = arith.constant 0 : i32
    %dma_start3A_386 = arith.constant 0 : i32
    %dma_start3A_387 = tpu.memref_slice %arg4[%sub3A_380, %dma_start3A_385, %dma_start3A_386] : memref<577x64x768xf32, #tpu.memory_space<hbm>> -> memref<1x64x768xf32, #tpu.memory_space<hbm>>
    %dma_start3A_388 = tpu.memref_squeeze %dma_start3A_387 : memref<1x64x768xf32, #tpu.memory_space<hbm>> -> memref<64x768xf32, #tpu.memory_space<hbm>>
    tpu.enqueue_dma source(%arg7 : memref<64x768xf32, #tpu.memory_space<vmem>>) target(%dma_start3A_388 : memref<64x768xf32, #tpu.memory_space<hbm>>) target_semaphore(%arg11 : memref<!tpu.dma_semaphore, #tpu.memory_space<semaphore_mem>>)
    %dma_wait3A_389 = arith.constant 0 : i32
    %dma_wait3A_390 = arith.constant 0 : i32
    %dma_wait3A_391 = tpu.memref_slice %arg4[%sub3A_380, %dma_wait3A_389, %dma_wait3A_390] : memref<577x64x768xf32, #tpu.memory_space<hbm>> -> memref<1x64x768xf32, #tpu.memory_space<hbm>>
    %dma_wait3A_392 = tpu.memref_squeeze %dma_wait3A_391 : memref<1x64x768xf32, #tpu.memory_space<hbm>> -> memref<64x768xf32, #tpu.memory_space<hbm>>
    %dma_wait3A_393 = arith.constant 0 : i32
    %dma_wait3A_394 = arith.constant 0 : i32
    %dma_wait3A_395 = tpu.memref_slice %arg4[%sub3A_380, %dma_wait3A_393, %dma_wait3A_394] : memref<577x64x768xf32, #tpu.memory_space<hbm>> -> memref<1x64x768xf32, #tpu.memory_space<hbm>>
    %dma_wait3A_396 = tpu.memref_squeeze %dma_wait3A_395 : memref<1x64x768xf32, #tpu.memory_space<hbm>> -> memref<64x768xf32, #tpu.memory_space<hbm>>
    tpu.wait_dma2 semaphore(%arg11 : memref<!tpu.dma_semaphore, #tpu.memory_space<semaphore_mem>>) src(%arg7 : memref<64x768xf32, #tpu.memory_space<vmem>>) dst(%dma_wait3A_396 : memref<64x768xf32, #tpu.memory_space<hbm>>)
    %dma_start3A_397 = arith.constant 896 : i32
    %dma_start3A_398 = tpu.memref_slice %arg5[%dma_start3A_397] : memref<1152xi32, #tpu.memory_space<vmem>> -> memref<64xi32, #tpu.memory_space<vmem>>
    %dma_start3A_399 = arith.constant 0 : i32
    %dma_start3A_400 = arith.constant 0 : i32
    %dma_start3A_401 = tpu.memref_slice %arg3[%dma_start3A_399, %dma_start3A_400] : memref<577x768xf32, #tpu.memory_space<hbm>> -> memref<577x768xf32, #tpu.memory_space<hbm>>
    tpu.enqueue_indirect_dma source(%dma_start3A_401 : memref<577x768xf32, #tpu.memory_space<hbm>>) target(%arg7 : memref<64x768xf32, #tpu.memory_space<vmem>>) offsets(%dma_start3A_398 : memref<64xi32, #tpu.memory_space<vmem>>) semaphore(%arg9 : memref<!tpu.dma_semaphore, #tpu.memory_space<semaphore_mem>>)
    %dma_wait3A_402 = arith.constant 832 : i32
    %dma_wait3A_403 = tpu.memref_slice %arg5[%dma_wait3A_402] : memref<1152xi32, #tpu.memory_space<vmem>> -> memref<64xi32, #tpu.memory_space<vmem>>
    %dma_wait3A_404 = arith.constant 0 : i32
    %dma_wait3A_405 = arith.constant 0 : i32
    %dma_wait3A_406 = tpu.memref_slice %arg3[%dma_wait3A_404, %dma_wait3A_405] : memref<577x768xf32, #tpu.memory_space<hbm>> -> memref<577x768xf32, #tpu.memory_space<hbm>>
    tpu.wait_indirect_dma semaphore(%arg10 : memref<!tpu.dma_semaphore, #tpu.memory_space<semaphore_mem>>) src(%dma_wait3A_406 : memref<577x768xf32, #tpu.memory_space<hbm>>) dst(%arg8 : memref<64x768xf32, #tpu.memory_space<vmem>>)
    %add3A_407 = arith.constant 14 : i32
    %add3A_408 = arith.addi %mul3A_2, %add3A_407 : i32
    %sub3A_409 = arith.constant 1 : i32
    %sub3A_410 = arith.subi %add3A_408, %sub3A_409 : i32
    %dma_start3A_411 = arith.constant 0 : i32
    %dma_start3A_412 = arith.constant 0 : i32
    %dma_start3A_413 = tpu.memref_slice %arg4[%sub3A_410, %dma_start3A_411, %dma_start3A_412] : memref<577x64x768xf32, #tpu.memory_space<hbm>> -> memref<1x64x768xf32, #tpu.memory_space<hbm>>
    %dma_start3A_414 = tpu.memref_squeeze %dma_start3A_413 : memref<1x64x768xf32, #tpu.memory_space<hbm>> -> memref<64x768xf32, #tpu.memory_space<hbm>>
    %dma_start3A_415 = arith.constant 0 : i32
    %dma_start3A_416 = arith.constant 0 : i32
    %dma_start3A_417 = tpu.memref_slice %arg4[%sub3A_410, %dma_start3A_415, %dma_start3A_416] : memref<577x64x768xf32, #tpu.memory_space<hbm>> -> memref<1x64x768xf32, #tpu.memory_space<hbm>>
    %dma_start3A_418 = tpu.memref_squeeze %dma_start3A_417 : memref<1x64x768xf32, #tpu.memory_space<hbm>> -> memref<64x768xf32, #tpu.memory_space<hbm>>
    tpu.enqueue_dma source(%arg8 : memref<64x768xf32, #tpu.memory_space<vmem>>) target(%dma_start3A_418 : memref<64x768xf32, #tpu.memory_space<hbm>>) target_semaphore(%arg12 : memref<!tpu.dma_semaphore, #tpu.memory_space<semaphore_mem>>)
    %dma_wait3A_419 = arith.constant 0 : i32
    %dma_wait3A_420 = arith.constant 0 : i32
    %dma_wait3A_421 = tpu.memref_slice %arg4[%sub3A_410, %dma_wait3A_419, %dma_wait3A_420] : memref<577x64x768xf32, #tpu.memory_space<hbm>> -> memref<1x64x768xf32, #tpu.memory_space<hbm>>
    %dma_wait3A_422 = tpu.memref_squeeze %dma_wait3A_421 : memref<1x64x768xf32, #tpu.memory_space<hbm>> -> memref<64x768xf32, #tpu.memory_space<hbm>>
    %dma_wait3A_423 = arith.constant 0 : i32
    %dma_wait3A_424 = arith.constant 0 : i32
    %dma_wait3A_425 = tpu.memref_slice %arg4[%sub3A_410, %dma_wait3A_423, %dma_wait3A_424] : memref<577x64x768xf32, #tpu.memory_space<hbm>> -> memref<1x64x768xf32, #tpu.memory_space<hbm>>
    %dma_wait3A_426 = tpu.memref_squeeze %dma_wait3A_425 : memref<1x64x768xf32, #tpu.memory_space<hbm>> -> memref<64x768xf32, #tpu.memory_space<hbm>>
    tpu.wait_dma2 semaphore(%arg12 : memref<!tpu.dma_semaphore, #tpu.memory_space<semaphore_mem>>) src(%arg8 : memref<64x768xf32, #tpu.memory_space<vmem>>) dst(%dma_wait3A_426 : memref<64x768xf32, #tpu.memory_space<hbm>>)
    %dma_start3A_427 = arith.constant 960 : i32
    %dma_start3A_428 = tpu.memref_slice %arg5[%dma_start3A_427] : memref<1152xi32, #tpu.memory_space<vmem>> -> memref<64xi32, #tpu.memory_space<vmem>>
    %dma_start3A_429 = arith.constant 0 : i32
    %dma_start3A_430 = arith.constant 0 : i32
    %dma_start3A_431 = tpu.memref_slice %arg3[%dma_start3A_429, %dma_start3A_430] : memref<577x768xf32, #tpu.memory_space<hbm>> -> memref<577x768xf32, #tpu.memory_space<hbm>>
    tpu.enqueue_indirect_dma source(%dma_start3A_431 : memref<577x768xf32, #tpu.memory_space<hbm>>) target(%arg8 : memref<64x768xf32, #tpu.memory_space<vmem>>) offsets(%dma_start3A_428 : memref<64xi32, #tpu.memory_space<vmem>>) semaphore(%arg10 : memref<!tpu.dma_semaphore, #tpu.memory_space<semaphore_mem>>)
    %dma_wait3A_432 = arith.constant 896 : i32
    %dma_wait3A_433 = tpu.memref_slice %arg5[%dma_wait3A_432] : memref<1152xi32, #tpu.memory_space<vmem>> -> memref<64xi32, #tpu.memory_space<vmem>>
    %dma_wait3A_434 = arith.constant 0 : i32
    %dma_wait3A_435 = arith.constant 0 : i32
    %dma_wait3A_436 = tpu.memref_slice %arg3[%dma_wait3A_434, %dma_wait3A_435] : memref<577x768xf32, #tpu.memory_space<hbm>> -> memref<577x768xf32, #tpu.memory_space<hbm>>
    tpu.wait_indirect_dma semaphore(%arg9 : memref<!tpu.dma_semaphore, #tpu.memory_space<semaphore_mem>>) src(%dma_wait3A_436 : memref<577x768xf32, #tpu.memory_space<hbm>>) dst(%arg7 : memref<64x768xf32, #tpu.memory_space<vmem>>)
    %add3A_437 = arith.constant 15 : i32
    %add3A_438 = arith.addi %mul3A_2, %add3A_437 : i32
    %sub3A_439 = arith.constant 1 : i32
    %sub3A_440 = arith.subi %add3A_438, %sub3A_439 : i32
    %dma_start3A_441 = arith.constant 0 : i32
    %dma_start3A_442 = arith.constant 0 : i32
    %dma_start3A_443 = tpu.memref_slice %arg4[%sub3A_440, %dma_start3A_441, %dma_start3A_442] : memref<577x64x768xf32, #tpu.memory_space<hbm>> -> memref<1x64x768xf32, #tpu.memory_space<hbm>>
    %dma_start3A_444 = tpu.memref_squeeze %dma_start3A_443 : memref<1x64x768xf32, #tpu.memory_space<hbm>> -> memref<64x768xf32, #tpu.memory_space<hbm>>
    %dma_start3A_445 = arith.constant 0 : i32
    %dma_start3A_446 = arith.constant 0 : i32
    %dma_start3A_447 = tpu.memref_slice %arg4[%sub3A_440, %dma_start3A_445, %dma_start3A_446] : memref<577x64x768xf32, #tpu.memory_space<hbm>> -> memref<1x64x768xf32, #tpu.memory_space<hbm>>
    %dma_start3A_448 = tpu.memref_squeeze %dma_start3A_447 : memref<1x64x768xf32, #tpu.memory_space<hbm>> -> memref<64x768xf32, #tpu.memory_space<hbm>>
    tpu.enqueue_dma source(%arg7 : memref<64x768xf32, #tpu.memory_space<vmem>>) target(%dma_start3A_448 : memref<64x768xf32, #tpu.memory_space<hbm>>) target_semaphore(%arg11 : memref<!tpu.dma_semaphore, #tpu.memory_space<semaphore_mem>>)
    %dma_wait3A_449 = arith.constant 0 : i32
    %dma_wait3A_450 = arith.constant 0 : i32
    %dma_wait3A_451 = tpu.memref_slice %arg4[%sub3A_440, %dma_wait3A_449, %dma_wait3A_450] : memref<577x64x768xf32, #tpu.memory_space<hbm>> -> memref<1x64x768xf32, #tpu.memory_space<hbm>>
    %dma_wait3A_452 = tpu.memref_squeeze %dma_wait3A_451 : memref<1x64x768xf32, #tpu.memory_space<hbm>> -> memref<64x768xf32, #tpu.memory_space<hbm>>
    %dma_wait3A_453 = arith.constant 0 : i32
    %dma_wait3A_454 = arith.constant 0 : i32
    %dma_wait3A_455 = tpu.memref_slice %arg4[%sub3A_440, %dma_wait3A_453, %dma_wait3A_454] : memref<577x64x768xf32, #tpu.memory_space<hbm>> -> memref<1x64x768xf32, #tpu.memory_space<hbm>>
    %dma_wait3A_456 = tpu.memref_squeeze %dma_wait3A_455 : memref<1x64x768xf32, #tpu.memory_space<hbm>> -> memref<64x768xf32, #tpu.memory_space<hbm>>
    tpu.wait_dma2 semaphore(%arg11 : memref<!tpu.dma_semaphore, #tpu.memory_space<semaphore_mem>>) src(%arg7 : memref<64x768xf32, #tpu.memory_space<vmem>>) dst(%dma_wait3A_456 : memref<64x768xf32, #tpu.memory_space<hbm>>)
    %dma_start3A_457 = arith.constant 1024 : i32
    %dma_start3A_458 = tpu.memref_slice %arg5[%dma_start3A_457] : memref<1152xi32, #tpu.memory_space<vmem>> -> memref<64xi32, #tpu.memory_space<vmem>>
    %dma_start3A_459 = arith.constant 0 : i32
    %dma_start3A_460 = arith.constant 0 : i32
    %dma_start3A_461 = tpu.memref_slice %arg3[%dma_start3A_459, %dma_start3A_460] : memref<577x768xf32, #tpu.memory_space<hbm>> -> memref<577x768xf32, #tpu.memory_space<hbm>>
    tpu.enqueue_indirect_dma source(%dma_start3A_461 : memref<577x768xf32, #tpu.memory_space<hbm>>) target(%arg7 : memref<64x768xf32, #tpu.memory_space<vmem>>) offsets(%dma_start3A_458 : memref<64xi32, #tpu.memory_space<vmem>>) semaphore(%arg9 : memref<!tpu.dma_semaphore, #tpu.memory_space<semaphore_mem>>)
    %dma_wait3A_462 = arith.constant 960 : i32
    %dma_wait3A_463 = tpu.memref_slice %arg5[%dma_wait3A_462] : memref<1152xi32, #tpu.memory_space<vmem>> -> memref<64xi32, #tpu.memory_space<vmem>>
    %dma_wait3A_464 = arith.constant 0 : i32
    %dma_wait3A_465 = arith.constant 0 : i32
    %dma_wait3A_466 = tpu.memref_slice %arg3[%dma_wait3A_464, %dma_wait3A_465] : memref<577x768xf32, #tpu.memory_space<hbm>> -> memref<577x768xf32, #tpu.memory_space<hbm>>
    tpu.wait_indirect_dma semaphore(%arg10 : memref<!tpu.dma_semaphore, #tpu.memory_space<semaphore_mem>>) src(%dma_wait3A_466 : memref<577x768xf32, #tpu.memory_space<hbm>>) dst(%arg8 : memref<64x768xf32, #tpu.memory_space<vmem>>)
    %add3A_467 = arith.constant 16 : i32
    %add3A_468 = arith.addi %mul3A_2, %add3A_467 : i32
    %sub3A_469 = arith.constant 1 : i32
    %sub3A_470 = arith.subi %add3A_468, %sub3A_469 : i32
    %dma_start3A_471 = arith.constant 0 : i32
    %dma_start3A_472 = arith.constant 0 : i32
    %dma_start3A_473 = tpu.memref_slice %arg4[%sub3A_470, %dma_start3A_471, %dma_start3A_472] : memref<577x64x768xf32, #tpu.memory_space<hbm>> -> memref<1x64x768xf32, #tpu.memory_space<hbm>>
    %dma_start3A_474 = tpu.memref_squeeze %dma_start3A_473 : memref<1x64x768xf32, #tpu.memory_space<hbm>> -> memref<64x768xf32, #tpu.memory_space<hbm>>
    %dma_start3A_475 = arith.constant 0 : i32
    %dma_start3A_476 = arith.constant 0 : i32
    %dma_start3A_477 = tpu.memref_slice %arg4[%sub3A_470, %dma_start3A_475, %dma_start3A_476] : memref<577x64x768xf32, #tpu.memory_space<hbm>> -> memref<1x64x768xf32, #tpu.memory_space<hbm>>
    %dma_start3A_478 = tpu.memref_squeeze %dma_start3A_477 : memref<1x64x768xf32, #tpu.memory_space<hbm>> -> memref<64x768xf32, #tpu.memory_space<hbm>>
    tpu.enqueue_dma source(%arg8 : memref<64x768xf32, #tpu.memory_space<vmem>>) target(%dma_start3A_478 : memref<64x768xf32, #tpu.memory_space<hbm>>) target_semaphore(%arg12 : memref<!tpu.dma_semaphore, #tpu.memory_space<semaphore_mem>>)
    %dma_wait3A_479 = arith.constant 0 : i32
    %dma_wait3A_480 = arith.constant 0 : i32
    %dma_wait3A_481 = tpu.memref_slice %arg4[%sub3A_470, %dma_wait3A_479, %dma_wait3A_480] : memref<577x64x768xf32, #tpu.memory_space<hbm>> -> memref<1x64x768xf32, #tpu.memory_space<hbm>>
    %dma_wait3A_482 = tpu.memref_squeeze %dma_wait3A_481 : memref<1x64x768xf32, #tpu.memory_space<hbm>> -> memref<64x768xf32, #tpu.memory_space<hbm>>
    %dma_wait3A_483 = arith.constant 0 : i32
    %dma_wait3A_484 = arith.constant 0 : i32
    %dma_wait3A_485 = tpu.memref_slice %arg4[%sub3A_470, %dma_wait3A_483, %dma_wait3A_484] : memref<577x64x768xf32, #tpu.memory_space<hbm>> -> memref<1x64x768xf32, #tpu.memory_space<hbm>>
    %dma_wait3A_486 = tpu.memref_squeeze %dma_wait3A_485 : memref<1x64x768xf32, #tpu.memory_space<hbm>> -> memref<64x768xf32, #tpu.memory_space<hbm>>
    tpu.wait_dma2 semaphore(%arg12 : memref<!tpu.dma_semaphore, #tpu.memory_space<semaphore_mem>>) src(%arg8 : memref<64x768xf32, #tpu.memory_space<vmem>>) dst(%dma_wait3A_486 : memref<64x768xf32, #tpu.memory_space<hbm>>)
    %dma_start3A_487 = arith.constant 1088 : i32
    %dma_start3A_488 = tpu.memref_slice %arg5[%dma_start3A_487] : memref<1152xi32, #tpu.memory_space<vmem>> -> memref<64xi32, #tpu.memory_space<vmem>>
    %dma_start3A_489 = arith.constant 0 : i32
    %dma_start3A_490 = arith.constant 0 : i32
    %dma_start3A_491 = tpu.memref_slice %arg3[%dma_start3A_489, %dma_start3A_490] : memref<577x768xf32, #tpu.memory_space<hbm>> -> memref<577x768xf32, #tpu.memory_space<hbm>>
    tpu.enqueue_indirect_dma source(%dma_start3A_491 : memref<577x768xf32, #tpu.memory_space<hbm>>) target(%arg8 : memref<64x768xf32, #tpu.memory_space<vmem>>) offsets(%dma_start3A_488 : memref<64xi32, #tpu.memory_space<vmem>>) semaphore(%arg10 : memref<!tpu.dma_semaphore, #tpu.memory_space<semaphore_mem>>)
    %dma_wait3A_492 = arith.constant 1024 : i32
    %dma_wait3A_493 = tpu.memref_slice %arg5[%dma_wait3A_492] : memref<1152xi32, #tpu.memory_space<vmem>> -> memref<64xi32, #tpu.memory_space<vmem>>
    %dma_wait3A_494 = arith.constant 0 : i32
    %dma_wait3A_495 = arith.constant 0 : i32
    %dma_wait3A_496 = tpu.memref_slice %arg3[%dma_wait3A_494, %dma_wait3A_495] : memref<577x768xf32, #tpu.memory_space<hbm>> -> memref<577x768xf32, #tpu.memory_space<hbm>>
    tpu.wait_indirect_dma semaphore(%arg9 : memref<!tpu.dma_semaphore, #tpu.memory_space<semaphore_mem>>) src(%dma_wait3A_496 : memref<577x768xf32, #tpu.memory_space<hbm>>) dst(%arg7 : memref<64x768xf32, #tpu.memory_space<vmem>>)
    %add3A_497 = arith.constant 17 : i32
    %add3A_498 = arith.addi %mul3A_2, %add3A_497 : i32
    %sub3A_499 = arith.constant 1 : i32
    %sub3A_500 = arith.subi %add3A_498, %sub3A_499 : i32
    %dma_start3A_501 = arith.constant 0 : i32
    %dma_start3A_502 = arith.constant 0 : i32
    %dma_start3A_503 = tpu.memref_slice %arg4[%sub3A_500, %dma_start3A_501, %dma_start3A_502] : memref<577x64x768xf32, #tpu.memory_space<hbm>> -> memref<1x64x768xf32, #tpu.memory_space<hbm>>
    %dma_start3A_504 = tpu.memref_squeeze %dma_start3A_503 : memref<1x64x768xf32, #tpu.memory_space<hbm>> -> memref<64x768xf32, #tpu.memory_space<hbm>>
    %dma_start3A_505 = arith.constant 0 : i32
    %dma_start3A_506 = arith.constant 0 : i32
    %dma_start3A_507 = tpu.memref_slice %arg4[%sub3A_500, %dma_start3A_505, %dma_start3A_506] : memref<577x64x768xf32, #tpu.memory_space<hbm>> -> memref<1x64x768xf32, #tpu.memory_space<hbm>>
    %dma_start3A_508 = tpu.memref_squeeze %dma_start3A_507 : memref<1x64x768xf32, #tpu.memory_space<hbm>> -> memref<64x768xf32, #tpu.memory_space<hbm>>
    tpu.enqueue_dma source(%arg7 : memref<64x768xf32, #tpu.memory_space<vmem>>) target(%dma_start3A_508 : memref<64x768xf32, #tpu.memory_space<hbm>>) target_semaphore(%arg11 : memref<!tpu.dma_semaphore, #tpu.memory_space<semaphore_mem>>)
    %dma_wait3A_509 = arith.constant 1088 : i32
    %dma_wait3A_510 = tpu.memref_slice %arg5[%dma_wait3A_509] : memref<1152xi32, #tpu.memory_space<vmem>> -> memref<64xi32, #tpu.memory_space<vmem>>
    %dma_wait3A_511 = arith.constant 0 : i32
    %dma_wait3A_512 = arith.constant 0 : i32
    %dma_wait3A_513 = tpu.memref_slice %arg3[%dma_wait3A_511, %dma_wait3A_512] : memref<577x768xf32, #tpu.memory_space<hbm>> -> memref<577x768xf32, #tpu.memory_space<hbm>>
    tpu.wait_indirect_dma semaphore(%arg10 : memref<!tpu.dma_semaphore, #tpu.memory_space<semaphore_mem>>) src(%dma_wait3A_513 : memref<577x768xf32, #tpu.memory_space<hbm>>) dst(%arg8 : memref<64x768xf32, #tpu.memory_space<vmem>>)
    %add3A_514 = arith.constant 18 : i32
    %add3A_515 = arith.addi %mul3A_2, %add3A_514 : i32
    %sub3A_516 = arith.constant 1 : i32
    %sub3A_517 = arith.subi %add3A_515, %sub3A_516 : i32
    %dma_start3A_518 = arith.constant 0 : i32
    %dma_start3A_519 = arith.constant 0 : i32
    %dma_start3A_520 = tpu.memref_slice %arg4[%sub3A_517, %dma_start3A_518, %dma_start3A_519] : memref<577x64x768xf32, #tpu.memory_space<hbm>> -> memref<1x64x768xf32, #tpu.memory_space<hbm>>
    %dma_start3A_521 = tpu.memref_squeeze %dma_start3A_520 : memref<1x64x768xf32, #tpu.memory_space<hbm>> -> memref<64x768xf32, #tpu.memory_space<hbm>>
    %dma_start3A_522 = arith.constant 0 : i32
    %dma_start3A_523 = arith.constant 0 : i32
    %dma_start3A_524 = tpu.memref_slice %arg4[%sub3A_517, %dma_start3A_522, %dma_start3A_523] : memref<577x64x768xf32, #tpu.memory_space<hbm>> -> memref<1x64x768xf32, #tpu.memory_space<hbm>>
    %dma_start3A_525 = tpu.memref_squeeze %dma_start3A_524 : memref<1x64x768xf32, #tpu.memory_space<hbm>> -> memref<64x768xf32, #tpu.memory_space<hbm>>
    tpu.enqueue_dma source(%arg8 : memref<64x768xf32, #tpu.memory_space<vmem>>) target(%dma_start3A_525 : memref<64x768xf32, #tpu.memory_space<hbm>>) target_semaphore(%arg12 : memref<!tpu.dma_semaphore, #tpu.memory_space<semaphore_mem>>)
    %dma_wait3A_526 = arith.constant 0 : i32
    %dma_wait3A_527 = arith.constant 0 : i32
    %dma_wait3A_528 = tpu.memref_slice %arg4[%sub3A_500, %dma_wait3A_526, %dma_wait3A_527] : memref<577x64x768xf32, #tpu.memory_space<hbm>> -> memref<1x64x768xf32, #tpu.memory_space<hbm>>
    %dma_wait3A_529 = tpu.memref_squeeze %dma_wait3A_528 : memref<1x64x768xf32, #tpu.memory_space<hbm>> -> memref<64x768xf32, #tpu.memory_space<hbm>>
    %dma_wait3A_530 = arith.constant 0 : i32
    %dma_wait3A_531 = arith.constant 0 : i32
    %dma_wait3A_532 = tpu.memref_slice %arg4[%sub3A_500, %dma_wait3A_530, %dma_wait3A_531] : memref<577x64x768xf32, #tpu.memory_space<hbm>> -> memref<1x64x768xf32, #tpu.memory_space<hbm>>
    %dma_wait3A_533 = tpu.memref_squeeze %dma_wait3A_532 : memref<1x64x768xf32, #tpu.memory_space<hbm>> -> memref<64x768xf32, #tpu.memory_space<hbm>>
    tpu.wait_dma2 semaphore(%arg11 : memref<!tpu.dma_semaphore, #tpu.memory_space<semaphore_mem>>) src(%arg7 : memref<64x768xf32, #tpu.memory_space<vmem>>) dst(%dma_wait3A_533 : memref<64x768xf32, #tpu.memory_space<hbm>>)
    %eq3A = arith.constant 31 : i32
    %eq3A_534 = arith.cmpi eq, %add3A, %eq3A : i32
    %convert_element_type3A = arith.extui %eq3A_534 : i1 to i32
    %cond3A = arith.constant 0 : i32
    %cond3A_535 = arith.cmpi ne, %convert_element_type3A, %cond3A : i32
    scf.if %cond3A_535 {
      "tpu.region"() ({
        %run_scoped3A_550 = tpu.sem_alloc : memref<!tpu.dma_semaphore, #tpu.memory_space<semaphore_mem>>
        %dma_start3A_551 = arith.constant 36864 : i32
        %dma_start3A_552 = tpu.memref_slice %arg2[%dma_start3A_551] : memref<36928xi32, #tpu.memory_space<hbm>> -> memref<64xi32, #tpu.memory_space<hbm>>
        %dma_start3A_553 = arith.constant 36864 : i32
        %dma_start3A_554 = tpu.memref_slice %arg2[%dma_start3A_553] : memref<36928xi32, #tpu.memory_space<hbm>> -> memref<64xi32, #tpu.memory_space<hbm>>
        tpu.enqueue_dma source(%dma_start3A_554 : memref<64xi32, #tpu.memory_space<hbm>>) target(%arg6 : memref<64xi32, #tpu.memory_space<vmem>>) target_semaphore(%run_scoped3A_550 : memref<!tpu.dma_semaphore, #tpu.memory_space<semaphore_mem>>)
        %dma_wait3A_555 = arith.constant 36864 : i32
        %dma_wait3A_556 = tpu.memref_slice %arg2[%dma_wait3A_555] : memref<36928xi32, #tpu.memory_space<hbm>> -> memref<64xi32, #tpu.memory_space<hbm>>
        %dma_wait3A_557 = arith.constant 36864 : i32
        %dma_wait3A_558 = tpu.memref_slice %arg2[%dma_wait3A_557] : memref<36928xi32, #tpu.memory_space<hbm>> -> memref<64xi32, #tpu.memory_space<hbm>>
        tpu.wait_dma2 semaphore(%run_scoped3A_550 : memref<!tpu.dma_semaphore, #tpu.memory_space<semaphore_mem>>) src(%dma_wait3A_558 : memref<64xi32, #tpu.memory_space<hbm>>) dst(%arg6 : memref<64xi32, #tpu.memory_space<vmem>>)
        tpu.yield
      }) : () -> ()
      %dma_start3A_544 = arith.constant 0 : i32
      %dma_start3A_545 = arith.constant 0 : i32
      %dma_start3A_546 = tpu.memref_slice %arg3[%dma_start3A_544, %dma_start3A_545] : memref<577x768xf32, #tpu.memory_space<hbm>> -> memref<577x768xf32, #tpu.memory_space<hbm>>
      tpu.enqueue_indirect_dma source(%dma_start3A_546 : memref<577x768xf32, #tpu.memory_space<hbm>>) target(%arg7 : memref<64x768xf32, #tpu.memory_space<vmem>>) offsets(%arg6 : memref<64xi32, #tpu.memory_space<vmem>>) semaphore(%arg9 : memref<!tpu.dma_semaphore, #tpu.memory_space<semaphore_mem>>)
      %dma_wait3A_547 = arith.constant 0 : i32
      %dma_wait3A_548 = arith.constant 0 : i32
      %dma_wait3A_549 = tpu.memref_slice %arg3[%dma_wait3A_547, %dma_wait3A_548] : memref<577x768xf32, #tpu.memory_space<hbm>> -> memref<577x768xf32, #tpu.memory_space<hbm>>
      tpu.wait_indirect_dma semaphore(%arg9 : memref<!tpu.dma_semaphore, #tpu.memory_space<semaphore_mem>>) src(%dma_wait3A_549 : memref<577x768xf32, #tpu.memory_space<hbm>>) dst(%arg7 : memref<64x768xf32, #tpu.memory_space<vmem>>)
      %run_scoped3A = arith.constant 576 : i32
      "tpu.region"() ({
        %run_scoped3A_550 = tpu.sem_alloc : memref<!tpu.dma_semaphore, #tpu.memory_space<semaphore_mem>>
        %dma_start3A_551 = arith.constant 0 : i32
        %dma_start3A_552 = arith.constant 0 : i32
        %dma_start3A_553 = tpu.memref_slice %arg4[%run_scoped3A, %dma_start3A_551, %dma_start3A_552] : memref<577x64x768xf32, #tpu.memory_space<hbm>> -> memref<1x64x768xf32, #tpu.memory_space<hbm>>
        %dma_start3A_554 = tpu.memref_squeeze %dma_start3A_553 : memref<1x64x768xf32, #tpu.memory_space<hbm>> -> memref<64x768xf32, #tpu.memory_space<hbm>>
        %dma_start3A_555 = arith.constant 0 : i32
        %dma_start3A_556 = arith.constant 0 : i32
        %dma_start3A_557 = tpu.memref_slice %arg4[%run_scoped3A, %dma_start3A_555, %dma_start3A_556] : memref<577x64x768xf32, #tpu.memory_space<hbm>> -> memref<1x64x768xf32, #tpu.memory_space<hbm>>
        %dma_start3A_558 = tpu.memref_squeeze %dma_start3A_557 : memref<1x64x768xf32, #tpu.memory_space<hbm>> -> memref<64x768xf32, #tpu.memory_space<hbm>>
        tpu.enqueue_dma source(%arg7 : memref<64x768xf32, #tpu.memory_space<vmem>>) target(%dma_start3A_558 : memref<64x768xf32, #tpu.memory_space<hbm>>) target_semaphore(%run_scoped3A_550 : memref<!tpu.dma_semaphore, #tpu.memory_space<semaphore_mem>>)
        %dma_wait3A_559 = arith.constant 0 : i32
        %dma_wait3A_560 = arith.constant 0 : i32
        %dma_wait3A_561 = tpu.memref_slice %arg4[%run_scoped3A, %dma_wait3A_559, %dma_wait3A_560] : memref<577x64x768xf32, #tpu.memory_space<hbm>> -> memref<1x64x768xf32, #tpu.memory_space<hbm>>
        %dma_wait3A_562 = tpu.memref_squeeze %dma_wait3A_561 : memref<1x64x768xf32, #tpu.memory_space<hbm>> -> memref<64x768xf32, #tpu.memory_space<hbm>>
        %dma_wait3A_563 = arith.constant 0 : i32
        %dma_wait3A_564 = arith.constant 0 : i32
        %dma_wait3A_565 = tpu.memref_slice %arg4[%run_scoped3A, %dma_wait3A_563, %dma_wait3A_564] : memref<577x64x768xf32, #tpu.memory_space<hbm>> -> memref<1x64x768xf32, #tpu.memory_space<hbm>>
        %dma_wait3A_566 = tpu.memref_squeeze %dma_wait3A_565 : memref<1x64x768xf32, #tpu.memory_space<hbm>> -> memref<64x768xf32, #tpu.memory_space<hbm>>
        tpu.wait_dma2 semaphore(%run_scoped3A_550 : memref<!tpu.dma_semaphore, #tpu.memory_space<semaphore_mem>>) src(%arg7 : memref<64x768xf32, #tpu.memory_space<vmem>>) dst(%dma_wait3A_566 : memref<64x768xf32, #tpu.memory_space<hbm>>)
        tpu.yield
      }) : () -> ()
    } else {
    }
    %dma_wait3A_536 = arith.constant 0 : i32
    %dma_wait3A_537 = arith.constant 0 : i32
    %dma_wait3A_538 = tpu.memref_slice %arg4[%sub3A_517, %dma_wait3A_536, %dma_wait3A_537] : memref<577x64x768xf32, #tpu.memory_space<hbm>> -> memref<1x64x768xf32, #tpu.memory_space<hbm>>
    %dma_wait3A_539 = tpu.memref_squeeze %dma_wait3A_538 : memref<1x64x768xf32, #tpu.memory_space<hbm>> -> memref<64x768xf32, #tpu.memory_space<hbm>>
    %dma_wait3A_540 = arith.constant 0 : i32
    %dma_wait3A_541 = arith.constant 0 : i32
    %dma_wait3A_542 = tpu.memref_slice %arg4[%sub3A_517, %dma_wait3A_540, %dma_wait3A_541] : memref<577x64x768xf32, #tpu.memory_space<hbm>> -> memref<1x64x768xf32, #tpu.memory_space<hbm>>
    %dma_wait3A_543 = tpu.memref_squeeze %dma_wait3A_542 : memref<1x64x768xf32, #tpu.memory_space<hbm>> -> memref<64x768xf32, #tpu.memory_space<hbm>>
    tpu.wait_dma2 semaphore(%arg12 : memref<!tpu.dma_semaphore, #tpu.memory_space<semaphore_mem>>) src(%arg8 : memref<64x768xf32, #tpu.memory_space<vmem>>) dst(%dma_wait3A_543 : memref<64x768xf32, #tpu.memory_space<hbm>>)
    return
  }
}

</mosaic_0001>

<sc_bundles>
// kernel: kernel.3.cloned.1.call-start
scs
__scs_entry_jumppad:
0x0: {  	(pc) =	sbr.rel $0x88, $3  }
0x1: {  	(tag) =	ssettag $0x0;
	lr =	simm.s32 $0x1  }
0x2: {  	[smem:$0x3F9F] =	sst lr;
	_ =	strace $0xD0000000  }
0x3: {  	_ = 	snop  }
0x4: {  	_ = 	snop  }
0x5: {  	_ = 	snop  }
0x6: {  	_ = 	snop  }
0x7: {  	_ = 	snop  }
__scs_overlays_trampoline_lowered:
0x8: {  	[smem:$0x3FAE] =	sst s0  }
0x9: {  	[smem:$0x3FAF] =	sst s1  }
0xa: {  	[smem:$0x3FB0] =	sst s2  }
0xb: {  	[smem:$0x3FB1] =	sst s3  }
0xc: {  	[smem:$0x3FB2] =	sst s4  }
0xd: {  	[smem:$0x3FB3] =	sst s5  }
0xe: {  	[smem:$0x3FB4] =	sst s6  }
0xf: {  	[smem:$0x3FB5] =	sst s7  }
0x10: {  	[smem:$0x3FB6] =	sst s8  }
0x11: {  	[smem:$0x3FB7] =	sst s9;
	s0 =	simm.s32 @!p0 $0x0  }
0x12: {  	s1 =	sld [smem:$0x3F9D];
	s0 =	simm.s32 @p0 $0x1  }
0x13: {  	[smem:$0x3FB8] =	sst s0;
	s0 =	simm.s32 @!p1 $0x0  }
0x14: {  	s2 =	sld [smem:$0x3F9C];
	s0 =	simm.s32 @p1 $0x1  }
0x15: {  	[smem:$0x3FB9] =	sst s0;
	s0 =	simm.s32 @!p2 $0x0  }
0x16: {  	s3 =	sld [smem:$0x3FDB];
	s0 =	simm.s32 @p2 $0x1  }
0x17: {  	s4 =	simm.s32 $0x1BF5;
	[smem:$0x3FBB] =	sst s0  }
0x18: {  	s0 =	sld [smem:$0x3F9E];
	_ =	swait.ge [sflag:s4], $0x0  }
0x19: {  	s7 =	sld [smem:$0x3F9F]  }
0x1a: {  	s8 =	sadd.s32 $0xFFFFE003, lr  }
0x1b: {  	s9 =	sadd.s32 $0xFFFFFEF7, lr;
	s5 =	simm.s32 $0xFFFFFFFF;
	p2 =	slt.u32 s8, $0xFFFFF086  }
0x1c: {  	p1 =	slt.u32 s9, $0xF7A;
	s5 =	simm.s32 @!p2 $0x0  }
0x1d: {  	s5 =	simm.s32 @p1 $0x1;
	p0 =	seq.s32 s7, s2  }
0x1e: {  	s7 =	smul.u32 @!p0 $0xF7A, s2;
	p2 =	seq.s32 @!p0 s5, $0x0  }
0x1f: {  	s9 =	smul.u32 $0xF7A, s1;
	s8 =	simm.s32 @!p0 $0x1BF5;
	p2 =	por !p2, p0  }
0x20: {  	[sflag:s8] =	ssyncset.s32 @!p0 $0xFFFFF086;
	s6 =	sadd.s32 @!p0 s3, s7;
	s7 =	simm.s32 @!p0 $0x108  }
0x21: {  	s3 =	sadd.s32 s3, s9;
	s6 =	sadd.s32 @!p0 $0x88, s6;
	s7 =	simm.s32 @p2 $0x1082  }
0x22: {  	[simem:s7], [sflag:s8] =	dma.local @!p0 [hbm:s6], $0xF7A  }
0x23: {  	s9 =	sor.u32 $0xD0000000, s2;
	s6 =	simm.s32 $0x108;
	_ =	swait.ge @!p0 [sflag:s8], $0x0  }
0x24: {  	s3 =	sadd.s32 $0x88, s3;
	s6 =	simm.s32 @!p1 $0x1082;
	[sflag:s4] =	ssyncset.s32 $0xFFFFF086  }
0x25: {  	[simem:s6], [sflag:s4] =	dma.local [hbm:s3], $0xF7A  }
0x26: {  	[smem:$0x3F9F] =	sst s1;
	(tag) =	ssettag s2;
	_ =	strace s9  }
0x27: {  	s1 =	sld [smem:$0x3FAF]  }
0x28: {  	s2 =	sld [smem:$0x3FB0]  }
0x29: {  	s4 =	sld [smem:$0x3FB2]  }
0x2a: {  	p0 =	seq.s32 s5, $0x0;
	s5 =	sld [smem:$0x3FB3]  }
0x2b: {  	s6 =	sld [smem:$0x3FB4]  }
0x2c: {  	s7 =	sld [smem:$0x3FB5]  }
0x2d: {  	s3 =	simm.s32 $0x108;
	s8 =	sld [smem:$0x3FB6]  }
0x2e: {  	s3 =	simm.s32 @!p0 $0x1082;
	s9 =	sld [smem:$0x3FB7]  }
0x2f: {  	lr =	sadd.s32 s0, s3;
	s0 =	sld [smem:$0x3FAE]  }
0x30: {  	s3 =	sld [smem:$0x3FB1]  }
0x31: {  	[smem:$0x3FBA] =	sst s10  }
0x32: {  	s10 =	sld [smem:$0x3FB8];
	_ =	sdelay $0x3  }
0x33: {  	p0 =	seq.s32 s10, $0x1;
	s10 =	sld [smem:$0x3FBA];
	_ =	sdelay $0x3  }
0x34: {  	[smem:$0x3FBA] =	sst s10  }
0x35: {  	s10 =	sld [smem:$0x3FB9];
	_ =	sdelay $0x3  }
0x36: {  	p1 =	seq.s32 s10, $0x1;
	s10 =	sld [smem:$0x3FBA];
	_ =	sdelay $0x3  }
0x37: {  	[smem:$0x3FBA] =	sst s10  }
0x38: {  	s10 =	sld [smem:$0x3FBB]  }
0x39: {  	_ = 	snop;
	(pc) =	sbr.ind lr, $3  }
0x3a: {  	_ = 	snop  }
0x3b: {  	_ = 	snop  }
0x3c: {  	p2 =	seq.s32 s10, $0x1;
	s10 =	sld [smem:$0x3FBA]  }
0x3d: {  	_ =	shalt  }
0x3e: {  	_ =	shalt  }
0x3f: {  	_ =	shalt  }
0x40: {  	_ =	shalt  }
0x41: {  	_ =	shalt  }
0x42: {  	_ =	shalt  }
0x43: {  	_ =	shalt  }
0x44: {  	_ =	shalt  }
0x45: {  	_ =	shalt  }
0x46: {  	_ =	shalt  }
0x47: {  	_ =	shalt  }
0x48: {  	_ =	shalt  }
0x49: {  	_ =	shalt  }
0x4a: {  	_ =	shalt  }
0x4b: {  	_ =	shalt  }
0x4c: {  	_ =	shalt  }
0x4d: {  	_ =	shalt  }
0x4e: {  	_ =	shalt  }
0x4f: {  	_ =	shalt  }
0x50: {  	_ =	shalt  }
0x51: {  	_ =	shalt  }
0x52: {  	_ =	shalt  }
0x53: {  	_ =	shalt  }
0x54: {  	_ =	shalt  }
0x55: {  	_ =	shalt  }
0x56: {  	_ =	shalt  }
0x57: {  	_ =	shalt  }
0x58: {  	_ =	shalt  }
0x59: {  	_ =	shalt  }
0x5a: {  	_ =	shalt  }
0x5b: {  	_ =	shalt  }
0x5c: {  	_ =	shalt  }
0x5d: {  	_ =	shalt  }
0x5e: {  	_ =	shalt  }
0x5f: {  	_ =	shalt  }
0x60: {  	_ =	shalt  }
0x61: {  	_ =	shalt  }
0x62: {  	_ =	shalt  }
0x63: {  	_ =	shalt  }
0x64: {  	_ =	shalt  }
0x65: {  	_ =	shalt  }
0x66: {  	_ =	shalt  }
0x67: {  	_ =	shalt  }
0x68: {  	_ =	shalt  }
0x69: {  	_ =	shalt  }
0x6a: {  	_ =	shalt  }
0x6b: {  	_ =	shalt  }
0x6c: {  	_ =	shalt  }
0x6d: {  	_ =	shalt  }
0x6e: {  	_ =	shalt  }
0x6f: {  	_ =	shalt  }
0x70: {  	_ =	shalt  }
0x71: {  	_ =	shalt  }
0x72: {  	_ =	shalt  }
0x73: {  	_ =	shalt  }
0x74: {  	_ =	shalt  }
0x75: {  	_ =	shalt  }
0x76: {  	_ =	shalt  }
0x77: {  	_ =	shalt  }
0x78: {  	_ =	shalt  }
0x79: {  	_ =	shalt  }
0x7a: {  	_ =	shalt  }
0x7b: {  	_ =	shalt  }
0x7c: {  	_ =	shalt  }
0x7d: {  	_ =	shalt  }
0x7e: {  	_ =	shalt  }
0x7f: {  	_ =	shalt  }
0x80: {  	_ =	shalt  }
0x81: {  	_ =	shalt  }
0x82: {  	_ =	shalt  }
0x83: {  	_ =	shalt  }
0x84: {  	_ =	shalt  }
0x85: {  	_ =	shalt  }
0x86: {  	_ =	shalt  }
0x87: {  	_ =	shalt  }
.Lfunc_end0:
.L_simem_size_0:
called_computation_lowered:
.L_overlay_start_0:
0x88: {  	s2 =	sld [smem:$0x3FD9]  }
0x89: {  	s3 =	sld [smem:$0x3FFE];
	_ =	sdelay $0x1  }
0x8a: {  	s1 =	srdreg.scid  }
0x8b: {  	s0 =	sand.u32 $0x1, s1  }
0x8c: {  	s17 =	sshll.u32 s0, $0xA;
	s2 =	sadd.s32 s3, s2  }
0x8d: {  	s2 =	sadd.s32 s2, s17  }
0x8e: {  	[smem:$0x3FC6] =	sst s2  }
0x8f: {  	_ = 	snop  }
0x90: {  	s2 =	sld [smem:$0x3FC8]  }
0x91: {  	s18 =	sld [smem:$0x3FD0];
	(tm) =	ssettm $0x1  }
0x92: {  	s4 =	sld [smem:$0x3FFB];
	_ =	sdelay $0x3  }
0x93: {  	_ =	strace s4  }
0x94: {  	s4 =	sld [smem:$0x3FFC];
	_ =	sdelay $0x3  }
0x95: {  	_ =	strace s4  }
0x96: {  	s4 =	sld [smem:$0x3FFD];
	_ =	sdelay $0x3  }
0x97: {  	_ =	strace s4  }
0x98: {  	_ =	strace $0x8FFFFFFF  }
0x99: {  	s19 =	sld [smem:$0x3FDB];
	_ =	sdelay $0x1  }
0x9a: {  	s5 =	simm.s32 $_scs_section_size  }
0x9b: {  	s6 =	simm.s32 $_size__tile_overlayer_lowered;
	s7 =	simm.s32 $_tile_overlayer_lowered  }
0x9c: {  	s22 =	simm.s32 $0x1BFF;
	s21 =	sshll.u32 s7, $0x1;
	s4 =	sadd.s32 s5, s19  }
0x9d: {  	s8 =	simm.s32 $0x0;
	s20 =	sshll.u32 s6, $0x1;
	s6 =	sadd.s32 s21, s4  }
0x9e: {  	[timem:s8], [sflag:s22] =	dma.local [hbm:s6], s20  }
0x9f: {  	_ =	swait.ge [sflag:s22], s20  }
0xa0: {  	s5 =	ssub.s32 $0x0, s20;
	[sflag:s22] =	ssyncset.done $0x0  }
0xa1: {  	[sflag:s22] =	ssyncadd.s32 s5;
	_ =	sdelay $0x1  }
0xa2: {  	s23 =	simm.s32 $0x1B8B  }
0xa3: {  	_ =	swait.ge [sflag:s23], $0x1  }
0xa4: {  	[sflag:s23] =	ssyncset.done $0x0  }
0xa5: {  	s25 =	simm.s32 $0x1B8E;
	s24 =	sld [smem:$0x3FFE];
	[sflag:s23] =	ssyncadd.s32 $0xFFFFFFFF  }
0xa6: {  	s26 =	simm.s32 $execute0_lowered;
	[smem:$0x3FD2] =	sst s25  }
0xa7: {  	s6 =	sshll.u32 s26, $0x1;
	_ =	strace $0x80000046;
	[dreg:$0x1] =	wrdreg $0xFFFFFFFF  }
0xa8: {  	s28 =	simm.s32 $_size_execute0_lowered;
	s4 =	sadd.s32 s4, s6;
	[dreg:$0x0] =	wrdreg $0x0  }
0xa9: {  	s6 =	sshll.u32 s28, $0x1;
	[dreg:$0x2] =	wrdreg s4  }
0xaa: {  	[dreg:$0x3] =	wrdreg s6  }
0xab: {  	[dreg:$0x4] =	wrdreg $0xC0  }
0xac: {  	_ =	task [dreg:s8], $0x5FFFF  }
0xad: {  	[dreg:$0x1] =	wrdreg $0xFFFFFFFF  }
0xae: {  	[dreg:$0x0] =	wrdreg $0x60  }
0xaf: {  	[dreg:$0x2] =	wrdreg s24  }
0xb0: {  	[dreg:$0x3] =	wrdreg s2  }
0xb1: {  	[dreg:$0x4] =	wrdreg s18  }
0xb2: {  	[dreg:$0x5] =	wrdreg $0x9  }
0xb3: {  	_ =	task.clear_ibuf [dreg:s8], $0x6FFFF;
	_ =	strace $0x90000046  }
0xb4: {  	s29 =	simm.s32 $0x9;
	_ =	strace $0x80000048  }
0xb5: {  	_ =	swait.ge [sflag:s29], $0x1  }
0xb6: {  	[sflag:s29] =	ssyncadd.s32 $0xFFFFFFFF  }
0xb7: {  	_ =	strace $0x90000048  }
0xb8: {  	_ =	sfence  }
0xb9: {  	s30 =	sld [smem:$0x0];
	_ =	sdelay $0x2  }
0xba: {  	s31 =	sshll.u32 s1, $0xD;
	s1 =	sshrl.u32 s1, $0x2  }
0xbb: {  	s3 =	sand.u32 $0x4000, s31;
	s1 =	sadd.s32 s1, s30  }
0xbc: {  	s0 =	sor.u32 s3, s0;
	s1 =	sshll.u32 s1, $0x11  }
0xbd: {  	s0 =	sor.u32 s1, s0  }
0xbe: {  	s0 =	sadd.s32 $0x8F2B, s0  }
0xbf: {  	[sflag:s0] =	ssyncadd.remote.s32 $0x1  }
0xc0: {  	_ =	sfence.sel $0xFFFF  }
0xc1: {  	[dreg:$0x0] =	wrdreg $0xFFFFFFFF;
	(pc) =	sbr.abs _section_cstart, $3  }
0xc2: {  	[dreg:$0x1] =	wrdreg $0xFFFFFFFF  }
0xc3: {  	_ =	task.clear_ibuf [dreg:s8], $0x2FFFF;
	_ =	strace $0x9FFFFFFF  }
0xc4: {  	(tm) =	ssettm $0x7FFFFFFF  }
0xc5: {  	_ =	shalt  }
tec
execute0_lowered:
.L_overlay_start_1:
0x0: {  	(tag) =	ssettag $0x1  }
0x1: {  	s1 =	srdreg.scid;
	s3 =	stileid.u32  }
0x2: {  	s0 =	rddreg [dreg:$0x0];
	s1 =	sand.u32 $0x1, s1;
	s3 =	sshll.u32 s3, $0x1  }
0x3: {  	s2 =	rddreg [dreg:$0x1];
	s5 =	sor.u32 s1, s3  }
0x4: {  	s4 =	rddreg [dreg:$0x2];
	s3 =	simm.s32 $0x0;
	s6 =	smul.u32 $0x90, s5  }
0x5: {  	s1 =	ssub.s32 $0x2, s1;
	[smem:$0x7FF] =	sst s3;
	s9 =	smul.u32 $0x1B000, s5  }
0x6: {  	s7 =	smul.u32 $0xD8000, s5;
	s8 =	sshrl.u32 s1, $0x1;
	_ =	strace $0x80000047  }
0x7: {  	s1 =	ssub.s32 s1, s8;
	s6 =	sadd.s32 s6, s0;
	s8 =	sadd.s32 s4, s9  }
0x8: {  	s7 =	sshrl.u32 s7, $0x3;
	s0 =	sadd.s32 $0x1600, s0;
	[dreg:$0x5] =	wrdreg s8  }
0x9: {  	s6 =	sadd.s32 $0x400, s6;
	s26 =	sadd.s32 s4, s7;
	[dreg:$0x17] =	wrdreg s0  }
0xa: {  	[dreg:$0x4] =	wrdreg s6;
	s9 =	sadd.s32 $0x1800, s26  }
0xb: {  	s10 =	sadd.s32 $0x3000, s26;
	[dreg:$0x6] =	wrdreg s9  }
0xc: {  	s11 =	sadd.s32 $0x4800, s26;
	[dreg:$0x7] =	wrdreg s10  }
0xd: {  	s12 =	sadd.s32 $0x6000, s26;
	[dreg:$0x8] =	wrdreg s11  }
0xe: {  	s13 =	sadd.s32 $0x7800, s26;
	[dreg:$0x9] =	wrdreg s12  }
0xf: {  	s14 =	sadd.s32 $0x9000, s26;
	[dreg:$0xa] =	wrdreg s13  }
0x10: {  	s15 =	sadd.s32 $0xA800, s26;
	[dreg:$0xb] =	wrdreg s14  }
0x11: {  	s16 =	sadd.s32 $0xC000, s26;
	[dreg:$0xc] =	wrdreg s15  }
0x12: {  	s17 =	sadd.s32 $0xD800, s26;
	[dreg:$0xd] =	wrdreg s16  }
0x13: {  	s30 =	simm.s32 $0x500;
	s18 =	sadd.s32 $0xF000, s26;
	[dreg:$0xe] =	wrdreg s17  }
0x14: {  	s29 =	simm.s32 $0x1;
	s19 =	sadd.s32 $0x10800, s26;
	[dreg:$0xf] =	wrdreg s18  }
0x15: {  	s31 =	simm.s32 $0x3;
	s20 =	sadd.s32 $0x12000, s26;
	[dreg:$0x10] =	wrdreg s19  }
0x16: {  	s28 =	sadd.s32 $0x200, s2;
	s21 =	sadd.s32 $0x13800, s26;
	[dreg:$0x11] =	wrdreg s20  }
0x17: {  	p0 =	sne.s32 s5, $0x1F;
	s22 =	sadd.s32 $0x15000, s26;
	[dreg:$0x12] =	wrdreg s21  }
.Ltmp0:
0x18: {  	s23 =	sadd.s32 $0x16800, s26;
	[dreg:$0x13] =	wrdreg s22;
	(pc) =	sbr.rel .LBB2_1-.Ltmp0, $4  }
0x19: {  	s0 =	simm.s32 $0x4;
	s24 =	sadd.s32 $0x18000, s26;
	[dreg:$0x14] =	wrdreg s23  }
0x1a: {  	v2 =	vlaneseq.u32;
	s25 =	sadd.s32 $0x19800, s26;
	s26 =	sadd.s32 $0x360000, s4;
	[dreg:$0x15] =	wrdreg s24  }
0x1b: {  	vm0 =	vmmov $0xffff;
	v1 =	vshrl.u32 v2, $0x3;
	s4 =	smax.u32 s1, $0x1;
	s1 =	simm.s32 $0x2;
	[dreg:$0x16] =	wrdreg s25  }
0x1c: {  	v0 =	vand.u32 $0x7, v2;
	v2 =	vor.u32 $0x8, v2;
	v1 =	vmul.u32 $0x8, v1;
	[dreg:$0x18] =	wrdreg s26;
	s26 =	sadd.s32 $0x100, s2;
	s22 =	simm.s32 $0xC500  }
.LBB2_3:
0x1d: {  	_ =	swait.ge [sflag:s0], $0xC000  }
0x1e: {  	s4 =	rddreg [dreg:$0x19]  }
0x1f: {  	s4 =	sadd.s32 $0xFFFFFFFF, s4  }
0x20: {  	p1 =	sne.s32 s4, $0x0  }
.Ltmp1:
0x21: {  	_ = 	snop;
	(pc) =	sbr.rel @!p1 .LBB2_4-.Ltmp1, $3  }
0x22: {  	_ =	sdelay $0x1  }
0x23: {  	[sflag:s0] =	ssyncset.done $0x0  }
0x24: {  	[sflag:s0] =	ssyncadd.s32 $0xFFFF4000  }
.LBB2_1:
0x25: {  	[dreg:$0x19] =	wrdreg s4  }
0x26: {  	s23 =	rddreg [dreg:$0x4];
	s9 =	simm.s32 $0x5  }
0x27: {  	[tilespmem:s3], [sflag:$0x5] =	stream.linear.gather [hbm4b:s23+s3], $0x480, $0x38;
	[tilespmem:$0x18500] =	vst v63  }
0x28: {  	_ =	swait.ge [sflag:s9], $0x480  }
0x29: {  	[sflag:s9] =	ssyncset.done $0x0  }
0x2a: {  	[sflag:s9] =	ssyncadd.s32 $0xFFFFFB80  }
0x2b: {  	v3 =	vld [tilespmem:$0x0];
	_ =	sdelay $0x4  }
0x2c: {  	v4 =	vshrl.u32 v3, $0x3  }
0x2d: {  	v4 =	vmul.u32 $0x30, v4  }
0x2e: {  	v3 =	vand.u32 $0x7, v3  }
0x2f: {  	v3 =	vor.u32 v3, v4  }
0x30: {  	v4 =	vperm.xlane v3, v0;
	_ =	sdelay $0x1  }
0x31: {  	v4 =	vadd.s32 v1, v4;
	_ =	sdelay $0x3  }
0x32: {  	v3 =	vperm.xlane v3, v2  }
0x33: {  	[tilespmem:s30], [sflag:$0x1] =	stream.indirect_vreg.gather [hbm4b:s2+s3], $0x80, v4, vm0, $0xb8;
	[tilespmem:$0x18500] =	vst v63  }
0x34: {  	s10 =	simm.s32 $0xD00;
	v3 =	vadd.s32 v1, v3  }
0x35: {  	[tilespmem:s10], [sflag:$0x1] =	stream.indirect_vreg.gather [hbm4b:s26+s3], $0x80, v4, vm0, $0xb8;
	[tilespmem:$0x18500] =	vst v63  }
0x36: {  	s11 =	simm.s32 $0x1500  }
0x37: {  	[tilespmem:s11], [sflag:$0x1] =	stream.indirect_vreg.gather [hbm4b:s28+s3], $0x80, v4, vm0, $0xb8;
	[tilespmem:$0x18500] =	vst v63  }
0x38: {  	s12 =	simm.s32 $0x1D00  }
0x39: {  	[tilespmem:s12], [sflag:$0x1] =	stream.indirect_vreg.gather [hbm4b:s2+s3], $0x80, v3, vm0, $0xb8;
	[tilespmem:$0x18500] =	vst v63  }
0x3a: {  	s13 =	simm.s32 $0x2500  }
0x3b: {  	[tilespmem:s13], [sflag:$0x1] =	stream.indirect_vreg.gather [hbm4b:s26+s3], $0x80, v3, vm0, $0xb8;
	[tilespmem:$0x18500] =	vst v63  }
0x3c: {  	s14 =	simm.s32 $0x2D00  }
0x3d: {  	[tilespmem:s14], [sflag:$0x1] =	stream.indirect_vreg.gather [hbm4b:s28+s3], $0x80, v3, vm0, $0xb8;
	[tilespmem:$0x18500] =	vst v63  }
0x3e: {  	v3 =	vld [tilespmem:$0x10];
	_ =	sdelay $0x4  }
0x3f: {  	v49 =	vshrl.u32 v3, $0x3  }
0x40: {  	v4 =	vmul.u32 $0x30, v49  }
0x41: {  	v3 =	vand.u32 $0x7, v3  }
0x42: {  	v3 =	vor.u32 v3, v4  }
0x43: {  	v4 =	vperm.xlane v3, v0;
	_ =	sdelay $0x1  }
0x44: {  	v4 =	vadd.s32 v1, v4;
	_ =	sdelay $0x3  }
0x45: {  	s15 =	simm.s32 $0x3500;
	v3 =	vperm.xlane v3, v2  }
0x46: {  	[tilespmem:s15], [sflag:$0x1] =	stream.indirect_vreg.gather [hbm4b:s2+s3], $0x80, v4, vm0, $0xb8;
	[tilespmem:$0x18500] =	vst v63  }
0x47: {  	s16 =	simm.s32 $0x3D00;
	v3 =	vadd.s32 v1, v3  }
0x48: {  	[tilespmem:s16], [sflag:$0x1] =	stream.indirect_vreg.gather [hbm4b:s26+s3], $0x80, v4, vm0, $0xb8;
	[tilespmem:$0x18500] =	vst v63  }
0x49: {  	s17 =	simm.s32 $0x4500  }
0x4a: {  	[tilespmem:s17], [sflag:$0x1] =	stream.indirect_vreg.gather [hbm4b:s28+s3], $0x80, v4, vm0, $0xb8;
	[tilespmem:$0x18500] =	vst v63  }
0x4b: {  	s18 =	simm.s32 $0x4D00  }
0x4c: {  	[tilespmem:s18], [sflag:$0x1] =	stream.indirect_vreg.gather [hbm4b:s2+s3], $0x80, v3, vm0, $0xb8;
	[tilespmem:$0x18500] =	vst v63  }
0x4d: {  	s19 =	simm.s32 $0x5500  }
0x4e: {  	[tilespmem:s19], [sflag:$0x1] =	stream.indirect_vreg.gather [hbm4b:s26+s3], $0x80, v3, vm0, $0xb8;
	[tilespmem:$0x18500] =	vst v63  }
0x4f: {  	s20 =	simm.s32 $0x5D00  }
0x50: {  	[tilespmem:s20], [sflag:$0x1] =	stream.indirect_vreg.gather [hbm4b:s28+s3], $0x80, v3, vm0, $0xb8;
	[tilespmem:$0x18500] =	vst v63  }
0x51: {  	v3 =	vld [tilespmem:$0x20];
	_ =	sdelay $0x4  }
0x52: {  	v50 =	vshrl.u32 v3, $0x3  }
0x53: {  	v4 =	vmul.u32 $0x30, v50  }
0x54: {  	v3 =	vand.u32 $0x7, v3  }
0x55: {  	v3 =	vor.u32 v3, v4  }
0x56: {  	v4 =	vperm.xlane v3, v0;
	_ =	sdelay $0x1  }
0x57: {  	v4 =	vadd.s32 v1, v4;
	_ =	sdelay $0x3  }
0x58: {  	s21 =	simm.s32 $0x6500;
	v3 =	vperm.xlane v3, v2  }
0x59: {  	[tilespmem:s21], [sflag:$0x1] =	stream.indirect_vreg.gather [hbm4b:s2+s3], $0x80, v4, vm0, $0xb8;
	[tilespmem:$0x18500] =	vst v63  }
0x5a: {  	s23 =	simm.s32 $0x6D00;
	v3 =	vadd.s32 v1, v3  }
0x5b: {  	[tilespmem:s23], [sflag:$0x1] =	stream.indirect_vreg.gather [hbm4b:s26+s3], $0x80, v4, vm0, $0xb8;
	[tilespmem:$0x18500] =	vst v63  }
0x5c: {  	s24 =	simm.s32 $0x7500  }
0x5d: {  	[tilespmem:s24], [sflag:$0x1] =	stream.indirect_vreg.gather [hbm4b:s28+s3], $0x80, v4, vm0, $0xb8;
	[tilespmem:$0x18500] =	vst v63  }
0x5e: {  	s25 =	simm.s32 $0x7D00  }
0x5f: {  	[tilespmem:s25], [sflag:$0x1] =	stream.indirect_vreg.gather [hbm4b:s2+s3], $0x80, v3, vm0, $0xb8;
	[tilespmem:$0x18500] =	vst v63  }
0x60: {  	s5 =	simm.s32 $0x8500  }
0x61: {  	[tilespmem:s5], [sflag:$0x1] =	stream.indirect_vreg.gather [hbm4b:s26+s3], $0x80, v3, vm0, $0xb8;
	[tilespmem:$0x18500] =	vst v63  }
0x62: {  	s6 =	simm.s32 $0x8D00  }
0x63: {  	[tilespmem:s6], [sflag:$0x1] =	stream.indirect_vreg.gather [hbm4b:s28+s3], $0x80, v3, vm0, $0xb8;
	[tilespmem:$0x18500] =	vst v63  }
0x64: {  	v3 =	vld [tilespmem:$0x30];
	_ =	sdelay $0x4  }
0x65: {  	v51 =	vshrl.u32 v3, $0x3  }
0x66: {  	v4 =	vmul.u32 $0x30, v51  }
0x67: {  	v3 =	vand.u32 $0x7, v3  }
0x68: {  	v3 =	vor.u32 v3, v4  }
0x69: {  	v4 =	vperm.xlane v3, v0;
	_ =	sdelay $0x1  }
0x6a: {  	v4 =	vadd.s32 v1, v4;
	_ =	sdelay $0x3  }
0x6b: {  	s7 =	simm.s32 $0x9500;
	v3 =	vperm.xlane v3, v2  }
0x6c: {  	[tilespmem:s7], [sflag:$0x1] =	stream.indirect_vreg.gather [hbm4b:s2+s3], $0x80, v4, vm0, $0xb8;
	[tilespmem:$0x18500] =	vst v63  }
0x6d: {  	s10 =	simm.s32 $0x9D00;
	v3 =	vadd.s32 v1, v3  }
0x6e: {  	[tilespmem:s10], [sflag:$0x1] =	stream.indirect_vreg.gather [hbm4b:s26+s3], $0x80, v4, vm0, $0xb8;
	[tilespmem:$0x18500] =	vst v63  }
0x6f: {  	s11 =	simm.s32 $0xA500  }
0x70: {  	[tilespmem:s11], [sflag:$0x1] =	stream.indirect_vreg.gather [hbm4b:s28+s3], $0x80, v4, vm0, $0xb8;
	[tilespmem:$0x18500] =	vst v63  }
0x71: {  	s14 =	simm.s32 $0xAD00  }
0x72: {  	[tilespmem:s14], [sflag:$0x1] =	stream.indirect_vreg.gather [hbm4b:s2+s3], $0x80, v3, vm0, $0xb8;
	[tilespmem:$0x18500] =	vst v63  }
0x73: {  	s15 =	simm.s32 $0xB500  }
0x74: {  	[tilespmem:s15], [sflag:$0x1] =	stream.indirect_vreg.gather [hbm4b:s26+s3], $0x80, v3, vm0, $0xb8;
	[tilespmem:$0x18500] =	vst v63  }
0x75: {  	s18 =	simm.s32 $0xBD00  }
0x76: {  	[tilespmem:s18], [sflag:$0x1] =	stream.indirect_vreg.gather [hbm4b:s28+s3], $0x80, v3, vm0, $0xb8;
	[tilespmem:$0x18500] =	vst v63  }
0x77: {  	v3 =	vld [tilespmem:$0x40];
	_ =	sdelay $0x4  }
0x78: {  	v52 =	vshrl.u32 v3, $0x3  }
0x79: {  	v4 =	vmul.u32 $0x30, v52  }
0x7a: {  	v3 =	vand.u32 $0x7, v3  }
0x7b: {  	v3 =	vor.u32 v3, v4  }
0x7c: {  	v4 =	vperm.xlane v3, v0;
	_ =	sdelay $0x1  }
0x7d: {  	v4 =	vadd.s32 v1, v4;
	_ =	sdelay $0x3  }
0x7e: {  	v3 =	vperm.xlane v3, v2  }
0x7f: {  	[tilespmem:s22], [sflag:$0x2] =	stream.indirect_vreg.gather [hbm4b:s2+s3], $0x80, v4, vm0, $0xb8;
	[tilespmem:$0x18500] =	vst v63  }
0x80: {  	s19 =	simm.s32 $0xCD00;
	v3 =	vadd.s32 v1, v3  }
0x81: {  	[tilespmem:s19], [sflag:$0x2] =	stream.indirect_vreg.gather [hbm4b:s26+s3], $0x80, v4, vm0, $0xb8;
	[tilespmem:$0x18500] =	vst v63  }
0x82: {  	s21 =	simm.s32 $0xD500  }
0x83: {  	[tilespmem:s21], [sflag:$0x2] =	stream.indirect_vreg.gather [hbm4b:s28+s3], $0x80, v4, vm0, $0xb8;
	[tilespmem:$0x18500] =	vst v63  }
0x84: {  	s24 =	simm.s32 $0xDD00  }
0x85: {  	[tilespmem:s24], [sflag:$0x2] =	stream.indirect_vreg.gather [hbm4b:s2+s3], $0x80, v3, vm0, $0xb8;
	[tilespmem:$0x18500] =	vst v63  }
0x86: {  	s25 =	simm.s32 $0xE500  }
0x87: {  	[tilespmem:s25], [sflag:$0x2] =	stream.indirect_vreg.gather [hbm4b:s26+s3], $0x80, v3, vm0, $0xb8;
	[tilespmem:$0x18500] =	vst v63  }
0x88: {  	s4 =	simm.s32 $0xED00  }
0x89: {  	[tilespmem:s4], [sflag:$0x2] =	stream.indirect_vreg.gather [hbm4b:s28+s3], $0x80, v3, vm0, $0xb8;
	[tilespmem:$0x18500] =	vst v63  }
0x8a: {  	v3 =	vld [tilespmem:$0x50];
	_ =	sdelay $0x4  }
0x8b: {  	v53 =	vshrl.u32 v3, $0x3  }
0x8c: {  	v4 =	vmul.u32 $0x30, v53  }
0x8d: {  	v3 =	vand.u32 $0x7, v3  }
0x8e: {  	v3 =	vor.u32 v3, v4  }
0x8f: {  	v4 =	vperm.xlane v3, v0;
	_ =	sdelay $0x1  }
0x90: {  	v4 =	vadd.s32 v1, v4;
	_ =	sdelay $0x3  }
0x91: {  	s5 =	simm.s32 $0xF500;
	v3 =	vperm.xlane v3, v2  }
0x92: {  	[tilespmem:s5], [sflag:$0x2] =	stream.indirect_vreg.gather [hbm4b:s2+s3], $0x80, v4, vm0, $0xb8;
	[tilespmem:$0x18500] =	vst v63  }
0x93: {  	s6 =	simm.s32 $0xFD00;
	v3 =	vadd.s32 v1, v3  }
0x94: {  	[tilespmem:s6], [sflag:$0x2] =	stream.indirect_vreg.gather [hbm4b:s26+s3], $0x80, v4, vm0, $0xb8;
	[tilespmem:$0x18500] =	vst v63  }
0x95: {  	s7 =	simm.s32 $0x10500  }
0x96: {  	[tilespmem:s7], [sflag:$0x2] =	stream.indirect_vreg.gather [hbm4b:s28+s3], $0x80, v4, vm0, $0xb8;
	[tilespmem:$0x18500] =	vst v63  }
0x97: {  	s10 =	simm.s32 $0x10D00  }
0x98: {  	[tilespmem:s10], [sflag:$0x2] =	stream.indirect_vreg.gather [hbm4b:s2+s3], $0x80, v3, vm0, $0xb8;
	[tilespmem:$0x18500] =	vst v63  }
0x99: {  	s11 =	simm.s32 $0x11500  }
0x9a: {  	[tilespmem:s11], [sflag:$0x2] =	stream.indirect_vreg.gather [hbm4b:s26+s3], $0x80, v3, vm0, $0xb8;
	[tilespmem:$0x18500] =	vst v63  }
0x9b: {  	s14 =	simm.s32 $0x11D00  }
0x9c: {  	[tilespmem:s14], [sflag:$0x2] =	stream.indirect_vreg.gather [hbm4b:s28+s3], $0x80, v3, vm0, $0xb8;
	[tilespmem:$0x18500] =	vst v63  }
0x9d: {  	v3 =	vld [tilespmem:$0x60];
	_ =	sdelay $0x4  }
0x9e: {  	v54 =	vshrl.u32 v3, $0x3  }
0x9f: {  	v4 =	vmul.u32 $0x30, v54  }
0xa0: {  	v3 =	vand.u32 $0x7, v3  }
0xa1: {  	v3 =	vor.u32 v3, v4  }
0xa2: {  	v4 =	vperm.xlane v3, v0;
	_ =	sdelay $0x1  }
0xa3: {  	v4 =	vadd.s32 v1, v4;
	_ =	sdelay $0x3  }
0xa4: {  	s15 =	simm.s32 $0x12500;
	v3 =	vperm.xlane v3, v2  }
0xa5: {  	[tilespmem:s15], [sflag:$0x2] =	stream.indirect_vreg.gather [hbm4b:s2+s3], $0x80, v4, vm0, $0xb8;
	[tilespmem:$0x18500] =	vst v63  }
0xa6: {  	s18 =	simm.s32 $0x12D00;
	v3 =	vadd.s32 v1, v3  }
0xa7: {  	[tilespmem:s18], [sflag:$0x2] =	stream.indirect_vreg.gather [hbm4b:s26+s3], $0x80, v4, vm0, $0xb8;
	[tilespmem:$0x18500] =	vst v63  }
0xa8: {  	s19 =	simm.s32 $0x13500  }
0xa9: {  	[tilespmem:s19], [sflag:$0x2] =	stream.indirect_vreg.gather [hbm4b:s28+s3], $0x80, v4, vm0, $0xb8;
	[tilespmem:$0x18500] =	vst v63  }
0xaa: {  	s4 =	simm.s32 $0x13D00  }
0xab: {  	[tilespmem:s4], [sflag:$0x2] =	stream.indirect_vreg.gather [hbm4b:s2+s3], $0x80, v3, vm0, $0xb8;
	[tilespmem:$0x18500] =	vst v63  }
0xac: {  	s5 =	simm.s32 $0x14500  }
0xad: {  	[tilespmem:s5], [sflag:$0x2] =	stream.indirect_vreg.gather [hbm4b:s26+s3], $0x80, v3, vm0, $0xb8;
	[tilespmem:$0x18500] =	vst v63  }
0xae: {  	s6 =	simm.s32 $0x14D00  }
0xaf: {  	[tilespmem:s6], [sflag:$0x2] =	stream.indirect_vreg.gather [hbm4b:s28+s3], $0x80, v3, vm0, $0xb8;
	[tilespmem:$0x18500] =	vst v63  }
0xb0: {  	v3 =	vld [tilespmem:$0x70];
	_ =	sdelay $0x4  }
0xb1: {  	v55 =	vshrl.u32 v3, $0x3  }
0xb2: {  	v4 =	vmul.u32 $0x30, v55  }
0xb3: {  	v3 =	vand.u32 $0x7, v3  }
0xb4: {  	v3 =	vor.u32 v3, v4  }
0xb5: {  	v4 =	vperm.xlane v3, v0;
	_ =	sdelay $0x1  }
0xb6: {  	v4 =	vadd.s32 v1, v4;
	_ =	sdelay $0x3  }
0xb7: {  	s7 =	simm.s32 $0x15500;
	v3 =	vperm.xlane v3, v2  }
0xb8: {  	[tilespmem:s7], [sflag:$0x2] =	stream.indirect_vreg.gather [hbm4b:s2+s3], $0x80, v4, vm0, $0xb8;
	[tilespmem:$0x18500] =	vst v63  }
0xb9: {  	s10 =	simm.s32 $0x15D00;
	v3 =	vadd.s32 v1, v3  }
0xba: {  	[tilespmem:s10], [sflag:$0x2] =	stream.indirect_vreg.gather [hbm4b:s26+s3], $0x80, v4, vm0, $0xb8;
	[tilespmem:$0x18500] =	vst v63  }
0xbb: {  	s11 =	simm.s32 $0x16500  }
0xbc: {  	[tilespmem:s11], [sflag:$0x2] =	stream.indirect_vreg.gather [hbm4b:s28+s3], $0x80, v4, vm0, $0xb8;
	[tilespmem:$0x18500] =	vst v63  }
0xbd: {  	s14 =	simm.s32 $0x16D00  }
0xbe: {  	[tilespmem:s14], [sflag:$0x2] =	stream.indirect_vreg.gather [hbm4b:s2+s3], $0x80, v3, vm0, $0xb8;
	[tilespmem:$0x18500] =	vst v63  }
0xbf: {  	s15 =	simm.s32 $0x17500  }
0xc0: {  	[tilespmem:s15], [sflag:$0x2] =	stream.indirect_vreg.gather [hbm4b:s26+s3], $0x80, v3, vm0, $0xb8;
	[tilespmem:$0x18500] =	vst v63  }
0xc1: {  	s18 =	simm.s32 $0x17D00  }
0xc2: {  	[tilespmem:s18], [sflag:$0x2] =	stream.indirect_vreg.gather [hbm4b:s28+s3], $0x80, v3, vm0, $0xb8;
	[tilespmem:$0x18500] =	vst v63  }
0xc3: {  	_ =	swait.ge [sflag:s29], $0xC000  }
0xc4: {  	[sflag:s29] =	ssyncset.done $0x0  }
0xc5: {  	s19 =	rddreg [dreg:$0x5];
	[sflag:s29] =	ssyncadd.s32 $0xFFFF4000  }
0xc6: {  	[hbm4b:s19+s3] =	stream.linear.scatter [tilespmem:s30], [sflag:$0x3], $0xC000, $0x38;
	[tilespmem:$0x18500] =	vst v63  }
0xc7: {  	_ =	swait.ge [sflag:s31], $0xC000  }
0xc8: {  	[sflag:s31] =	ssyncset.done $0x0  }
0xc9: {  	[sflag:s31] =	ssyncadd.s32 $0xFFFF4000  }
0xca: {  	v3 =	vld [tilespmem:$0x80];
	_ =	sdelay $0x4  }
0xcb: {  	v56 =	vshrl.u32 v3, $0x3  }
0xcc: {  	v4 =	vmul.u32 $0x30, v56  }
0xcd: {  	v3 =	vand.u32 $0x7, v3  }
0xce: {  	v3 =	vor.u32 v3, v4  }
0xcf: {  	v4 =	vperm.xlane v3, v0;
	_ =	sdelay $0x1  }
0xd0: {  	v4 =	vadd.s32 v1, v4;
	_ =	sdelay $0x3  }
0xd1: {  	v3 =	vperm.xlane v3, v2  }
0xd2: {  	[tilespmem:s30], [sflag:$0x1] =	stream.indirect_vreg.gather [hbm4b:s2+s3], $0x80, v4, vm0, $0xb8;
	[tilespmem:$0x18500] =	vst v63  }
0xd3: {  	s4 =	simm.s32 $0xD00;
	v3 =	vadd.s32 v1, v3  }
0xd4: {  	[tilespmem:s4], [sflag:$0x1] =	stream.indirect_vreg.gather [hbm4b:s26+s3], $0x80, v4, vm0, $0xb8;
	[tilespmem:$0x18500] =	vst v63  }
0xd5: {  	s5 =	simm.s32 $0x1500  }
0xd6: {  	[tilespmem:s5], [sflag:$0x1] =	stream.indirect_vreg.gather [hbm4b:s28+s3], $0x80, v4, vm0, $0xb8;
	[tilespmem:$0x18500] =	vst v63  }
0xd7: {  	s6 =	simm.s32 $0x1D00  }
0xd8: {  	[tilespmem:s6], [sflag:$0x1] =	stream.indirect_vreg.gather [hbm4b:s2+s3], $0x80, v3, vm0, $0xb8;
	[tilespmem:$0x18500] =	vst v63  }
0xd9: {  	s7 =	simm.s32 $0x2500  }
0xda: {  	[tilespmem:s7], [sflag:$0x1] =	stream.indirect_vreg.gather [hbm4b:s26+s3], $0x80, v3, vm0, $0xb8;
	[tilespmem:$0x18500] =	vst v63  }
0xdb: {  	s8 =	simm.s32 $0x2D00  }
0xdc: {  	[tilespmem:s8], [sflag:$0x1] =	stream.indirect_vreg.gather [hbm4b:s28+s3], $0x80, v3, vm0, $0xb8;
	[tilespmem:$0x18500] =	vst v63  }
0xdd: {  	v3 =	vld [tilespmem:$0x90];
	_ =	sdelay $0x4  }
0xde: {  	v57 =	vshrl.u32 v3, $0x3  }
0xdf: {  	v4 =	vmul.u32 $0x30, v57  }
0xe0: {  	v3 =	vand.u32 $0x7, v3  }
0xe1: {  	v3 =	vor.u32 v3, v4  }
0xe2: {  	v4 =	vperm.xlane v3, v0;
	_ =	sdelay $0x1  }
0xe3: {  	v4 =	vadd.s32 v1, v4;
	_ =	sdelay $0x3  }
0xe4: {  	s9 =	simm.s32 $0x3500;
	v3 =	vperm.xlane v3, v2  }
0xe5: {  	[tilespmem:s9], [sflag:$0x1] =	stream.indirect_vreg.gather [hbm4b:s2+s3], $0x80, v4, vm0, $0xb8;
	[tilespmem:$0x18500] =	vst v63  }
0xe6: {  	s8 =	simm.s32 $0x3D00;
	v3 =	vadd.s32 v1, v3  }
0xe7: {  	[tilespmem:s8], [sflag:$0x1] =	stream.indirect_vreg.gather [hbm4b:s26+s3], $0x80, v4, vm0, $0xb8;
	[tilespmem:$0x18500] =	vst v63  }
0xe8: {  	s9 =	simm.s32 $0x4500  }
0xe9: {  	[tilespmem:s9], [sflag:$0x1] =	stream.indirect_vreg.gather [hbm4b:s28+s3], $0x80, v4, vm0, $0xb8;
	[tilespmem:$0x18500] =	vst v63  }
0xea: {  	s10 =	simm.s32 $0x4D00  }
0xeb: {  	[tilespmem:s10], [sflag:$0x1] =	stream.indirect_vreg.gather [hbm4b:s2+s3], $0x80, v3, vm0, $0xb8;
	[tilespmem:$0x18500] =	vst v63  }
0xec: {  	s11 =	simm.s32 $0x5500  }
0xed: {  	[tilespmem:s11], [sflag:$0x1] =	stream.indirect_vreg.gather [hbm4b:s26+s3], $0x80, v3, vm0, $0xb8;
	[tilespmem:$0x18500] =	vst v63  }
0xee: {  	s12 =	simm.s32 $0x5D00  }
0xef: {  	[tilespmem:s12], [sflag:$0x1] =	stream.indirect_vreg.gather [hbm4b:s28+s3], $0x80, v3, vm0, $0xb8;
	[tilespmem:$0x18500] =	vst v63  }
0xf0: {  	v3 =	vld [tilespmem:$0xA0];
	_ =	sdelay $0x4  }
0xf1: {  	v58 =	vshrl.u32 v3, $0x3  }
0xf2: {  	v4 =	vmul.u32 $0x30, v58  }
0xf3: {  	v3 =	vand.u32 $0x7, v3  }
0xf4: {  	v3 =	vor.u32 v3, v4  }
0xf5: {  	v4 =	vperm.xlane v3, v0;
	_ =	sdelay $0x1  }
0xf6: {  	v4 =	vadd.s32 v1, v4;
	_ =	sdelay $0x3  }
0xf7: {  	s13 =	simm.s32 $0x6500;
	v3 =	vperm.xlane v3, v2  }
0xf8: {  	[tilespmem:s13], [sflag:$0x1] =	stream.indirect_vreg.gather [hbm4b:s2+s3], $0x80, v4, vm0, $0xb8;
	[tilespmem:$0x18500] =	vst v63  }
0xf9: {  	s12 =	simm.s32 $0x6D00;
	v3 =	vadd.s32 v1, v3  }
0xfa: {  	[tilespmem:s12], [sflag:$0x1] =	stream.indirect_vreg.gather [hbm4b:s26+s3], $0x80, v4, vm0, $0xb8;
	[tilespmem:$0x18500] =	vst v63  }
0xfb: {  	s13 =	simm.s32 $0x7500  }
0xfc: {  	[tilespmem:s13], [sflag:$0x1] =	stream.indirect_vreg.gather [hbm4b:s28+s3], $0x80, v4, vm0, $0xb8;
	[tilespmem:$0x18500] =	vst v63  }
0xfd: {  	s14 =	simm.s32 $0x7D00  }
0xfe: {  	[tilespmem:s14], [sflag:$0x1] =	stream.indirect_vreg.gather [hbm4b:s2+s3], $0x80, v3, vm0, $0xb8;
	[tilespmem:$0x18500] =	vst v63  }
0xff: {  	s15 =	simm.s32 $0x8500  }
0x100: {  	[tilespmem:s15], [sflag:$0x1] =	stream.indirect_vreg.gather [hbm4b:s26+s3], $0x80, v3, vm0, $0xb8;
	[tilespmem:$0x18500] =	vst v63  }
0x101: {  	s16 =	simm.s32 $0x8D00  }
0x102: {  	[tilespmem:s16], [sflag:$0x1] =	stream.indirect_vreg.gather [hbm4b:s28+s3], $0x80, v3, vm0, $0xb8;
	[tilespmem:$0x18500] =	vst v63  }
0x103: {  	v3 =	vld [tilespmem:$0xB0];
	_ =	sdelay $0x4  }
0x104: {  	v59 =	vshrl.u32 v3, $0x3  }
0x105: {  	v4 =	vmul.u32 $0x30, v59  }
0x106: {  	v3 =	vand.u32 $0x7, v3  }
0x107: {  	v3 =	vor.u32 v3, v4  }
0x108: {  	v4 =	vperm.xlane v3, v0;
	_ =	sdelay $0x1  }
0x109: {  	v4 =	vadd.s32 v1, v4;
	_ =	sdelay $0x3  }
0x10a: {  	s17 =	simm.s32 $0x9500;
	v3 =	vperm.xlane v3, v2  }
0x10b: {  	[tilespmem:s17], [sflag:$0x1] =	stream.indirect_vreg.gather [hbm4b:s2+s3], $0x80, v4, vm0, $0xb8;
	[tilespmem:$0x18500] =	vst v63  }
0x10c: {  	s16 =	simm.s32 $0x9D00;
	v3 =	vadd.s32 v1, v3  }
0x10d: {  	[tilespmem:s16], [sflag:$0x1] =	stream.indirect_vreg.gather [hbm4b:s26+s3], $0x80, v4, vm0, $0xb8;
	[tilespmem:$0x18500] =	vst v63  }
0x10e: {  	s17 =	simm.s32 $0xA500  }
0x10f: {  	[tilespmem:s17], [sflag:$0x1] =	stream.indirect_vreg.gather [hbm4b:s28+s3], $0x80, v4, vm0, $0xb8;
	[tilespmem:$0x18500] =	vst v63  }
0x110: {  	s18 =	simm.s32 $0xAD00  }
0x111: {  	[tilespmem:s18], [sflag:$0x1] =	stream.indirect_vreg.gather [hbm4b:s2+s3], $0x80, v3, vm0, $0xb8;
	[tilespmem:$0x18500] =	vst v63  }
0x112: {  	s19 =	simm.s32 $0xB500  }
0x113: {  	[tilespmem:s19], [sflag:$0x1] =	stream.indirect_vreg.gather [hbm4b:s26+s3], $0x80, v3, vm0, $0xb8;
	[tilespmem:$0x18500] =	vst v63  }
0x114: {  	s20 =	simm.s32 $0xBD00  }
0x115: {  	[tilespmem:s20], [sflag:$0x1] =	stream.indirect_vreg.gather [hbm4b:s28+s3], $0x80, v3, vm0, $0xb8;
	[tilespmem:$0x18500] =	vst v63  }
0x116: {  	_ =	swait.ge [sflag:s1], $0xC000  }
0x117: {  	[sflag:s1] =	ssyncset.done $0x0  }
0x118: {  	s20 =	rddreg [dreg:$0x6];
	[sflag:s1] =	ssyncadd.s32 $0xFFFF4000  }
0x119: {  	[hbm4b:s20+s3] =	stream.linear.scatter [tilespmem:s22], [sflag:$0x4], $0xC000, $0x38;
	[tilespmem:$0x18500] =	vst v63  }
0x11a: {  	_ =	swait.ge [sflag:s0], $0xC000  }
0x11b: {  	[sflag:s0] =	ssyncset.done $0x0  }
0x11c: {  	[sflag:s0] =	ssyncadd.s32 $0xFFFF4000  }
0x11d: {  	v3 =	vld [tilespmem:$0xC0];
	_ =	sdelay $0x4  }
0x11e: {  	v60 =	vshrl.u32 v3, $0x3  }
0x11f: {  	v4 =	vmul.u32 $0x30, v60  }
0x120: {  	v3 =	vand.u32 $0x7, v3  }
0x121: {  	v3 =	vor.u32 v3, v4  }
0x122: {  	v4 =	vperm.xlane v3, v0;
	_ =	sdelay $0x1  }
0x123: {  	v4 =	vadd.s32 v1, v4;
	_ =	sdelay $0x3  }
0x124: {  	v3 =	vperm.xlane v3, v2  }
0x125: {  	[tilespmem:s22], [sflag:$0x2] =	stream.indirect_vreg.gather [hbm4b:s2+s3], $0x80, v4, vm0, $0xb8;
	[tilespmem:$0x18500] =	vst v63  }
0x126: {  	s23 =	simm.s32 $0xCD00;
	v3 =	vadd.s32 v1, v3  }
0x127: {  	[tilespmem:s23], [sflag:$0x2] =	stream.indirect_vreg.gather [hbm4b:s26+s3], $0x80, v4, vm0, $0xb8;
	[tilespmem:$0x18500] =	vst v63  }
0x128: {  	s23 =	simm.s32 $0xD500  }
0x129: {  	[tilespmem:s23], [sflag:$0x2] =	stream.indirect_vreg.gather [hbm4b:s28+s3], $0x80, v4, vm0, $0xb8;
	[tilespmem:$0x18500] =	vst v63  }
0x12a: {  	s23 =	simm.s32 $0xDD00  }
0x12b: {  	[tilespmem:s23], [sflag:$0x2] =	stream.indirect_vreg.gather [hbm4b:s2+s3], $0x80, v3, vm0, $0xb8;
	[tilespmem:$0x18500] =	vst v63  }
0x12c: {  	s23 =	simm.s32 $0xE500  }
0x12d: {  	[tilespmem:s23], [sflag:$0x2] =	stream.indirect_vreg.gather [hbm4b:s26+s3], $0x80, v3, vm0, $0xb8;
	[tilespmem:$0x18500] =	vst v63  }
0x12e: {  	s25 =	simm.s32 $0xED00  }
0x12f: {  	[tilespmem:s25], [sflag:$0x2] =	stream.indirect_vreg.gather [hbm4b:s28+s3], $0x80, v3, vm0, $0xb8;
	[tilespmem:$0x18500] =	vst v63  }
0x130: {  	v3 =	vld [tilespmem:$0xD0];
	_ =	sdelay $0x4  }
0x131: {  	v61 =	vshrl.u32 v3, $0x3  }
0x132: {  	v4 =	vmul.u32 $0x30, v61  }
0x133: {  	v3 =	vand.u32 $0x7, v3  }
0x134: {  	v3 =	vor.u32 v3, v4  }
0x135: {  	v4 =	vperm.xlane v3, v0;
	_ =	sdelay $0x1  }
0x136: {  	v4 =	vadd.s32 v1, v4;
	_ =	sdelay $0x3  }
0x137: {  	s25 =	simm.s32 $0xF500;
	v3 =	vperm.xlane v3, v2  }
0x138: {  	[tilespmem:s25], [sflag:$0x2] =	stream.indirect_vreg.gather [hbm4b:s2+s3], $0x80, v4, vm0, $0xb8;
	[tilespmem:$0x18500] =	vst v63  }
0x139: {  	v3 =	vadd.s32 v1, v3;
	s25 =	simm.s32 $0xFD00  }
0x13a: {  	[tilespmem:s25], [sflag:$0x2] =	stream.indirect_vreg.gather [hbm4b:s26+s3], $0x80, v4, vm0, $0xb8;
	[tilespmem:$0x18500] =	vst v63  }
0x13b: {  	s23 =	simm.s32 $0x10500  }
0x13c: {  	[tilespmem:s23], [sflag:$0x2] =	stream.indirect_vreg.gather [hbm4b:s28+s3], $0x80, v4, vm0, $0xb8;
	[tilespmem:$0x18500] =	vst v63  }
0x13d: {  	s23 =	simm.s32 $0x10D00  }
0x13e: {  	[tilespmem:s23], [sflag:$0x2] =	stream.indirect_vreg.gather [hbm4b:s2+s3], $0x80, v3, vm0, $0xb8;
	[tilespmem:$0x18500] =	vst v63  }
0x13f: {  	s23 =	simm.s32 $0x11500  }
0x140: {  	[tilespmem:s23], [sflag:$0x2] =	stream.indirect_vreg.gather [hbm4b:s26+s3], $0x80, v3, vm0, $0xb8;
	[tilespmem:$0x18500] =	vst v63  }
0x141: {  	s21 =	simm.s32 $0x11D00  }
0x142: {  	[tilespmem:s21], [sflag:$0x2] =	stream.indirect_vreg.gather [hbm4b:s28+s3], $0x80, v3, vm0, $0xb8;
	[tilespmem:$0x18500] =	vst v63  }
0x143: {  	v3 =	vld [tilespmem:$0xE0];
	_ =	sdelay $0x4  }
0x144: {  	v62 =	vshrl.u32 v3, $0x3  }
0x145: {  	v4 =	vmul.u32 $0x30, v62  }
0x146: {  	v3 =	vand.u32 $0x7, v3  }
0x147: {  	v3 =	vor.u32 v3, v4  }
0x148: {  	v4 =	vperm.xlane v3, v0;
	_ =	sdelay $0x1  }
0x149: {  	v4 =	vadd.s32 v1, v4;
	_ =	sdelay $0x3  }
0x14a: {  	s24 =	simm.s32 $0x12500;
	v3 =	vperm.xlane v3, v2  }
0x14b: {  	[tilespmem:s24], [sflag:$0x2] =	stream.indirect_vreg.gather [hbm4b:s2+s3], $0x80, v4, vm0, $0xb8;
	[tilespmem:$0x18500] =	vst v63  }
0x14c: {  	s23 =	simm.s32 $0x12D00;
	v3 =	vadd.s32 v1, v3  }
0x14d: {  	[tilespmem:s23], [sflag:$0x2] =	stream.indirect_vreg.gather [hbm4b:s26+s3], $0x80, v4, vm0, $0xb8;
	[tilespmem:$0x18500] =	vst v63  }
0x14e: {  	s24 =	simm.s32 $0x13500  }
0x14f: {  	[tilespmem:s24], [sflag:$0x2] =	stream.indirect_vreg.gather [hbm4b:s28+s3], $0x80, v4, vm0, $0xb8;
	[tilespmem:$0x18500] =	vst v63  }
0x150: {  	s23 =	simm.s32 $0x13D00  }
0x151: {  	[tilespmem:s23], [sflag:$0x2] =	stream.indirect_vreg.gather [hbm4b:s2+s3], $0x80, v3, vm0, $0xb8;
	[tilespmem:$0x18500] =	vst v63  }
0x152: {  	s23 =	simm.s32 $0x14500  }
0x153: {  	[tilespmem:s23], [sflag:$0x2] =	stream.indirect_vreg.gather [hbm4b:s26+s3], $0x80, v3, vm0, $0xb8;
	[tilespmem:$0x18500] =	vst v63  }
0x154: {  	s23 =	simm.s32 $0x14D00  }
0x155: {  	[tilespmem:s23], [sflag:$0x2] =	stream.indirect_vreg.gather [hbm4b:s28+s3], $0x80, v3, vm0, $0xb8;
	[tilespmem:$0x18500] =	vst v63  }
0x156: {  	v3 =	vld [tilespmem:$0xF0];
	_ =	sdelay $0x4  }
0x157: {  	v63 =	vshrl.u32 v3, $0x3  }
0x158: {  	v4 =	vmul.u32 $0x30, v63  }
0x159: {  	v3 =	vand.u32 $0x7, v3  }
0x15a: {  	v3 =	vor.u32 v3, v4  }
0x15b: {  	v4 =	vperm.xlane v3, v0;
	_ =	sdelay $0x1  }
0x15c: {  	v4 =	vadd.s32 v1, v4;
	_ =	sdelay $0x3  }
0x15d: {  	s23 =	simm.s32 $0x15500;
	v3 =	vperm.xlane v3, v2  }
0x15e: {  	[tilespmem:s23], [sflag:$0x2] =	stream.indirect_vreg.gather [hbm4b:s2+s3], $0x80, v4, vm0, $0xb8;
	[tilespmem:$0x18500] =	vst v63  }
0x15f: {  	v3 =	vadd.s32 v1, v3;
	s23 =	simm.s32 $0x15D00  }
0x160: {  	[tilespmem:s23], [sflag:$0x2] =	stream.indirect_vreg.gather [hbm4b:s26+s3], $0x80, v4, vm0, $0xb8;
	[tilespmem:$0x18500] =	vst v63  }
0x161: {  	s23 =	simm.s32 $0x16500  }
0x162: {  	[tilespmem:s23], [sflag:$0x2] =	stream.indirect_vreg.gather [hbm4b:s28+s3], $0x80, v4, vm0, $0xb8;
	[tilespmem:$0x18500] =	vst v63  }
0x163: {  	s23 =	simm.s32 $0x16D00  }
0x164: {  	[tilespmem:s23], [sflag:$0x2] =	stream.indirect_vreg.gather [hbm4b:s2+s3], $0x80, v3, vm0, $0xb8;
	[tilespmem:$0x18500] =	vst v63  }
0x165: {  	s23 =	simm.s32 $0x17500  }
0x166: {  	[tilespmem:s23], [sflag:$0x2] =	stream.indirect_vreg.gather [hbm4b:s26+s3], $0x80, v3, vm0, $0xb8;
	[tilespmem:$0x18500] =	vst v63  }
0x167: {  	s23 =	simm.s32 $0x17D00  }
0x168: {  	[tilespmem:s23], [sflag:$0x2] =	stream.indirect_vreg.gather [hbm4b:s28+s3], $0x80, v3, vm0, $0xb8;
	[tilespmem:$0x18500] =	vst v63  }
0x169: {  	_ =	swait.ge [sflag:s29], $0xC000  }
0x16a: {  	[sflag:s29] =	ssyncset.done $0x0  }
0x16b: {  	s23 =	rddreg [dreg:$0x7];
	[sflag:s29] =	ssyncadd.s32 $0xFFFF4000  }
0x16c: {  	[hbm4b:s23+s3] =	stream.linear.scatter [tilespmem:s30], [sflag:$0x3], $0xC000, $0x38;
	[tilespmem:$0x18500] =	vst v63  }
0x16d: {  	_ =	swait.ge [sflag:s31], $0xC000  }
0x16e: {  	[sflag:s31] =	ssyncset.done $0x0  }
0x16f: {  	[sflag:s31] =	ssyncadd.s32 $0xFFFF4000  }
0x170: {  	v3 =	vld [tilespmem:$0x100];
	_ =	sdelay $0x4  }
0x171: {  	v8 =	vshrl.u32 v3, $0x3  }
0x172: {  	v4 =	vmul.u32 $0x30, v8  }
0x173: {  	v3 =	vand.u32 $0x7, v3  }
0x174: {  	v3 =	vor.u32 v3, v4  }
0x175: {  	v4 =	vperm.xlane v3, v0;
	_ =	sdelay $0x1  }
0x176: {  	v4 =	vadd.s32 v1, v4;
	_ =	sdelay $0x3  }
0x177: {  	v3 =	vperm.xlane v3, v2  }
0x178: {  	[tilespmem:s30], [sflag:$0x1] =	stream.indirect_vreg.gather [hbm4b:s2+s3], $0x80, v4, vm0, $0xb8;
	[tilespmem:$0x18500] =	vst v63  }
0x179: {  	v3 =	vadd.s32 v1, v3  }
0x17a: {  	[tilespmem:s4], [sflag:$0x1] =	stream.indirect_vreg.gather [hbm4b:s26+s3], $0x80, v4, vm0, $0xb8;
	[tilespmem:$0x18500] =	vst v63  }
0x17b: {  	_ = 	snop  }
0x17c: {  	[tilespmem:s5], [sflag:$0x1] =	stream.indirect_vreg.gather [hbm4b:s28+s3], $0x80, v4, vm0, $0xb8;
	[tilespmem:$0x18500] =	vst v63  }
0x17d: {  	_ = 	snop  }
0x17e: {  	[tilespmem:s6], [sflag:$0x1] =	stream.indirect_vreg.gather [hbm4b:s2+s3], $0x80, v3, vm0, $0xb8;
	[tilespmem:$0x18500] =	vst v63  }
0x17f: {  	_ = 	snop  }
0x180: {  	[tilespmem:s7], [sflag:$0x1] =	stream.indirect_vreg.gather [hbm4b:s26+s3], $0x80, v3, vm0, $0xb8;
	[tilespmem:$0x18500] =	vst v63  }
0x181: {  	s23 =	simm.s32 $0x2D00  }
0x182: {  	[tilespmem:s23], [sflag:$0x1] =	stream.indirect_vreg.gather [hbm4b:s28+s3], $0x80, v3, vm0, $0xb8;
	[tilespmem:$0x18500] =	vst v63  }
0x183: {  	v3 =	vld [tilespmem:$0x110];
	_ =	sdelay $0x4  }
0x184: {  	v9 =	vshrl.u32 v3, $0x3  }
0x185: {  	v4 =	vmul.u32 $0x30, v9  }
0x186: {  	v3 =	vand.u32 $0x7, v3  }
0x187: {  	v3 =	vor.u32 v3, v4  }
0x188: {  	v4 =	vperm.xlane v3, v0;
	_ =	sdelay $0x1  }
0x189: {  	v4 =	vadd.s32 v1, v4;
	_ =	sdelay $0x3  }
0x18a: {  	s23 =	simm.s32 $0x3500;
	v3 =	vperm.xlane v3, v2  }
0x18b: {  	[tilespmem:s23], [sflag:$0x1] =	stream.indirect_vreg.gather [hbm4b:s2+s3], $0x80, v4, vm0, $0xb8;
	[tilespmem:$0x18500] =	vst v63  }
0x18c: {  	v3 =	vadd.s32 v1, v3  }
0x18d: {  	[tilespmem:s8], [sflag:$0x1] =	stream.indirect_vreg.gather [hbm4b:s26+s3], $0x80, v4, vm0, $0xb8;
	[tilespmem:$0x18500] =	vst v63  }
0x18e: {  	_ = 	snop  }
0x18f: {  	[tilespmem:s9], [sflag:$0x1] =	stream.indirect_vreg.gather [hbm4b:s28+s3], $0x80, v4, vm0, $0xb8;
	[tilespmem:$0x18500] =	vst v63  }
0x190: {  	_ = 	snop  }
0x191: {  	[tilespmem:s10], [sflag:$0x1] =	stream.indirect_vreg.gather [hbm4b:s2+s3], $0x80, v3, vm0, $0xb8;
	[tilespmem:$0x18500] =	vst v63  }
0x192: {  	_ = 	snop  }
0x193: {  	[tilespmem:s11], [sflag:$0x1] =	stream.indirect_vreg.gather [hbm4b:s26+s3], $0x80, v3, vm0, $0xb8;
	[tilespmem:$0x18500] =	vst v63  }
0x194: {  	s23 =	simm.s32 $0x5D00  }
0x195: {  	[tilespmem:s23], [sflag:$0x1] =	stream.indirect_vreg.gather [hbm4b:s28+s3], $0x80, v3, vm0, $0xb8;
	[tilespmem:$0x18500] =	vst v63  }
0x196: {  	v3 =	vld [tilespmem:$0x120];
	_ =	sdelay $0x4  }
0x197: {  	v10 =	vshrl.u32 v3, $0x3  }
0x198: {  	v4 =	vmul.u32 $0x30, v10  }
0x199: {  	v3 =	vand.u32 $0x7, v3  }
0x19a: {  	v3 =	vor.u32 v3, v4  }
0x19b: {  	v4 =	vperm.xlane v3, v0;
	_ =	sdelay $0x1  }
0x19c: {  	v4 =	vadd.s32 v1, v4;
	_ =	sdelay $0x3  }
0x19d: {  	s23 =	simm.s32 $0x6500;
	v3 =	vperm.xlane v3, v2  }
0x19e: {  	[tilespmem:s23], [sflag:$0x1] =	stream.indirect_vreg.gather [hbm4b:s2+s3], $0x80, v4, vm0, $0xb8;
	[tilespmem:$0x18500] =	vst v63  }
0x19f: {  	v3 =	vadd.s32 v1, v3  }
0x1a0: {  	[tilespmem:s12], [sflag:$0x1] =	stream.indirect_vreg.gather [hbm4b:s26+s3], $0x80, v4, vm0, $0xb8;
	[tilespmem:$0x18500] =	vst v63  }
0x1a1: {  	_ = 	snop  }
0x1a2: {  	[tilespmem:s13], [sflag:$0x1] =	stream.indirect_vreg.gather [hbm4b:s28+s3], $0x80, v4, vm0, $0xb8;
	[tilespmem:$0x18500] =	vst v63  }
0x1a3: {  	_ = 	snop  }
0x1a4: {  	[tilespmem:s14], [sflag:$0x1] =	stream.indirect_vreg.gather [hbm4b:s2+s3], $0x80, v3, vm0, $0xb8;
	[tilespmem:$0x18500] =	vst v63  }
0x1a5: {  	_ = 	snop  }
0x1a6: {  	[tilespmem:s15], [sflag:$0x1] =	stream.indirect_vreg.gather [hbm4b:s26+s3], $0x80, v3, vm0, $0xb8;
	[tilespmem:$0x18500] =	vst v63  }
0x1a7: {  	s23 =	simm.s32 $0x8D00  }
0x1a8: {  	[tilespmem:s23], [sflag:$0x1] =	stream.indirect_vreg.gather [hbm4b:s28+s3], $0x80, v3, vm0, $0xb8;
	[tilespmem:$0x18500] =	vst v63  }
0x1a9: {  	v3 =	vld [tilespmem:$0x130];
	_ =	sdelay $0x4  }
0x1aa: {  	v11 =	vshrl.u32 v3, $0x3  }
0x1ab: {  	v4 =	vmul.u32 $0x30, v11  }
0x1ac: {  	v3 =	vand.u32 $0x7, v3  }
0x1ad: {  	v3 =	vor.u32 v3, v4  }
0x1ae: {  	v4 =	vperm.xlane v3, v0;
	_ =	sdelay $0x1  }
0x1af: {  	v4 =	vadd.s32 v1, v4;
	_ =	sdelay $0x3  }
0x1b0: {  	s23 =	simm.s32 $0x9500;
	v3 =	vperm.xlane v3, v2  }
0x1b1: {  	[tilespmem:s23], [sflag:$0x1] =	stream.indirect_vreg.gather [hbm4b:s2+s3], $0x80, v4, vm0, $0xb8;
	[tilespmem:$0x18500] =	vst v63  }
0x1b2: {  	v3 =	vadd.s32 v1, v3  }
0x1b3: {  	[tilespmem:s16], [sflag:$0x1] =	stream.indirect_vreg.gather [hbm4b:s26+s3], $0x80, v4, vm0, $0xb8;
	[tilespmem:$0x18500] =	vst v63  }
0x1b4: {  	_ = 	snop  }
0x1b5: {  	[tilespmem:s17], [sflag:$0x1] =	stream.indirect_vreg.gather [hbm4b:s28+s3], $0x80, v4, vm0, $0xb8;
	[tilespmem:$0x18500] =	vst v63  }
0x1b6: {  	_ = 	snop  }
0x1b7: {  	[tilespmem:s18], [sflag:$0x1] =	stream.indirect_vreg.gather [hbm4b:s2+s3], $0x80, v3, vm0, $0xb8;
	[tilespmem:$0x18500] =	vst v63  }
0x1b8: {  	_ = 	snop  }
0x1b9: {  	[tilespmem:s19], [sflag:$0x1] =	stream.indirect_vreg.gather [hbm4b:s26+s3], $0x80, v3, vm0, $0xb8;
	[tilespmem:$0x18500] =	vst v63  }
0x1ba: {  	s23 =	simm.s32 $0xBD00  }
0x1bb: {  	[tilespmem:s23], [sflag:$0x1] =	stream.indirect_vreg.gather [hbm4b:s28+s3], $0x80, v3, vm0, $0xb8;
	[tilespmem:$0x18500] =	vst v63  }
0x1bc: {  	_ =	swait.ge [sflag:s1], $0xC000  }
0x1bd: {  	[sflag:s1] =	ssyncset.done $0x0  }
0x1be: {  	s23 =	rddreg [dreg:$0x8];
	[sflag:s1] =	ssyncadd.s32 $0xFFFF4000  }
0x1bf: {  	[hbm4b:s23+s3] =	stream.linear.scatter [tilespmem:s22], [sflag:$0x4], $0xC000, $0x38;
	[tilespmem:$0x18500] =	vst v63  }
0x1c0: {  	_ =	swait.ge [sflag:s0], $0xC000  }
0x1c1: {  	[sflag:s0] =	ssyncset.done $0x0  }
0x1c2: {  	[sflag:s0] =	ssyncadd.s32 $0xFFFF4000  }
0x1c3: {  	v3 =	vld [tilespmem:$0x140];
	_ =	sdelay $0x4  }
0x1c4: {  	v12 =	vshrl.u32 v3, $0x3  }
0x1c5: {  	v4 =	vmul.u32 $0x30, v12  }
0x1c6: {  	v3 =	vand.u32 $0x7, v3  }
0x1c7: {  	v3 =	vor.u32 v3, v4  }
0x1c8: {  	v4 =	vperm.xlane v3, v0;
	_ =	sdelay $0x1  }
0x1c9: {  	v4 =	vadd.s32 v1, v4;
	_ =	sdelay $0x3  }
0x1ca: {  	v3 =	vperm.xlane v3, v2  }
0x1cb: {  	[tilespmem:s22], [sflag:$0x2] =	stream.indirect_vreg.gather [hbm4b:s2+s3], $0x80, v4, vm0, $0xb8;
	[tilespmem:$0x18500] =	vst v63  }
0x1cc: {  	s20 =	simm.s32 $0xCD00;
	v3 =	vadd.s32 v1, v3  }
0x1cd: {  	[tilespmem:s20], [sflag:$0x2] =	stream.indirect_vreg.gather [hbm4b:s26+s3], $0x80, v4, vm0, $0xb8;
	[tilespmem:$0x18500] =	vst v63  }
0x1ce: {  	s23 =	simm.s32 $0xD500  }
0x1cf: {  	[tilespmem:s23], [sflag:$0x2] =	stream.indirect_vreg.gather [hbm4b:s28+s3], $0x80, v4, vm0, $0xb8;
	[tilespmem:$0x18500] =	vst v63  }
0x1d0: {  	s23 =	simm.s32 $0xDD00  }
0x1d1: {  	[tilespmem:s23], [sflag:$0x2] =	stream.indirect_vreg.gather [hbm4b:s2+s3], $0x80, v3, vm0, $0xb8;
	[tilespmem:$0x18500] =	vst v63  }
0x1d2: {  	s23 =	simm.s32 $0xE500  }
0x1d3: {  	[tilespmem:s23], [sflag:$0x2] =	stream.indirect_vreg.gather [hbm4b:s26+s3], $0x80, v3, vm0, $0xb8;
	[tilespmem:$0x18500] =	vst v63  }
0x1d4: {  	s23 =	simm.s32 $0xED00  }
0x1d5: {  	[tilespmem:s23], [sflag:$0x2] =	stream.indirect_vreg.gather [hbm4b:s28+s3], $0x80, v3, vm0, $0xb8;
	[tilespmem:$0x18500] =	vst v63  }
0x1d6: {  	v3 =	vld [tilespmem:$0x150];
	_ =	sdelay $0x4  }
0x1d7: {  	v13 =	vshrl.u32 v3, $0x3  }
0x1d8: {  	v4 =	vmul.u32 $0x30, v13  }
0x1d9: {  	v3 =	vand.u32 $0x7, v3  }
0x1da: {  	v3 =	vor.u32 v3, v4  }
0x1db: {  	v4 =	vperm.xlane v3, v0;
	_ =	sdelay $0x1  }
0x1dc: {  	v4 =	vadd.s32 v1, v4;
	_ =	sdelay $0x3  }
0x1dd: {  	s23 =	simm.s32 $0xF500;
	v3 =	vperm.xlane v3, v2  }
0x1de: {  	[tilespmem:s23], [sflag:$0x2] =	stream.indirect_vreg.gather [hbm4b:s2+s3], $0x80, v4, vm0, $0xb8;
	[tilespmem:$0x18500] =	vst v63  }
0x1df: {  	s25 =	simm.s32 $0xFD00;
	v3 =	vadd.s32 v1, v3  }
0x1e0: {  	[tilespmem:s25], [sflag:$0x2] =	stream.indirect_vreg.gather [hbm4b:s26+s3], $0x80, v4, vm0, $0xb8;
	[tilespmem:$0x18500] =	vst v63  }
0x1e1: {  	s23 =	simm.s32 $0x10500  }
0x1e2: {  	[tilespmem:s23], [sflag:$0x2] =	stream.indirect_vreg.gather [hbm4b:s28+s3], $0x80, v4, vm0, $0xb8;
	[tilespmem:$0x18500] =	vst v63  }
0x1e3: {  	s23 =	simm.s32 $0x10D00  }
0x1e4: {  	[tilespmem:s23], [sflag:$0x2] =	stream.indirect_vreg.gather [hbm4b:s2+s3], $0x80, v3, vm0, $0xb8;
	[tilespmem:$0x18500] =	vst v63  }
0x1e5: {  	s23 =	simm.s32 $0x11500  }
0x1e6: {  	[tilespmem:s23], [sflag:$0x2] =	stream.indirect_vreg.gather [hbm4b:s26+s3], $0x80, v3, vm0, $0xb8;
	[tilespmem:$0x18500] =	vst v63  }
0x1e7: {  	s23 =	simm.s32 $0x11D00  }
0x1e8: {  	[tilespmem:s23], [sflag:$0x2] =	stream.indirect_vreg.gather [hbm4b:s28+s3], $0x80, v3, vm0, $0xb8;
	[tilespmem:$0x18500] =	vst v63  }
0x1e9: {  	v3 =	vld [tilespmem:$0x160];
	_ =	sdelay $0x4  }
0x1ea: {  	v14 =	vshrl.u32 v3, $0x3  }
0x1eb: {  	v4 =	vmul.u32 $0x30, v14  }
0x1ec: {  	v3 =	vand.u32 $0x7, v3  }
0x1ed: {  	v3 =	vor.u32 v3, v4  }
0x1ee: {  	v4 =	vperm.xlane v3, v0;
	_ =	sdelay $0x1  }
0x1ef: {  	v4 =	vadd.s32 v1, v4;
	_ =	sdelay $0x3  }
0x1f0: {  	s23 =	simm.s32 $0x12500;
	v3 =	vperm.xlane v3, v2  }
0x1f1: {  	[tilespmem:s23], [sflag:$0x2] =	stream.indirect_vreg.gather [hbm4b:s2+s3], $0x80, v4, vm0, $0xb8;
	[tilespmem:$0x18500] =	vst v63  }
0x1f2: {  	s21 =	simm.s32 $0x12D00;
	v3 =	vadd.s32 v1, v3  }
0x1f3: {  	[tilespmem:s21], [sflag:$0x2] =	stream.indirect_vreg.gather [hbm4b:s26+s3], $0x80, v4, vm0, $0xb8;
	[tilespmem:$0x18500] =	vst v63  }
0x1f4: {  	s24 =	simm.s32 $0x13500  }
0x1f5: {  	[tilespmem:s24], [sflag:$0x2] =	stream.indirect_vreg.gather [hbm4b:s28+s3], $0x80, v4, vm0, $0xb8;
	[tilespmem:$0x18500] =	vst v63  }
0x1f6: {  	s23 =	simm.s32 $0x13D00  }
0x1f7: {  	[tilespmem:s23], [sflag:$0x2] =	stream.indirect_vreg.gather [hbm4b:s2+s3], $0x80, v3, vm0, $0xb8;
	[tilespmem:$0x18500] =	vst v63  }
0x1f8: {  	s23 =	simm.s32 $0x14500  }
0x1f9: {  	[tilespmem:s23], [sflag:$0x2] =	stream.indirect_vreg.gather [hbm4b:s26+s3], $0x80, v3, vm0, $0xb8;
	[tilespmem:$0x18500] =	vst v63  }
0x1fa: {  	s23 =	simm.s32 $0x14D00  }
0x1fb: {  	[tilespmem:s23], [sflag:$0x2] =	stream.indirect_vreg.gather [hbm4b:s28+s3], $0x80, v3, vm0, $0xb8;
	[tilespmem:$0x18500] =	vst v63  }
0x1fc: {  	v3 =	vld [tilespmem:$0x170];
	_ =	sdelay $0x4  }
0x1fd: {  	v15 =	vshrl.u32 v3, $0x3  }
0x1fe: {  	v4 =	vmul.u32 $0x30, v15  }
0x1ff: {  	v3 =	vand.u32 $0x7, v3  }
0x200: {  	v3 =	vor.u32 v3, v4  }
0x201: {  	v4 =	vperm.xlane v3, v0;
	_ =	sdelay $0x1  }
0x202: {  	v4 =	vadd.s32 v1, v4;
	_ =	sdelay $0x3  }
0x203: {  	s23 =	simm.s32 $0x15500;
	v3 =	vperm.xlane v3, v2  }
0x204: {  	[tilespmem:s23], [sflag:$0x2] =	stream.indirect_vreg.gather [hbm4b:s2+s3], $0x80, v4, vm0, $0xb8;
	[tilespmem:$0x18500] =	vst v63  }
0x205: {  	v3 =	vadd.s32 v1, v3;
	s23 =	simm.s32 $0x15D00  }
0x206: {  	[tilespmem:s23], [sflag:$0x2] =	stream.indirect_vreg.gather [hbm4b:s26+s3], $0x80, v4, vm0, $0xb8;
	[tilespmem:$0x18500] =	vst v63  }
0x207: {  	s23 =	simm.s32 $0x16500  }
0x208: {  	[tilespmem:s23], [sflag:$0x2] =	stream.indirect_vreg.gather [hbm4b:s28+s3], $0x80, v4, vm0, $0xb8;
	[tilespmem:$0x18500] =	vst v63  }
0x209: {  	s23 =	simm.s32 $0x16D00  }
0x20a: {  	[tilespmem:s23], [sflag:$0x2] =	stream.indirect_vreg.gather [hbm4b:s2+s3], $0x80, v3, vm0, $0xb8;
	[tilespmem:$0x18500] =	vst v63  }
0x20b: {  	s23 =	simm.s32 $0x17500  }
0x20c: {  	[tilespmem:s23], [sflag:$0x2] =	stream.indirect_vreg.gather [hbm4b:s26+s3], $0x80, v3, vm0, $0xb8;
	[tilespmem:$0x18500] =	vst v63  }
0x20d: {  	s23 =	simm.s32 $0x17D00  }
0x20e: {  	[tilespmem:s23], [sflag:$0x2] =	stream.indirect_vreg.gather [hbm4b:s28+s3], $0x80, v3, vm0, $0xb8;
	[tilespmem:$0x18500] =	vst v63  }
0x20f: {  	_ =	swait.ge [sflag:s29], $0xC000  }
0x210: {  	[sflag:s29] =	ssyncset.done $0x0  }
0x211: {  	s23 =	rddreg [dreg:$0x9];
	[sflag:s29] =	ssyncadd.s32 $0xFFFF4000  }
0x212: {  	[hbm4b:s23+s3] =	stream.linear.scatter [tilespmem:s30], [sflag:$0x3], $0xC000, $0x38;
	[tilespmem:$0x18500] =	vst v63  }
0x213: {  	_ =	swait.ge [sflag:s31], $0xC000  }
0x214: {  	[sflag:s31] =	ssyncset.done $0x0  }
0x215: {  	[sflag:s31] =	ssyncadd.s32 $0xFFFF4000  }
0x216: {  	v3 =	vld [tilespmem:$0x180];
	_ =	sdelay $0x4  }
0x217: {  	v16 =	vshrl.u32 v3, $0x3  }
0x218: {  	v4 =	vmul.u32 $0x30, v16  }
0x219: {  	v3 =	vand.u32 $0x7, v3  }
0x21a: {  	v3 =	vor.u32 v3, v4  }
0x21b: {  	v4 =	vperm.xlane v3, v0;
	_ =	sdelay $0x1  }
0x21c: {  	v4 =	vadd.s32 v1, v4;
	_ =	sdelay $0x3  }
0x21d: {  	v3 =	vperm.xlane v3, v2  }
0x21e: {  	[tilespmem:s30], [sflag:$0x1] =	stream.indirect_vreg.gather [hbm4b:s2+s3], $0x80, v4, vm0, $0xb8;
	[tilespmem:$0x18500] =	vst v63  }
0x21f: {  	s4 =	simm.s32 $0xD00;
	v3 =	vadd.s32 v1, v3  }
0x220: {  	[tilespmem:s4], [sflag:$0x1] =	stream.indirect_vreg.gather [hbm4b:s26+s3], $0x80, v4, vm0, $0xb8;
	[tilespmem:$0x18500] =	vst v63  }
0x221: {  	s5 =	simm.s32 $0x1500  }
0x222: {  	[tilespmem:s5], [sflag:$0x1] =	stream.indirect_vreg.gather [hbm4b:s28+s3], $0x80, v4, vm0, $0xb8;
	[tilespmem:$0x18500] =	vst v63  }
0x223: {  	s6 =	simm.s32 $0x1D00  }
0x224: {  	[tilespmem:s6], [sflag:$0x1] =	stream.indirect_vreg.gather [hbm4b:s2+s3], $0x80, v3, vm0, $0xb8;
	[tilespmem:$0x18500] =	vst v63  }
0x225: {  	s7 =	simm.s32 $0x2500  }
0x226: {  	[tilespmem:s7], [sflag:$0x1] =	stream.indirect_vreg.gather [hbm4b:s26+s3], $0x80, v3, vm0, $0xb8;
	[tilespmem:$0x18500] =	vst v63  }
0x227: {  	s23 =	simm.s32 $0x2D00  }
0x228: {  	[tilespmem:s23], [sflag:$0x1] =	stream.indirect_vreg.gather [hbm4b:s28+s3], $0x80, v3, vm0, $0xb8;
	[tilespmem:$0x18500] =	vst v63  }
0x229: {  	v3 =	vld [tilespmem:$0x190];
	_ =	sdelay $0x4  }
0x22a: {  	v17 =	vshrl.u32 v3, $0x3  }
0x22b: {  	v4 =	vmul.u32 $0x30, v17  }
0x22c: {  	v3 =	vand.u32 $0x7, v3  }
0x22d: {  	v3 =	vor.u32 v3, v4  }
0x22e: {  	v4 =	vperm.xlane v3, v0;
	_ =	sdelay $0x1  }
0x22f: {  	v4 =	vadd.s32 v1, v4;
	_ =	sdelay $0x3  }
0x230: {  	s23 =	simm.s32 $0x3500;
	v3 =	vperm.xlane v3, v2  }
0x231: {  	[tilespmem:s23], [sflag:$0x1] =	stream.indirect_vreg.gather [hbm4b:s2+s3], $0x80, v4, vm0, $0xb8;
	[tilespmem:$0x18500] =	vst v63  }
0x232: {  	s8 =	simm.s32 $0x3D00;
	v3 =	vadd.s32 v1, v3  }
0x233: {  	[tilespmem:s8], [sflag:$0x1] =	stream.indirect_vreg.gather [hbm4b:s26+s3], $0x80, v4, vm0, $0xb8;
	[tilespmem:$0x18500] =	vst v63  }
0x234: {  	s9 =	simm.s32 $0x4500  }
0x235: {  	[tilespmem:s9], [sflag:$0x1] =	stream.indirect_vreg.gather [hbm4b:s28+s3], $0x80, v4, vm0, $0xb8;
	[tilespmem:$0x18500] =	vst v63  }
0x236: {  	s10 =	simm.s32 $0x4D00  }
0x237: {  	[tilespmem:s10], [sflag:$0x1] =	stream.indirect_vreg.gather [hbm4b:s2+s3], $0x80, v3, vm0, $0xb8;
	[tilespmem:$0x18500] =	vst v63  }
0x238: {  	s11 =	simm.s32 $0x5500  }
0x239: {  	[tilespmem:s11], [sflag:$0x1] =	stream.indirect_vreg.gather [hbm4b:s26+s3], $0x80, v3, vm0, $0xb8;
	[tilespmem:$0x18500] =	vst v63  }
0x23a: {  	s23 =	simm.s32 $0x5D00  }
0x23b: {  	[tilespmem:s23], [sflag:$0x1] =	stream.indirect_vreg.gather [hbm4b:s28+s3], $0x80, v3, vm0, $0xb8;
	[tilespmem:$0x18500] =	vst v63  }
0x23c: {  	v3 =	vld [tilespmem:$0x1A0];
	_ =	sdelay $0x4  }
0x23d: {  	v18 =	vshrl.u32 v3, $0x3  }
0x23e: {  	v4 =	vmul.u32 $0x30, v18  }
0x23f: {  	v3 =	vand.u32 $0x7, v3  }
0x240: {  	v3 =	vor.u32 v3, v4  }
0x241: {  	v4 =	vperm.xlane v3, v0;
	_ =	sdelay $0x1  }
0x242: {  	v4 =	vadd.s32 v1, v4;
	_ =	sdelay $0x3  }
0x243: {  	s23 =	simm.s32 $0x6500;
	v3 =	vperm.xlane v3, v2  }
0x244: {  	[tilespmem:s23], [sflag:$0x1] =	stream.indirect_vreg.gather [hbm4b:s2+s3], $0x80, v4, vm0, $0xb8;
	[tilespmem:$0x18500] =	vst v63  }
0x245: {  	s12 =	simm.s32 $0x6D00;
	v3 =	vadd.s32 v1, v3  }
0x246: {  	[tilespmem:s12], [sflag:$0x1] =	stream.indirect_vreg.gather [hbm4b:s26+s3], $0x80, v4, vm0, $0xb8;
	[tilespmem:$0x18500] =	vst v63  }
0x247: {  	s13 =	simm.s32 $0x7500  }
0x248: {  	[tilespmem:s13], [sflag:$0x1] =	stream.indirect_vreg.gather [hbm4b:s28+s3], $0x80, v4, vm0, $0xb8;
	[tilespmem:$0x18500] =	vst v63  }
0x249: {  	s14 =	simm.s32 $0x7D00  }
0x24a: {  	[tilespmem:s14], [sflag:$0x1] =	stream.indirect_vreg.gather [hbm4b:s2+s3], $0x80, v3, vm0, $0xb8;
	[tilespmem:$0x18500] =	vst v63  }
0x24b: {  	s15 =	simm.s32 $0x8500  }
0x24c: {  	[tilespmem:s15], [sflag:$0x1] =	stream.indirect_vreg.gather [hbm4b:s26+s3], $0x80, v3, vm0, $0xb8;
	[tilespmem:$0x18500] =	vst v63  }
0x24d: {  	s23 =	simm.s32 $0x8D00  }
0x24e: {  	[tilespmem:s23], [sflag:$0x1] =	stream.indirect_vreg.gather [hbm4b:s28+s3], $0x80, v3, vm0, $0xb8;
	[tilespmem:$0x18500] =	vst v63  }
0x24f: {  	v3 =	vld [tilespmem:$0x1B0];
	_ =	sdelay $0x4  }
0x250: {  	v19 =	vshrl.u32 v3, $0x3  }
0x251: {  	v4 =	vmul.u32 $0x30, v19  }
0x252: {  	v3 =	vand.u32 $0x7, v3  }
0x253: {  	v3 =	vor.u32 v3, v4  }
0x254: {  	v4 =	vperm.xlane v3, v0;
	_ =	sdelay $0x1  }
0x255: {  	v4 =	vadd.s32 v1, v4;
	_ =	sdelay $0x3  }
0x256: {  	s23 =	simm.s32 $0x9500;
	v3 =	vperm.xlane v3, v2  }
0x257: {  	[tilespmem:s23], [sflag:$0x1] =	stream.indirect_vreg.gather [hbm4b:s2+s3], $0x80, v4, vm0, $0xb8;
	[tilespmem:$0x18500] =	vst v63  }
0x258: {  	s16 =	simm.s32 $0x9D00;
	v3 =	vadd.s32 v1, v3  }
0x259: {  	[tilespmem:s16], [sflag:$0x1] =	stream.indirect_vreg.gather [hbm4b:s26+s3], $0x80, v4, vm0, $0xb8;
	[tilespmem:$0x18500] =	vst v63  }
0x25a: {  	s17 =	simm.s32 $0xA500  }
0x25b: {  	[tilespmem:s17], [sflag:$0x1] =	stream.indirect_vreg.gather [hbm4b:s28+s3], $0x80, v4, vm0, $0xb8;
	[tilespmem:$0x18500] =	vst v63  }
0x25c: {  	s18 =	simm.s32 $0xAD00  }
0x25d: {  	[tilespmem:s18], [sflag:$0x1] =	stream.indirect_vreg.gather [hbm4b:s2+s3], $0x80, v3, vm0, $0xb8;
	[tilespmem:$0x18500] =	vst v63  }
0x25e: {  	s19 =	simm.s32 $0xB500  }
0x25f: {  	[tilespmem:s19], [sflag:$0x1] =	stream.indirect_vreg.gather [hbm4b:s26+s3], $0x80, v3, vm0, $0xb8;
	[tilespmem:$0x18500] =	vst v63  }
0x260: {  	s23 =	simm.s32 $0xBD00  }
0x261: {  	[tilespmem:s23], [sflag:$0x1] =	stream.indirect_vreg.gather [hbm4b:s28+s3], $0x80, v3, vm0, $0xb8;
	[tilespmem:$0x18500] =	vst v63  }
0x262: {  	_ =	swait.ge [sflag:s1], $0xC000  }
0x263: {  	[sflag:s1] =	ssyncset.done $0x0  }
0x264: {  	s23 =	rddreg [dreg:$0xa];
	[sflag:s1] =	ssyncadd.s32 $0xFFFF4000  }
0x265: {  	[hbm4b:s23+s3] =	stream.linear.scatter [tilespmem:s22], [sflag:$0x4], $0xC000, $0x38;
	[tilespmem:$0x18500] =	vst v63  }
0x266: {  	_ =	swait.ge [sflag:s0], $0xC000  }
0x267: {  	[sflag:s0] =	ssyncset.done $0x0  }
0x268: {  	[sflag:s0] =	ssyncadd.s32 $0xFFFF4000  }
0x269: {  	v3 =	vld [tilespmem:$0x1C0];
	_ =	sdelay $0x4  }
0x26a: {  	v20 =	vshrl.u32 v3, $0x3  }
0x26b: {  	v4 =	vmul.u32 $0x30, v20  }
0x26c: {  	v3 =	vand.u32 $0x7, v3  }
0x26d: {  	v3 =	vor.u32 v3, v4  }
0x26e: {  	v4 =	vperm.xlane v3, v0;
	_ =	sdelay $0x1  }
0x26f: {  	v4 =	vadd.s32 v1, v4;
	_ =	sdelay $0x3  }
0x270: {  	v3 =	vperm.xlane v3, v2  }
0x271: {  	[tilespmem:s22], [sflag:$0x2] =	stream.indirect_vreg.gather [hbm4b:s2+s3], $0x80, v4, vm0, $0xb8;
	[tilespmem:$0x18500] =	vst v63  }
0x272: {  	s20 =	simm.s32 $0xCD00;
	v3 =	vadd.s32 v1, v3  }
0x273: {  	[tilespmem:s20], [sflag:$0x2] =	stream.indirect_vreg.gather [hbm4b:s26+s3], $0x80, v4, vm0, $0xb8;
	[tilespmem:$0x18500] =	vst v63  }
0x274: {  	s23 =	simm.s32 $0xD500  }
0x275: {  	[tilespmem:s23], [sflag:$0x2] =	stream.indirect_vreg.gather [hbm4b:s28+s3], $0x80, v4, vm0, $0xb8;
	[tilespmem:$0x18500] =	vst v63  }
0x276: {  	s23 =	simm.s32 $0xDD00  }
0x277: {  	[tilespmem:s23], [sflag:$0x2] =	stream.indirect_vreg.gather [hbm4b:s2+s3], $0x80, v3, vm0, $0xb8;
	[tilespmem:$0x18500] =	vst v63  }
0x278: {  	s23 =	simm.s32 $0xE500  }
0x279: {  	[tilespmem:s23], [sflag:$0x2] =	stream.indirect_vreg.gather [hbm4b:s26+s3], $0x80, v3, vm0, $0xb8;
	[tilespmem:$0x18500] =	vst v63  }
0x27a: {  	s23 =	simm.s32 $0xED00  }
0x27b: {  	[tilespmem:s23], [sflag:$0x2] =	stream.indirect_vreg.gather [hbm4b:s28+s3], $0x80, v3, vm0, $0xb8;
	[tilespmem:$0x18500] =	vst v63  }
0x27c: {  	v3 =	vld [tilespmem:$0x1D0];
	_ =	sdelay $0x4  }
0x27d: {  	v21 =	vshrl.u32 v3, $0x3  }
0x27e: {  	v4 =	vmul.u32 $0x30, v21  }
0x27f: {  	v3 =	vand.u32 $0x7, v3  }
0x280: {  	v3 =	vor.u32 v3, v4  }
0x281: {  	v4 =	vperm.xlane v3, v0;
	_ =	sdelay $0x1  }
0x282: {  	v4 =	vadd.s32 v1, v4;
	_ =	sdelay $0x3  }
0x283: {  	s23 =	simm.s32 $0xF500;
	v3 =	vperm.xlane v3, v2  }
0x284: {  	[tilespmem:s23], [sflag:$0x2] =	stream.indirect_vreg.gather [hbm4b:s2+s3], $0x80, v4, vm0, $0xb8;
	[tilespmem:$0x18500] =	vst v63  }
0x285: {  	s25 =	simm.s32 $0xFD00;
	v3 =	vadd.s32 v1, v3  }
0x286: {  	[tilespmem:s25], [sflag:$0x2] =	stream.indirect_vreg.gather [hbm4b:s26+s3], $0x80, v4, vm0, $0xb8;
	[tilespmem:$0x18500] =	vst v63  }
0x287: {  	s23 =	simm.s32 $0x10500  }
0x288: {  	[tilespmem:s23], [sflag:$0x2] =	stream.indirect_vreg.gather [hbm4b:s28+s3], $0x80, v4, vm0, $0xb8;
	[tilespmem:$0x18500] =	vst v63  }
0x289: {  	s23 =	simm.s32 $0x10D00  }
0x28a: {  	[tilespmem:s23], [sflag:$0x2] =	stream.indirect_vreg.gather [hbm4b:s2+s3], $0x80, v3, vm0, $0xb8;
	[tilespmem:$0x18500] =	vst v63  }
0x28b: {  	s23 =	simm.s32 $0x11500  }
0x28c: {  	[tilespmem:s23], [sflag:$0x2] =	stream.indirect_vreg.gather [hbm4b:s26+s3], $0x80, v3, vm0, $0xb8;
	[tilespmem:$0x18500] =	vst v63  }
0x28d: {  	s23 =	simm.s32 $0x11D00  }
0x28e: {  	[tilespmem:s23], [sflag:$0x2] =	stream.indirect_vreg.gather [hbm4b:s28+s3], $0x80, v3, vm0, $0xb8;
	[tilespmem:$0x18500] =	vst v63  }
0x28f: {  	v3 =	vld [tilespmem:$0x1E0];
	_ =	sdelay $0x4  }
0x290: {  	v22 =	vshrl.u32 v3, $0x3  }
0x291: {  	v4 =	vmul.u32 $0x30, v22  }
0x292: {  	v3 =	vand.u32 $0x7, v3  }
0x293: {  	v3 =	vor.u32 v3, v4  }
0x294: {  	v4 =	vperm.xlane v3, v0;
	_ =	sdelay $0x1  }
0x295: {  	v4 =	vadd.s32 v1, v4;
	_ =	sdelay $0x3  }
0x296: {  	s23 =	simm.s32 $0x12500;
	v3 =	vperm.xlane v3, v2  }
0x297: {  	[tilespmem:s23], [sflag:$0x2] =	stream.indirect_vreg.gather [hbm4b:s2+s3], $0x80, v4, vm0, $0xb8;
	[tilespmem:$0x18500] =	vst v63  }
0x298: {  	s21 =	simm.s32 $0x12D00;
	v3 =	vadd.s32 v1, v3  }
0x299: {  	[tilespmem:s21], [sflag:$0x2] =	stream.indirect_vreg.gather [hbm4b:s26+s3], $0x80, v4, vm0, $0xb8;
	[tilespmem:$0x18500] =	vst v63  }
0x29a: {  	s24 =	simm.s32 $0x13500  }
0x29b: {  	[tilespmem:s24], [sflag:$0x2] =	stream.indirect_vreg.gather [hbm4b:s28+s3], $0x80, v4, vm0, $0xb8;
	[tilespmem:$0x18500] =	vst v63  }
0x29c: {  	s23 =	simm.s32 $0x13D00  }
0x29d: {  	[tilespmem:s23], [sflag:$0x2] =	stream.indirect_vreg.gather [hbm4b:s2+s3], $0x80, v3, vm0, $0xb8;
	[tilespmem:$0x18500] =	vst v63  }
0x29e: {  	s23 =	simm.s32 $0x14500  }
0x29f: {  	[tilespmem:s23], [sflag:$0x2] =	stream.indirect_vreg.gather [hbm4b:s26+s3], $0x80, v3, vm0, $0xb8;
	[tilespmem:$0x18500] =	vst v63  }
0x2a0: {  	s23 =	simm.s32 $0x14D00  }
0x2a1: {  	[tilespmem:s23], [sflag:$0x2] =	stream.indirect_vreg.gather [hbm4b:s28+s3], $0x80, v3, vm0, $0xb8;
	[tilespmem:$0x18500] =	vst v63  }
0x2a2: {  	v3 =	vld [tilespmem:$0x1F0];
	_ =	sdelay $0x4  }
0x2a3: {  	v23 =	vshrl.u32 v3, $0x3  }
0x2a4: {  	v4 =	vmul.u32 $0x30, v23  }
0x2a5: {  	v3 =	vand.u32 $0x7, v3  }
0x2a6: {  	v3 =	vor.u32 v3, v4  }
0x2a7: {  	v4 =	vperm.xlane v3, v0;
	_ =	sdelay $0x1  }
0x2a8: {  	v4 =	vadd.s32 v1, v4;
	_ =	sdelay $0x3  }
0x2a9: {  	s23 =	simm.s32 $0x15500;
	v3 =	vperm.xlane v3, v2  }
0x2aa: {  	[tilespmem:s23], [sflag:$0x2] =	stream.indirect_vreg.gather [hbm4b:s2+s3], $0x80, v4, vm0, $0xb8;
	[tilespmem:$0x18500] =	vst v63  }
0x2ab: {  	v3 =	vadd.s32 v1, v3;
	s23 =	simm.s32 $0x15D00  }
0x2ac: {  	[tilespmem:s23], [sflag:$0x2] =	stream.indirect_vreg.gather [hbm4b:s26+s3], $0x80, v4, vm0, $0xb8;
	[tilespmem:$0x18500] =	vst v63  }
0x2ad: {  	s23 =	simm.s32 $0x16500  }
0x2ae: {  	[tilespmem:s23], [sflag:$0x2] =	stream.indirect_vreg.gather [hbm4b:s28+s3], $0x80, v4, vm0, $0xb8;
	[tilespmem:$0x18500] =	vst v63  }
0x2af: {  	s23 =	simm.s32 $0x16D00  }
0x2b0: {  	[tilespmem:s23], [sflag:$0x2] =	stream.indirect_vreg.gather [hbm4b:s2+s3], $0x80, v3, vm0, $0xb8;
	[tilespmem:$0x18500] =	vst v63  }
0x2b1: {  	s23 =	simm.s32 $0x17500  }
0x2b2: {  	[tilespmem:s23], [sflag:$0x2] =	stream.indirect_vreg.gather [hbm4b:s26+s3], $0x80, v3, vm0, $0xb8;
	[tilespmem:$0x18500] =	vst v63  }
0x2b3: {  	s23 =	simm.s32 $0x17D00  }
0x2b4: {  	[tilespmem:s23], [sflag:$0x2] =	stream.indirect_vreg.gather [hbm4b:s28+s3], $0x80, v3, vm0, $0xb8;
	[tilespmem:$0x18500] =	vst v63  }
0x2b5: {  	_ =	swait.ge [sflag:s29], $0xC000  }
0x2b6: {  	[sflag:s29] =	ssyncset.done $0x0  }
0x2b7: {  	s23 =	rddreg [dreg:$0xb];
	[sflag:s29] =	ssyncadd.s32 $0xFFFF4000  }
0x2b8: {  	[hbm4b:s23+s3] =	stream.linear.scatter [tilespmem:s30], [sflag:$0x3], $0xC000, $0x38;
	[tilespmem:$0x18500] =	vst v63  }
0x2b9: {  	_ =	swait.ge [sflag:s31], $0xC000  }
0x2ba: {  	[sflag:s31] =	ssyncset.done $0x0  }
0x2bb: {  	[sflag:s31] =	ssyncadd.s32 $0xFFFF4000  }
0x2bc: {  	v3 =	vld [tilespmem:$0x200];
	_ =	sdelay $0x4  }
0x2bd: {  	v24 =	vshrl.u32 v3, $0x3  }
0x2be: {  	v4 =	vmul.u32 $0x30, v24  }
0x2bf: {  	v3 =	vand.u32 $0x7, v3  }
0x2c0: {  	v3 =	vor.u32 v3, v4  }
0x2c1: {  	v4 =	vperm.xlane v3, v0;
	_ =	sdelay $0x1  }
0x2c2: {  	v4 =	vadd.s32 v1, v4;
	_ =	sdelay $0x3  }
0x2c3: {  	v3 =	vperm.xlane v3, v2  }
0x2c4: {  	[tilespmem:s30], [sflag:$0x1] =	stream.indirect_vreg.gather [hbm4b:s2+s3], $0x80, v4, vm0, $0xb8;
	[tilespmem:$0x18500] =	vst v63  }
0x2c5: {  	s4 =	simm.s32 $0xD00;
	v3 =	vadd.s32 v1, v3  }
0x2c6: {  	[tilespmem:s4], [sflag:$0x1] =	stream.indirect_vreg.gather [hbm4b:s26+s3], $0x80, v4, vm0, $0xb8;
	[tilespmem:$0x18500] =	vst v63  }
0x2c7: {  	s5 =	simm.s32 $0x1500  }
0x2c8: {  	[tilespmem:s5], [sflag:$0x1] =	stream.indirect_vreg.gather [hbm4b:s28+s3], $0x80, v4, vm0, $0xb8;
	[tilespmem:$0x18500] =	vst v63  }
0x2c9: {  	s6 =	simm.s32 $0x1D00  }
0x2ca: {  	[tilespmem:s6], [sflag:$0x1] =	stream.indirect_vreg.gather [hbm4b:s2+s3], $0x80, v3, vm0, $0xb8;
	[tilespmem:$0x18500] =	vst v63  }
0x2cb: {  	s7 =	simm.s32 $0x2500  }
0x2cc: {  	[tilespmem:s7], [sflag:$0x1] =	stream.indirect_vreg.gather [hbm4b:s26+s3], $0x80, v3, vm0, $0xb8;
	[tilespmem:$0x18500] =	vst v63  }
0x2cd: {  	s23 =	simm.s32 $0x2D00  }
0x2ce: {  	[tilespmem:s23], [sflag:$0x1] =	stream.indirect_vreg.gather [hbm4b:s28+s3], $0x80, v3, vm0, $0xb8;
	[tilespmem:$0x18500] =	vst v63  }
0x2cf: {  	v3 =	vld [tilespmem:$0x210];
	_ =	sdelay $0x4  }
0x2d0: {  	v25 =	vshrl.u32 v3, $0x3  }
0x2d1: {  	v4 =	vmul.u32 $0x30, v25  }
0x2d2: {  	v3 =	vand.u32 $0x7, v3  }
0x2d3: {  	v3 =	vor.u32 v3, v4  }
0x2d4: {  	v4 =	vperm.xlane v3, v0;
	_ =	sdelay $0x1  }
0x2d5: {  	v4 =	vadd.s32 v1, v4;
	_ =	sdelay $0x3  }
0x2d6: {  	s23 =	simm.s32 $0x3500;
	v3 =	vperm.xlane v3, v2  }
0x2d7: {  	[tilespmem:s23], [sflag:$0x1] =	stream.indirect_vreg.gather [hbm4b:s2+s3], $0x80, v4, vm0, $0xb8;
	[tilespmem:$0x18500] =	vst v63  }
0x2d8: {  	s8 =	simm.s32 $0x3D00;
	v3 =	vadd.s32 v1, v3  }
0x2d9: {  	[tilespmem:s8], [sflag:$0x1] =	stream.indirect_vreg.gather [hbm4b:s26+s3], $0x80, v4, vm0, $0xb8;
	[tilespmem:$0x18500] =	vst v63  }
0x2da: {  	s9 =	simm.s32 $0x4500  }
0x2db: {  	[tilespmem:s9], [sflag:$0x1] =	stream.indirect_vreg.gather [hbm4b:s28+s3], $0x80, v4, vm0, $0xb8;
	[tilespmem:$0x18500] =	vst v63  }
0x2dc: {  	s10 =	simm.s32 $0x4D00  }
0x2dd: {  	[tilespmem:s10], [sflag:$0x1] =	stream.indirect_vreg.gather [hbm4b:s2+s3], $0x80, v3, vm0, $0xb8;
	[tilespmem:$0x18500] =	vst v63  }
0x2de: {  	s11 =	simm.s32 $0x5500  }
0x2df: {  	[tilespmem:s11], [sflag:$0x1] =	stream.indirect_vreg.gather [hbm4b:s26+s3], $0x80, v3, vm0, $0xb8;
	[tilespmem:$0x18500] =	vst v63  }
0x2e0: {  	s23 =	simm.s32 $0x5D00  }
0x2e1: {  	[tilespmem:s23], [sflag:$0x1] =	stream.indirect_vreg.gather [hbm4b:s28+s3], $0x80, v3, vm0, $0xb8;
	[tilespmem:$0x18500] =	vst v63  }
0x2e2: {  	v3 =	vld [tilespmem:$0x220];
	_ =	sdelay $0x4  }
0x2e3: {  	v26 =	vshrl.u32 v3, $0x3  }
0x2e4: {  	v4 =	vmul.u32 $0x30, v26  }
0x2e5: {  	v3 =	vand.u32 $0x7, v3  }
0x2e6: {  	v3 =	vor.u32 v3, v4  }
0x2e7: {  	v4 =	vperm.xlane v3, v0;
	_ =	sdelay $0x1  }
0x2e8: {  	v4 =	vadd.s32 v1, v4;
	_ =	sdelay $0x3  }
0x2e9: {  	s23 =	simm.s32 $0x6500;
	v3 =	vperm.xlane v3, v2  }
0x2ea: {  	[tilespmem:s23], [sflag:$0x1] =	stream.indirect_vreg.gather [hbm4b:s2+s3], $0x80, v4, vm0, $0xb8;
	[tilespmem:$0x18500] =	vst v63  }
0x2eb: {  	s12 =	simm.s32 $0x6D00;
	v3 =	vadd.s32 v1, v3  }
0x2ec: {  	[tilespmem:s12], [sflag:$0x1] =	stream.indirect_vreg.gather [hbm4b:s26+s3], $0x80, v4, vm0, $0xb8;
	[tilespmem:$0x18500] =	vst v63  }
0x2ed: {  	s13 =	simm.s32 $0x7500  }
0x2ee: {  	[tilespmem:s13], [sflag:$0x1] =	stream.indirect_vreg.gather [hbm4b:s28+s3], $0x80, v4, vm0, $0xb8;
	[tilespmem:$0x18500] =	vst v63  }
0x2ef: {  	s14 =	simm.s32 $0x7D00  }
0x2f0: {  	[tilespmem:s14], [sflag:$0x1] =	stream.indirect_vreg.gather [hbm4b:s2+s3], $0x80, v3, vm0, $0xb8;
	[tilespmem:$0x18500] =	vst v63  }
0x2f1: {  	s15 =	simm.s32 $0x8500  }
0x2f2: {  	[tilespmem:s15], [sflag:$0x1] =	stream.indirect_vreg.gather [hbm4b:s26+s3], $0x80, v3, vm0, $0xb8;
	[tilespmem:$0x18500] =	vst v63  }
0x2f3: {  	s23 =	simm.s32 $0x8D00  }
0x2f4: {  	[tilespmem:s23], [sflag:$0x1] =	stream.indirect_vreg.gather [hbm4b:s28+s3], $0x80, v3, vm0, $0xb8;
	[tilespmem:$0x18500] =	vst v63  }
0x2f5: {  	v3 =	vld [tilespmem:$0x230];
	_ =	sdelay $0x4  }
0x2f6: {  	v27 =	vshrl.u32 v3, $0x3  }
0x2f7: {  	v4 =	vmul.u32 $0x30, v27  }
0x2f8: {  	v3 =	vand.u32 $0x7, v3  }
0x2f9: {  	v3 =	vor.u32 v3, v4  }
0x2fa: {  	v4 =	vperm.xlane v3, v0;
	_ =	sdelay $0x1  }
0x2fb: {  	v4 =	vadd.s32 v1, v4;
	_ =	sdelay $0x3  }
0x2fc: {  	s23 =	simm.s32 $0x9500;
	v3 =	vperm.xlane v3, v2  }
0x2fd: {  	[tilespmem:s23], [sflag:$0x1] =	stream.indirect_vreg.gather [hbm4b:s2+s3], $0x80, v4, vm0, $0xb8;
	[tilespmem:$0x18500] =	vst v63  }
0x2fe: {  	s16 =	simm.s32 $0x9D00;
	v3 =	vadd.s32 v1, v3  }
0x2ff: {  	[tilespmem:s16], [sflag:$0x1] =	stream.indirect_vreg.gather [hbm4b:s26+s3], $0x80, v4, vm0, $0xb8;
	[tilespmem:$0x18500] =	vst v63  }
0x300: {  	s17 =	simm.s32 $0xA500  }
0x301: {  	[tilespmem:s17], [sflag:$0x1] =	stream.indirect_vreg.gather [hbm4b:s28+s3], $0x80, v4, vm0, $0xb8;
	[tilespmem:$0x18500] =	vst v63  }
0x302: {  	s18 =	simm.s32 $0xAD00  }
0x303: {  	[tilespmem:s18], [sflag:$0x1] =	stream.indirect_vreg.gather [hbm4b:s2+s3], $0x80, v3, vm0, $0xb8;
	[tilespmem:$0x18500] =	vst v63  }
0x304: {  	s19 =	simm.s32 $0xB500  }
0x305: {  	[tilespmem:s19], [sflag:$0x1] =	stream.indirect_vreg.gather [hbm4b:s26+s3], $0x80, v3, vm0, $0xb8;
	[tilespmem:$0x18500] =	vst v63  }
0x306: {  	s23 =	simm.s32 $0xBD00  }
0x307: {  	[tilespmem:s23], [sflag:$0x1] =	stream.indirect_vreg.gather [hbm4b:s28+s3], $0x80, v3, vm0, $0xb8;
	[tilespmem:$0x18500] =	vst v63  }
0x308: {  	_ =	swait.ge [sflag:s1], $0xC000  }
0x309: {  	[sflag:s1] =	ssyncset.done $0x0  }
0x30a: {  	s23 =	rddreg [dreg:$0xc];
	[sflag:s1] =	ssyncadd.s32 $0xFFFF4000  }
0x30b: {  	[hbm4b:s23+s3] =	stream.linear.scatter [tilespmem:s22], [sflag:$0x4], $0xC000, $0x38;
	[tilespmem:$0x18500] =	vst v63  }
0x30c: {  	_ =	swait.ge [sflag:s0], $0xC000  }
0x30d: {  	[sflag:s0] =	ssyncset.done $0x0  }
0x30e: {  	[sflag:s0] =	ssyncadd.s32 $0xFFFF4000  }
0x30f: {  	v3 =	vld [tilespmem:$0x240];
	_ =	sdelay $0x4  }
0x310: {  	v28 =	vshrl.u32 v3, $0x3  }
0x311: {  	v4 =	vmul.u32 $0x30, v28  }
0x312: {  	v3 =	vand.u32 $0x7, v3  }
0x313: {  	v3 =	vor.u32 v3, v4  }
0x314: {  	v4 =	vperm.xlane v3, v0;
	_ =	sdelay $0x1  }
0x315: {  	v4 =	vadd.s32 v1, v4;
	_ =	sdelay $0x3  }
0x316: {  	v3 =	vperm.xlane v3, v2  }
0x317: {  	[tilespmem:s22], [sflag:$0x2] =	stream.indirect_vreg.gather [hbm4b:s2+s3], $0x80, v4, vm0, $0xb8;
	[tilespmem:$0x18500] =	vst v63  }
0x318: {  	s20 =	simm.s32 $0xCD00;
	v3 =	vadd.s32 v1, v3  }
0x319: {  	[tilespmem:s20], [sflag:$0x2] =	stream.indirect_vreg.gather [hbm4b:s26+s3], $0x80, v4, vm0, $0xb8;
	[tilespmem:$0x18500] =	vst v63  }
0x31a: {  	s23 =	simm.s32 $0xD500  }
0x31b: {  	[tilespmem:s23], [sflag:$0x2] =	stream.indirect_vreg.gather [hbm4b:s28+s3], $0x80, v4, vm0, $0xb8;
	[tilespmem:$0x18500] =	vst v63  }
0x31c: {  	s23 =	simm.s32 $0xDD00  }
0x31d: {  	[tilespmem:s23], [sflag:$0x2] =	stream.indirect_vreg.gather [hbm4b:s2+s3], $0x80, v3, vm0, $0xb8;
	[tilespmem:$0x18500] =	vst v63  }
0x31e: {  	s23 =	simm.s32 $0xE500  }
0x31f: {  	[tilespmem:s23], [sflag:$0x2] =	stream.indirect_vreg.gather [hbm4b:s26+s3], $0x80, v3, vm0, $0xb8;
	[tilespmem:$0x18500] =	vst v63  }
0x320: {  	s23 =	simm.s32 $0xED00  }
0x321: {  	[tilespmem:s23], [sflag:$0x2] =	stream.indirect_vreg.gather [hbm4b:s28+s3], $0x80, v3, vm0, $0xb8;
	[tilespmem:$0x18500] =	vst v63  }
0x322: {  	v3 =	vld [tilespmem:$0x250];
	_ =	sdelay $0x4  }
0x323: {  	v29 =	vshrl.u32 v3, $0x3  }
0x324: {  	v4 =	vmul.u32 $0x30, v29  }
0x325: {  	v3 =	vand.u32 $0x7, v3  }
0x326: {  	v3 =	vor.u32 v3, v4  }
0x327: {  	v4 =	vperm.xlane v3, v0;
	_ =	sdelay $0x1  }
0x328: {  	v4 =	vadd.s32 v1, v4;
	_ =	sdelay $0x3  }
0x329: {  	s23 =	simm.s32 $0xF500;
	v3 =	vperm.xlane v3, v2  }
0x32a: {  	[tilespmem:s23], [sflag:$0x2] =	stream.indirect_vreg.gather [hbm4b:s2+s3], $0x80, v4, vm0, $0xb8;
	[tilespmem:$0x18500] =	vst v63  }
0x32b: {  	s25 =	simm.s32 $0xFD00;
	v3 =	vadd.s32 v1, v3  }
0x32c: {  	[tilespmem:s25], [sflag:$0x2] =	stream.indirect_vreg.gather [hbm4b:s26+s3], $0x80, v4, vm0, $0xb8;
	[tilespmem:$0x18500] =	vst v63  }
0x32d: {  	s23 =	simm.s32 $0x10500  }
0x32e: {  	[tilespmem:s23], [sflag:$0x2] =	stream.indirect_vreg.gather [hbm4b:s28+s3], $0x80, v4, vm0, $0xb8;
	[tilespmem:$0x18500] =	vst v63  }
0x32f: {  	s23 =	simm.s32 $0x10D00  }
0x330: {  	[tilespmem:s23], [sflag:$0x2] =	stream.indirect_vreg.gather [hbm4b:s2+s3], $0x80, v3, vm0, $0xb8;
	[tilespmem:$0x18500] =	vst v63  }
0x331: {  	s23 =	simm.s32 $0x11500  }
0x332: {  	[tilespmem:s23], [sflag:$0x2] =	stream.indirect_vreg.gather [hbm4b:s26+s3], $0x80, v3, vm0, $0xb8;
	[tilespmem:$0x18500] =	vst v63  }
0x333: {  	s23 =	simm.s32 $0x11D00  }
0x334: {  	[tilespmem:s23], [sflag:$0x2] =	stream.indirect_vreg.gather [hbm4b:s28+s3], $0x80, v3, vm0, $0xb8;
	[tilespmem:$0x18500] =	vst v63  }
0x335: {  	v3 =	vld [tilespmem:$0x260];
	_ =	sdelay $0x4  }
0x336: {  	v30 =	vshrl.u32 v3, $0x3  }
0x337: {  	v4 =	vmul.u32 $0x30, v30  }
0x338: {  	v3 =	vand.u32 $0x7, v3  }
0x339: {  	v3 =	vor.u32 v3, v4  }
0x33a: {  	v4 =	vperm.xlane v3, v0;
	_ =	sdelay $0x1  }
0x33b: {  	v4 =	vadd.s32 v1, v4;
	_ =	sdelay $0x3  }
0x33c: {  	s23 =	simm.s32 $0x12500;
	v3 =	vperm.xlane v3, v2  }
0x33d: {  	[tilespmem:s23], [sflag:$0x2] =	stream.indirect_vreg.gather [hbm4b:s2+s3], $0x80, v4, vm0, $0xb8;
	[tilespmem:$0x18500] =	vst v63  }
0x33e: {  	s21 =	simm.s32 $0x12D00;
	v3 =	vadd.s32 v1, v3  }
0x33f: {  	[tilespmem:s21], [sflag:$0x2] =	stream.indirect_vreg.gather [hbm4b:s26+s3], $0x80, v4, vm0, $0xb8;
	[tilespmem:$0x18500] =	vst v63  }
0x340: {  	s24 =	simm.s32 $0x13500  }
0x341: {  	[tilespmem:s24], [sflag:$0x2] =	stream.indirect_vreg.gather [hbm4b:s28+s3], $0x80, v4, vm0, $0xb8;
	[tilespmem:$0x18500] =	vst v63  }
0x342: {  	s23 =	simm.s32 $0x13D00  }
0x343: {  	[tilespmem:s23], [sflag:$0x2] =	stream.indirect_vreg.gather [hbm4b:s2+s3], $0x80, v3, vm0, $0xb8;
	[tilespmem:$0x18500] =	vst v63  }
0x344: {  	s23 =	simm.s32 $0x14500  }
0x345: {  	[tilespmem:s23], [sflag:$0x2] =	stream.indirect_vreg.gather [hbm4b:s26+s3], $0x80, v3, vm0, $0xb8;
	[tilespmem:$0x18500] =	vst v63  }
0x346: {  	s23 =	simm.s32 $0x14D00  }
0x347: {  	[tilespmem:s23], [sflag:$0x2] =	stream.indirect_vreg.gather [hbm4b:s28+s3], $0x80, v3, vm0, $0xb8;
	[tilespmem:$0x18500] =	vst v63  }
0x348: {  	v3 =	vld [tilespmem:$0x270];
	_ =	sdelay $0x4  }
0x349: {  	v31 =	vshrl.u32 v3, $0x3  }
0x34a: {  	v4 =	vmul.u32 $0x30, v31  }
0x34b: {  	v3 =	vand.u32 $0x7, v3  }
0x34c: {  	v3 =	vor.u32 v3, v4  }
0x34d: {  	v4 =	vperm.xlane v3, v0;
	_ =	sdelay $0x1  }
0x34e: {  	v4 =	vadd.s32 v1, v4;
	_ =	sdelay $0x3  }
0x34f: {  	s23 =	simm.s32 $0x15500;
	v3 =	vperm.xlane v3, v2  }
0x350: {  	[tilespmem:s23], [sflag:$0x2] =	stream.indirect_vreg.gather [hbm4b:s2+s3], $0x80, v4, vm0, $0xb8;
	[tilespmem:$0x18500] =	vst v63  }
0x351: {  	v3 =	vadd.s32 v1, v3;
	s23 =	simm.s32 $0x15D00  }
0x352: {  	[tilespmem:s23], [sflag:$0x2] =	stream.indirect_vreg.gather [hbm4b:s26+s3], $0x80, v4, vm0, $0xb8;
	[tilespmem:$0x18500] =	vst v63  }
0x353: {  	s23 =	simm.s32 $0x16500  }
0x354: {  	[tilespmem:s23], [sflag:$0x2] =	stream.indirect_vreg.gather [hbm4b:s28+s3], $0x80, v4, vm0, $0xb8;
	[tilespmem:$0x18500] =	vst v63  }
0x355: {  	s23 =	simm.s32 $0x16D00  }
0x356: {  	[tilespmem:s23], [sflag:$0x2] =	stream.indirect_vreg.gather [hbm4b:s2+s3], $0x80, v3, vm0, $0xb8;
	[tilespmem:$0x18500] =	vst v63  }
0x357: {  	s23 =	simm.s32 $0x17500  }
0x358: {  	[tilespmem:s23], [sflag:$0x2] =	stream.indirect_vreg.gather [hbm4b:s26+s3], $0x80, v3, vm0, $0xb8;
	[tilespmem:$0x18500] =	vst v63  }
0x359: {  	s23 =	simm.s32 $0x17D00  }
0x35a: {  	[tilespmem:s23], [sflag:$0x2] =	stream.indirect_vreg.gather [hbm4b:s28+s3], $0x80, v3, vm0, $0xb8;
	[tilespmem:$0x18500] =	vst v63  }
0x35b: {  	_ =	swait.ge [sflag:s29], $0xC000  }
0x35c: {  	[sflag:s29] =	ssyncset.done $0x0  }
0x35d: {  	s23 =	rddreg [dreg:$0xd];
	[sflag:s29] =	ssyncadd.s32 $0xFFFF4000  }
0x35e: {  	[hbm4b:s23+s3] =	stream.linear.scatter [tilespmem:s30], [sflag:$0x3], $0xC000, $0x38;
	[tilespmem:$0x18500] =	vst v63  }
0x35f: {  	_ =	swait.ge [sflag:s31], $0xC000  }
0x360: {  	[sflag:s31] =	ssyncset.done $0x0  }
0x361: {  	[sflag:s31] =	ssyncadd.s32 $0xFFFF4000  }
0x362: {  	v3 =	vld [tilespmem:$0x280];
	_ =	sdelay $0x4  }
0x363: {  	v32 =	vshrl.u32 v3, $0x3  }
0x364: {  	v4 =	vmul.u32 $0x30, v32  }
0x365: {  	v3 =	vand.u32 $0x7, v3  }
0x366: {  	v3 =	vor.u32 v3, v4  }
0x367: {  	v4 =	vperm.xlane v3, v0;
	_ =	sdelay $0x1  }
0x368: {  	v4 =	vadd.s32 v1, v4;
	_ =	sdelay $0x3  }
0x369: {  	v3 =	vperm.xlane v3, v2  }
0x36a: {  	[tilespmem:s30], [sflag:$0x1] =	stream.indirect_vreg.gather [hbm4b:s2+s3], $0x80, v4, vm0, $0xb8;
	[tilespmem:$0x18500] =	vst v63  }
0x36b: {  	s4 =	simm.s32 $0xD00;
	v3 =	vadd.s32 v1, v3  }
0x36c: {  	[tilespmem:s4], [sflag:$0x1] =	stream.indirect_vreg.gather [hbm4b:s26+s3], $0x80, v4, vm0, $0xb8;
	[tilespmem:$0x18500] =	vst v63  }
0x36d: {  	s5 =	simm.s32 $0x1500  }
0x36e: {  	[tilespmem:s5], [sflag:$0x1] =	stream.indirect_vreg.gather [hbm4b:s28+s3], $0x80, v4, vm0, $0xb8;
	[tilespmem:$0x18500] =	vst v63  }
0x36f: {  	s6 =	simm.s32 $0x1D00  }
0x370: {  	[tilespmem:s6], [sflag:$0x1] =	stream.indirect_vreg.gather [hbm4b:s2+s3], $0x80, v3, vm0, $0xb8;
	[tilespmem:$0x18500] =	vst v63  }
0x371: {  	s7 =	simm.s32 $0x2500  }
0x372: {  	[tilespmem:s7], [sflag:$0x1] =	stream.indirect_vreg.gather [hbm4b:s26+s3], $0x80, v3, vm0, $0xb8;
	[tilespmem:$0x18500] =	vst v63  }
0x373: {  	s23 =	simm.s32 $0x2D00  }
0x374: {  	[tilespmem:s23], [sflag:$0x1] =	stream.indirect_vreg.gather [hbm4b:s28+s3], $0x80, v3, vm0, $0xb8;
	[tilespmem:$0x18500] =	vst v63  }
0x375: {  	v3 =	vld [tilespmem:$0x290];
	_ =	sdelay $0x4  }
0x376: {  	v33 =	vshrl.u32 v3, $0x3  }
0x377: {  	v4 =	vmul.u32 $0x30, v33  }
0x378: {  	v3 =	vand.u32 $0x7, v3  }
0x379: {  	v3 =	vor.u32 v3, v4  }
0x37a: {  	v4 =	vperm.xlane v3, v0;
	_ =	sdelay $0x1  }
0x37b: {  	v4 =	vadd.s32 v1, v4;
	_ =	sdelay $0x3  }
0x37c: {  	s23 =	simm.s32 $0x3500;
	v3 =	vperm.xlane v3, v2  }
0x37d: {  	[tilespmem:s23], [sflag:$0x1] =	stream.indirect_vreg.gather [hbm4b:s2+s3], $0x80, v4, vm0, $0xb8;
	[tilespmem:$0x18500] =	vst v63  }
0x37e: {  	s8 =	simm.s32 $0x3D00;
	v3 =	vadd.s32 v1, v3  }
0x37f: {  	[tilespmem:s8], [sflag:$0x1] =	stream.indirect_vreg.gather [hbm4b:s26+s3], $0x80, v4, vm0, $0xb8;
	[tilespmem:$0x18500] =	vst v63  }
0x380: {  	s9 =	simm.s32 $0x4500  }
0x381: {  	[tilespmem:s9], [sflag:$0x1] =	stream.indirect_vreg.gather [hbm4b:s28+s3], $0x80, v4, vm0, $0xb8;
	[tilespmem:$0x18500] =	vst v63  }
0x382: {  	s10 =	simm.s32 $0x4D00  }
0x383: {  	[tilespmem:s10], [sflag:$0x1] =	stream.indirect_vreg.gather [hbm4b:s2+s3], $0x80, v3, vm0, $0xb8;
	[tilespmem:$0x18500] =	vst v63  }
0x384: {  	s11 =	simm.s32 $0x5500  }
0x385: {  	[tilespmem:s11], [sflag:$0x1] =	stream.indirect_vreg.gather [hbm4b:s26+s3], $0x80, v3, vm0, $0xb8;
	[tilespmem:$0x18500] =	vst v63  }
0x386: {  	s23 =	simm.s32 $0x5D00  }
0x387: {  	[tilespmem:s23], [sflag:$0x1] =	stream.indirect_vreg.gather [hbm4b:s28+s3], $0x80, v3, vm0, $0xb8;
	[tilespmem:$0x18500] =	vst v63  }
0x388: {  	v3 =	vld [tilespmem:$0x2A0];
	_ =	sdelay $0x4  }
0x389: {  	v34 =	vshrl.u32 v3, $0x3  }
0x38a: {  	v4 =	vmul.u32 $0x30, v34  }
0x38b: {  	v3 =	vand.u32 $0x7, v3  }
0x38c: {  	v3 =	vor.u32 v3, v4  }
0x38d: {  	v4 =	vperm.xlane v3, v0;
	_ =	sdelay $0x1  }
0x38e: {  	v4 =	vadd.s32 v1, v4;
	_ =	sdelay $0x3  }
0x38f: {  	s23 =	simm.s32 $0x6500;
	v3 =	vperm.xlane v3, v2  }
0x390: {  	[tilespmem:s23], [sflag:$0x1] =	stream.indirect_vreg.gather [hbm4b:s2+s3], $0x80, v4, vm0, $0xb8;
	[tilespmem:$0x18500] =	vst v63  }
0x391: {  	s12 =	simm.s32 $0x6D00;
	v3 =	vadd.s32 v1, v3  }
0x392: {  	[tilespmem:s12], [sflag:$0x1] =	stream.indirect_vreg.gather [hbm4b:s26+s3], $0x80, v4, vm0, $0xb8;
	[tilespmem:$0x18500] =	vst v63  }
0x393: {  	s13 =	simm.s32 $0x7500  }
0x394: {  	[tilespmem:s13], [sflag:$0x1] =	stream.indirect_vreg.gather [hbm4b:s28+s3], $0x80, v4, vm0, $0xb8;
	[tilespmem:$0x18500] =	vst v63  }
0x395: {  	s14 =	simm.s32 $0x7D00  }
0x396: {  	[tilespmem:s14], [sflag:$0x1] =	stream.indirect_vreg.gather [hbm4b:s2+s3], $0x80, v3, vm0, $0xb8;
	[tilespmem:$0x18500] =	vst v63  }
0x397: {  	s15 =	simm.s32 $0x8500  }
0x398: {  	[tilespmem:s15], [sflag:$0x1] =	stream.indirect_vreg.gather [hbm4b:s26+s3], $0x80, v3, vm0, $0xb8;
	[tilespmem:$0x18500] =	vst v63  }
0x399: {  	s23 =	simm.s32 $0x8D00  }
0x39a: {  	[tilespmem:s23], [sflag:$0x1] =	stream.indirect_vreg.gather [hbm4b:s28+s3], $0x80, v3, vm0, $0xb8;
	[tilespmem:$0x18500] =	vst v63  }
0x39b: {  	v3 =	vld [tilespmem:$0x2B0];
	_ =	sdelay $0x4  }
0x39c: {  	v35 =	vshrl.u32 v3, $0x3  }
0x39d: {  	v4 =	vmul.u32 $0x30, v35  }
0x39e: {  	v3 =	vand.u32 $0x7, v3  }
0x39f: {  	v3 =	vor.u32 v3, v4  }
0x3a0: {  	v4 =	vperm.xlane v3, v0;
	_ =	sdelay $0x1  }
0x3a1: {  	v4 =	vadd.s32 v1, v4;
	_ =	sdelay $0x3  }
0x3a2: {  	s23 =	simm.s32 $0x9500;
	v3 =	vperm.xlane v3, v2  }
0x3a3: {  	[tilespmem:s23], [sflag:$0x1] =	stream.indirect_vreg.gather [hbm4b:s2+s3], $0x80, v4, vm0, $0xb8;
	[tilespmem:$0x18500] =	vst v63  }
0x3a4: {  	s16 =	simm.s32 $0x9D00;
	v3 =	vadd.s32 v1, v3  }
0x3a5: {  	[tilespmem:s16], [sflag:$0x1] =	stream.indirect_vreg.gather [hbm4b:s26+s3], $0x80, v4, vm0, $0xb8;
	[tilespmem:$0x18500] =	vst v63  }
0x3a6: {  	s17 =	simm.s32 $0xA500  }
0x3a7: {  	[tilespmem:s17], [sflag:$0x1] =	stream.indirect_vreg.gather [hbm4b:s28+s3], $0x80, v4, vm0, $0xb8;
	[tilespmem:$0x18500] =	vst v63  }
0x3a8: {  	s18 =	simm.s32 $0xAD00  }
0x3a9: {  	[tilespmem:s18], [sflag:$0x1] =	stream.indirect_vreg.gather [hbm4b:s2+s3], $0x80, v3, vm0, $0xb8;
	[tilespmem:$0x18500] =	vst v63  }
0x3aa: {  	s19 =	simm.s32 $0xB500  }
0x3ab: {  	[tilespmem:s19], [sflag:$0x1] =	stream.indirect_vreg.gather [hbm4b:s26+s3], $0x80, v3, vm0, $0xb8;
	[tilespmem:$0x18500] =	vst v63  }
0x3ac: {  	s23 =	simm.s32 $0xBD00  }
0x3ad: {  	[tilespmem:s23], [sflag:$0x1] =	stream.indirect_vreg.gather [hbm4b:s28+s3], $0x80, v3, vm0, $0xb8;
	[tilespmem:$0x18500] =	vst v63  }
0x3ae: {  	_ =	swait.ge [sflag:s1], $0xC000  }
0x3af: {  	[sflag:s1] =	ssyncset.done $0x0  }
0x3b0: {  	s4 =	rddreg [dreg:$0xe];
	[sflag:s1] =	ssyncadd.s32 $0xFFFF4000  }
0x3b1: {  	[hbm4b:s4+s3] =	stream.linear.scatter [tilespmem:s22], [sflag:$0x4], $0xC000, $0x38;
	[tilespmem:$0x18500] =	vst v63  }
0x3b2: {  	_ =	swait.ge [sflag:s0], $0xC000  }
0x3b3: {  	[sflag:s0] =	ssyncset.done $0x0  }
0x3b4: {  	[sflag:s0] =	ssyncadd.s32 $0xFFFF4000  }
0x3b5: {  	v3 =	vld [tilespmem:$0x2C0];
	_ =	sdelay $0x4  }
0x3b6: {  	v36 =	vshrl.u32 v3, $0x3  }
0x3b7: {  	v4 =	vmul.u32 $0x30, v36  }
0x3b8: {  	v3 =	vand.u32 $0x7, v3  }
0x3b9: {  	v3 =	vor.u32 v3, v4  }
0x3ba: {  	v4 =	vperm.xlane v3, v0;
	_ =	sdelay $0x1  }
0x3bb: {  	v4 =	vadd.s32 v1, v4;
	_ =	sdelay $0x3  }
0x3bc: {  	v3 =	vperm.xlane v3, v2  }
0x3bd: {  	[tilespmem:s22], [sflag:$0x2] =	stream.indirect_vreg.gather [hbm4b:s2+s3], $0x80, v4, vm0, $0xb8;
	[tilespmem:$0x18500] =	vst v63  }
0x3be: {  	s20 =	simm.s32 $0xCD00;
	v3 =	vadd.s32 v1, v3  }
0x3bf: {  	[tilespmem:s20], [sflag:$0x2] =	stream.indirect_vreg.gather [hbm4b:s26+s3], $0x80, v4, vm0, $0xb8;
	[tilespmem:$0x18500] =	vst v63  }
0x3c0: {  	s23 =	simm.s32 $0xD500  }
0x3c1: {  	[tilespmem:s23], [sflag:$0x2] =	stream.indirect_vreg.gather [hbm4b:s28+s3], $0x80, v4, vm0, $0xb8;
	[tilespmem:$0x18500] =	vst v63  }
0x3c2: {  	s23 =	simm.s32 $0xDD00  }
0x3c3: {  	[tilespmem:s23], [sflag:$0x2] =	stream.indirect_vreg.gather [hbm4b:s2+s3], $0x80, v3, vm0, $0xb8;
	[tilespmem:$0x18500] =	vst v63  }
0x3c4: {  	s23 =	simm.s32 $0xE500  }
0x3c5: {  	[tilespmem:s23], [sflag:$0x2] =	stream.indirect_vreg.gather [hbm4b:s26+s3], $0x80, v3, vm0, $0xb8;
	[tilespmem:$0x18500] =	vst v63  }
0x3c6: {  	s23 =	simm.s32 $0xED00  }
0x3c7: {  	[tilespmem:s23], [sflag:$0x2] =	stream.indirect_vreg.gather [hbm4b:s28+s3], $0x80, v3, vm0, $0xb8;
	[tilespmem:$0x18500] =	vst v63  }
0x3c8: {  	v3 =	vld [tilespmem:$0x2D0];
	_ =	sdelay $0x4  }
0x3c9: {  	v37 =	vshrl.u32 v3, $0x3  }
0x3ca: {  	v4 =	vmul.u32 $0x30, v37  }
0x3cb: {  	v3 =	vand.u32 $0x7, v3  }
0x3cc: {  	v3 =	vor.u32 v3, v4  }
0x3cd: {  	v4 =	vperm.xlane v3, v0;
	_ =	sdelay $0x1  }
0x3ce: {  	v4 =	vadd.s32 v1, v4;
	_ =	sdelay $0x3  }
0x3cf: {  	s23 =	simm.s32 $0xF500;
	v3 =	vperm.xlane v3, v2  }
0x3d0: {  	[tilespmem:s23], [sflag:$0x2] =	stream.indirect_vreg.gather [hbm4b:s2+s3], $0x80, v4, vm0, $0xb8;
	[tilespmem:$0x18500] =	vst v63  }
0x3d1: {  	s25 =	simm.s32 $0xFD00;
	v3 =	vadd.s32 v1, v3  }
0x3d2: {  	[tilespmem:s25], [sflag:$0x2] =	stream.indirect_vreg.gather [hbm4b:s26+s3], $0x80, v4, vm0, $0xb8;
	[tilespmem:$0x18500] =	vst v63  }
0x3d3: {  	s23 =	simm.s32 $0x10500  }
0x3d4: {  	[tilespmem:s23], [sflag:$0x2] =	stream.indirect_vreg.gather [hbm4b:s28+s3], $0x80, v4, vm0, $0xb8;
	[tilespmem:$0x18500] =	vst v63  }
0x3d5: {  	s23 =	simm.s32 $0x10D00  }
0x3d6: {  	[tilespmem:s23], [sflag:$0x2] =	stream.indirect_vreg.gather [hbm4b:s2+s3], $0x80, v3, vm0, $0xb8;
	[tilespmem:$0x18500] =	vst v63  }
0x3d7: {  	s23 =	simm.s32 $0x11500  }
0x3d8: {  	[tilespmem:s23], [sflag:$0x2] =	stream.indirect_vreg.gather [hbm4b:s26+s3], $0x80, v3, vm0, $0xb8;
	[tilespmem:$0x18500] =	vst v63  }
0x3d9: {  	s23 =	simm.s32 $0x11D00  }
0x3da: {  	[tilespmem:s23], [sflag:$0x2] =	stream.indirect_vreg.gather [hbm4b:s28+s3], $0x80, v3, vm0, $0xb8;
	[tilespmem:$0x18500] =	vst v63  }
0x3db: {  	v3 =	vld [tilespmem:$0x2E0];
	_ =	sdelay $0x4  }
0x3dc: {  	v38 =	vshrl.u32 v3, $0x3  }
0x3dd: {  	v4 =	vmul.u32 $0x30, v38  }
0x3de: {  	v3 =	vand.u32 $0x7, v3  }
0x3df: {  	v3 =	vor.u32 v3, v4  }
0x3e0: {  	v4 =	vperm.xlane v3, v0;
	_ =	sdelay $0x1  }
0x3e1: {  	v4 =	vadd.s32 v1, v4;
	_ =	sdelay $0x3  }
0x3e2: {  	s23 =	simm.s32 $0x12500;
	v3 =	vperm.xlane v3, v2  }
0x3e3: {  	[tilespmem:s23], [sflag:$0x2] =	stream.indirect_vreg.gather [hbm4b:s2+s3], $0x80, v4, vm0, $0xb8;
	[tilespmem:$0x18500] =	vst v63  }
0x3e4: {  	s21 =	simm.s32 $0x12D00;
	v3 =	vadd.s32 v1, v3  }
0x3e5: {  	[tilespmem:s21], [sflag:$0x2] =	stream.indirect_vreg.gather [hbm4b:s26+s3], $0x80, v4, vm0, $0xb8;
	[tilespmem:$0x18500] =	vst v63  }
0x3e6: {  	s24 =	simm.s32 $0x13500  }
0x3e7: {  	[tilespmem:s24], [sflag:$0x2] =	stream.indirect_vreg.gather [hbm4b:s28+s3], $0x80, v4, vm0, $0xb8;
	[tilespmem:$0x18500] =	vst v63  }
0x3e8: {  	s23 =	simm.s32 $0x13D00  }
0x3e9: {  	[tilespmem:s23], [sflag:$0x2] =	stream.indirect_vreg.gather [hbm4b:s2+s3], $0x80, v3, vm0, $0xb8;
	[tilespmem:$0x18500] =	vst v63  }
0x3ea: {  	s23 =	simm.s32 $0x14500  }
0x3eb: {  	[tilespmem:s23], [sflag:$0x2] =	stream.indirect_vreg.gather [hbm4b:s26+s3], $0x80, v3, vm0, $0xb8;
	[tilespmem:$0x18500] =	vst v63  }
0x3ec: {  	s23 =	simm.s32 $0x14D00  }
0x3ed: {  	[tilespmem:s23], [sflag:$0x2] =	stream.indirect_vreg.gather [hbm4b:s28+s3], $0x80, v3, vm0, $0xb8;
	[tilespmem:$0x18500] =	vst v63  }
0x3ee: {  	v3 =	vld [tilespmem:$0x2F0];
	_ =	sdelay $0x4  }
0x3ef: {  	v39 =	vshrl.u32 v3, $0x3  }
0x3f0: {  	v4 =	vmul.u32 $0x30, v39  }
0x3f1: {  	v3 =	vand.u32 $0x7, v3  }
0x3f2: {  	v3 =	vor.u32 v3, v4  }
0x3f3: {  	v4 =	vperm.xlane v3, v0;
	_ =	sdelay $0x1  }
0x3f4: {  	v4 =	vadd.s32 v1, v4;
	_ =	sdelay $0x3  }
0x3f5: {  	s23 =	simm.s32 $0x15500;
	v3 =	vperm.xlane v3, v2  }
0x3f6: {  	[tilespmem:s23], [sflag:$0x2] =	stream.indirect_vreg.gather [hbm4b:s2+s3], $0x80, v4, vm0, $0xb8;
	[tilespmem:$0x18500] =	vst v63  }
0x3f7: {  	v3 =	vadd.s32 v1, v3;
	s23 =	simm.s32 $0x15D00  }
0x3f8: {  	[tilespmem:s23], [sflag:$0x2] =	stream.indirect_vreg.gather [hbm4b:s26+s3], $0x80, v4, vm0, $0xb8;
	[tilespmem:$0x18500] =	vst v63  }
0x3f9: {  	s23 =	simm.s32 $0x16500  }
0x3fa: {  	[tilespmem:s23], [sflag:$0x2] =	stream.indirect_vreg.gather [hbm4b:s28+s3], $0x80, v4, vm0, $0xb8;
	[tilespmem:$0x18500] =	vst v63  }
0x3fb: {  	s23 =	simm.s32 $0x16D00  }
0x3fc: {  	[tilespmem:s23], [sflag:$0x2] =	stream.indirect_vreg.gather [hbm4b:s2+s3], $0x80, v3, vm0, $0xb8;
	[tilespmem:$0x18500] =	vst v63  }
0x3fd: {  	s23 =	simm.s32 $0x17500  }
0x3fe: {  	[tilespmem:s23], [sflag:$0x2] =	stream.indirect_vreg.gather [hbm4b:s26+s3], $0x80, v3, vm0, $0xb8;
	[tilespmem:$0x18500] =	vst v63  }
0x3ff: {  	s23 =	simm.s32 $0x17D00  }
0x400: {  	[tilespmem:s23], [sflag:$0x2] =	stream.indirect_vreg.gather [hbm4b:s28+s3], $0x80, v3, vm0, $0xb8;
	[tilespmem:$0x18500] =	vst v63  }
0x401: {  	_ =	swait.ge [sflag:s29], $0xC000  }
0x402: {  	[sflag:s29] =	ssyncset.done $0x0  }
0x403: {  	s23 =	rddreg [dreg:$0xf];
	[sflag:s29] =	ssyncadd.s32 $0xFFFF4000  }
0x404: {  	[hbm4b:s23+s3] =	stream.linear.scatter [tilespmem:s30], [sflag:$0x3], $0xC000, $0x38;
	[tilespmem:$0x18500] =	vst v63  }
0x405: {  	_ =	swait.ge [sflag:s31], $0xC000  }
0x406: {  	[sflag:s31] =	ssyncset.done $0x0  }
0x407: {  	[sflag:s31] =	ssyncadd.s32 $0xFFFF4000  }
0x408: {  	v3 =	vld [tilespmem:$0x300];
	_ =	sdelay $0x4  }
0x409: {  	v40 =	vshrl.u32 v3, $0x3  }
0x40a: {  	v4 =	vmul.u32 $0x30, v40  }
0x40b: {  	v3 =	vand.u32 $0x7, v3  }
0x40c: {  	v3 =	vor.u32 v3, v4  }
0x40d: {  	v4 =	vperm.xlane v3, v0;
	_ =	sdelay $0x1  }
0x40e: {  	v4 =	vadd.s32 v1, v4;
	_ =	sdelay $0x3  }
0x40f: {  	v3 =	vperm.xlane v3, v2  }
0x410: {  	[tilespmem:s30], [sflag:$0x1] =	stream.indirect_vreg.gather [hbm4b:s2+s3], $0x80, v4, vm0, $0xb8;
	[tilespmem:$0x18500] =	vst v63  }
0x411: {  	s23 =	simm.s32 $0xD00;
	v3 =	vadd.s32 v1, v3  }
0x412: {  	[tilespmem:s23], [sflag:$0x1] =	stream.indirect_vreg.gather [hbm4b:s26+s3], $0x80, v4, vm0, $0xb8;
	[tilespmem:$0x18500] =	vst v63  }
0x413: {  	s5 =	simm.s32 $0x1500  }
0x414: {  	[tilespmem:s5], [sflag:$0x1] =	stream.indirect_vreg.gather [hbm4b:s28+s3], $0x80, v4, vm0, $0xb8;
	[tilespmem:$0x18500] =	vst v63  }
0x415: {  	s6 =	simm.s32 $0x1D00  }
0x416: {  	[tilespmem:s6], [sflag:$0x1] =	stream.indirect_vreg.gather [hbm4b:s2+s3], $0x80, v3, vm0, $0xb8;
	[tilespmem:$0x18500] =	vst v63  }
0x417: {  	s7 =	simm.s32 $0x2500  }
0x418: {  	[tilespmem:s7], [sflag:$0x1] =	stream.indirect_vreg.gather [hbm4b:s26+s3], $0x80, v3, vm0, $0xb8;
	[tilespmem:$0x18500] =	vst v63  }
0x419: {  	s7 =	simm.s32 $0x2D00  }
0x41a: {  	[tilespmem:s7], [sflag:$0x1] =	stream.indirect_vreg.gather [hbm4b:s28+s3], $0x80, v3, vm0, $0xb8;
	[tilespmem:$0x18500] =	vst v63  }
0x41b: {  	v3 =	vld [tilespmem:$0x310];
	_ =	sdelay $0x4  }
0x41c: {  	v41 =	vshrl.u32 v3, $0x3  }
0x41d: {  	v4 =	vmul.u32 $0x30, v41  }
0x41e: {  	v3 =	vand.u32 $0x7, v3  }
0x41f: {  	v3 =	vor.u32 v3, v4  }
0x420: {  	v4 =	vperm.xlane v3, v0;
	_ =	sdelay $0x1  }
0x421: {  	v4 =	vadd.s32 v1, v4;
	_ =	sdelay $0x3  }
0x422: {  	s23 =	simm.s32 $0x3500;
	v3 =	vperm.xlane v3, v2  }
0x423: {  	[tilespmem:s23], [sflag:$0x1] =	stream.indirect_vreg.gather [hbm4b:s2+s3], $0x80, v4, vm0, $0xb8;
	[tilespmem:$0x18500] =	vst v63  }
0x424: {  	s8 =	simm.s32 $0x3D00;
	v3 =	vadd.s32 v1, v3  }
0x425: {  	[tilespmem:s8], [sflag:$0x1] =	stream.indirect_vreg.gather [hbm4b:s26+s3], $0x80, v4, vm0, $0xb8;
	[tilespmem:$0x18500] =	vst v63  }
0x426: {  	s9 =	simm.s32 $0x4500  }
0x427: {  	[tilespmem:s9], [sflag:$0x1] =	stream.indirect_vreg.gather [hbm4b:s28+s3], $0x80, v4, vm0, $0xb8;
	[tilespmem:$0x18500] =	vst v63  }
0x428: {  	s10 =	simm.s32 $0x4D00  }
0x429: {  	[tilespmem:s10], [sflag:$0x1] =	stream.indirect_vreg.gather [hbm4b:s2+s3], $0x80, v3, vm0, $0xb8;
	[tilespmem:$0x18500] =	vst v63  }
0x42a: {  	s11 =	simm.s32 $0x5500  }
0x42b: {  	[tilespmem:s11], [sflag:$0x1] =	stream.indirect_vreg.gather [hbm4b:s26+s3], $0x80, v3, vm0, $0xb8;
	[tilespmem:$0x18500] =	vst v63  }
0x42c: {  	s6 =	simm.s32 $0x5D00  }
0x42d: {  	[tilespmem:s6], [sflag:$0x1] =	stream.indirect_vreg.gather [hbm4b:s28+s3], $0x80, v3, vm0, $0xb8;
	[tilespmem:$0x18500] =	vst v63  }
0x42e: {  	v3 =	vld [tilespmem:$0x320];
	_ =	sdelay $0x4  }
0x42f: {  	v42 =	vshrl.u32 v3, $0x3  }
0x430: {  	v4 =	vmul.u32 $0x30, v42  }
0x431: {  	v3 =	vand.u32 $0x7, v3  }
0x432: {  	v3 =	vor.u32 v3, v4  }
0x433: {  	v4 =	vperm.xlane v3, v0;
	_ =	sdelay $0x1  }
0x434: {  	v4 =	vadd.s32 v1, v4;
	_ =	sdelay $0x3  }
0x435: {  	s7 =	simm.s32 $0x6500;
	v3 =	vperm.xlane v3, v2  }
0x436: {  	[tilespmem:s7], [sflag:$0x1] =	stream.indirect_vreg.gather [hbm4b:s2+s3], $0x80, v4, vm0, $0xb8;
	[tilespmem:$0x18500] =	vst v63  }
0x437: {  	s12 =	simm.s32 $0x6D00;
	v3 =	vadd.s32 v1, v3  }
0x438: {  	[tilespmem:s12], [sflag:$0x1] =	stream.indirect_vreg.gather [hbm4b:s26+s3], $0x80, v4, vm0, $0xb8;
	[tilespmem:$0x18500] =	vst v63  }
0x439: {  	s13 =	simm.s32 $0x7500  }
0x43a: {  	[tilespmem:s13], [sflag:$0x1] =	stream.indirect_vreg.gather [hbm4b:s28+s3], $0x80, v4, vm0, $0xb8;
	[tilespmem:$0x18500] =	vst v63  }
0x43b: {  	s14 =	simm.s32 $0x7D00  }
0x43c: {  	[tilespmem:s14], [sflag:$0x1] =	stream.indirect_vreg.gather [hbm4b:s2+s3], $0x80, v3, vm0, $0xb8;
	[tilespmem:$0x18500] =	vst v63  }
0x43d: {  	s15 =	simm.s32 $0x8500  }
0x43e: {  	[tilespmem:s15], [sflag:$0x1] =	stream.indirect_vreg.gather [hbm4b:s26+s3], $0x80, v3, vm0, $0xb8;
	[tilespmem:$0x18500] =	vst v63  }
0x43f: {  	s8 =	simm.s32 $0x8D00  }
0x440: {  	[tilespmem:s8], [sflag:$0x1] =	stream.indirect_vreg.gather [hbm4b:s28+s3], $0x80, v3, vm0, $0xb8;
	[tilespmem:$0x18500] =	vst v63  }
0x441: {  	v3 =	vld [tilespmem:$0x330];
	_ =	sdelay $0x4  }
0x442: {  	v43 =	vshrl.u32 v3, $0x3  }
0x443: {  	v4 =	vmul.u32 $0x30, v43  }
0x444: {  	v3 =	vand.u32 $0x7, v3  }
0x445: {  	v3 =	vor.u32 v3, v4  }
0x446: {  	v4 =	vperm.xlane v3, v0;
	_ =	sdelay $0x1  }
0x447: {  	v4 =	vadd.s32 v1, v4;
	_ =	sdelay $0x3  }
0x448: {  	s9 =	simm.s32 $0x9500;
	v3 =	vperm.xlane v3, v2  }
0x449: {  	[tilespmem:s9], [sflag:$0x1] =	stream.indirect_vreg.gather [hbm4b:s2+s3], $0x80, v4, vm0, $0xb8;
	[tilespmem:$0x18500] =	vst v63  }
0x44a: {  	s16 =	simm.s32 $0x9D00;
	v3 =	vadd.s32 v1, v3  }
0x44b: {  	[tilespmem:s16], [sflag:$0x1] =	stream.indirect_vreg.gather [hbm4b:s26+s3], $0x80, v4, vm0, $0xb8;
	[tilespmem:$0x18500] =	vst v63  }
0x44c: {  	s17 =	simm.s32 $0xA500  }
0x44d: {  	[tilespmem:s17], [sflag:$0x1] =	stream.indirect_vreg.gather [hbm4b:s28+s3], $0x80, v4, vm0, $0xb8;
	[tilespmem:$0x18500] =	vst v63  }
0x44e: {  	s18 =	simm.s32 $0xAD00  }
0x44f: {  	[tilespmem:s18], [sflag:$0x1] =	stream.indirect_vreg.gather [hbm4b:s2+s3], $0x80, v3, vm0, $0xb8;
	[tilespmem:$0x18500] =	vst v63  }
0x450: {  	s19 =	simm.s32 $0xB500  }
0x451: {  	[tilespmem:s19], [sflag:$0x1] =	stream.indirect_vreg.gather [hbm4b:s26+s3], $0x80, v3, vm0, $0xb8;
	[tilespmem:$0x18500] =	vst v63  }
0x452: {  	s10 =	simm.s32 $0xBD00  }
0x453: {  	[tilespmem:s10], [sflag:$0x1] =	stream.indirect_vreg.gather [hbm4b:s28+s3], $0x80, v3, vm0, $0xb8;
	[tilespmem:$0x18500] =	vst v63  }
0x454: {  	_ =	swait.ge [sflag:s1], $0xC000  }
0x455: {  	[sflag:s1] =	ssyncset.done $0x0  }
0x456: {  	s11 =	rddreg [dreg:$0x10];
	[sflag:s1] =	ssyncadd.s32 $0xFFFF4000  }
0x457: {  	[hbm4b:s11+s3] =	stream.linear.scatter [tilespmem:s22], [sflag:$0x4], $0xC000, $0x38;
	[tilespmem:$0x18500] =	vst v63  }
0x458: {  	_ =	swait.ge [sflag:s0], $0xC000  }
0x459: {  	[sflag:s0] =	ssyncset.done $0x0  }
0x45a: {  	[sflag:s0] =	ssyncadd.s32 $0xFFFF4000  }
0x45b: {  	v3 =	vld [tilespmem:$0x340];
	_ =	sdelay $0x4  }
0x45c: {  	v44 =	vshrl.u32 v3, $0x3  }
0x45d: {  	v4 =	vmul.u32 $0x30, v44  }
0x45e: {  	v3 =	vand.u32 $0x7, v3  }
0x45f: {  	v3 =	vor.u32 v3, v4  }
0x460: {  	v4 =	vperm.xlane v3, v0;
	_ =	sdelay $0x1  }
0x461: {  	v4 =	vadd.s32 v1, v4;
	_ =	sdelay $0x3  }
0x462: {  	v3 =	vperm.xlane v3, v2  }
0x463: {  	[tilespmem:s22], [sflag:$0x2] =	stream.indirect_vreg.gather [hbm4b:s2+s3], $0x80, v4, vm0, $0xb8;
	[tilespmem:$0x18500] =	vst v63  }
0x464: {  	s20 =	simm.s32 $0xCD00;
	v3 =	vadd.s32 v1, v3  }
0x465: {  	[tilespmem:s20], [sflag:$0x2] =	stream.indirect_vreg.gather [hbm4b:s26+s3], $0x80, v4, vm0, $0xb8;
	[tilespmem:$0x18500] =	vst v63  }
0x466: {  	s4 =	simm.s32 $0xD500  }
0x467: {  	[tilespmem:s4], [sflag:$0x2] =	stream.indirect_vreg.gather [hbm4b:s28+s3], $0x80, v4, vm0, $0xb8;
	[tilespmem:$0x18500] =	vst v63  }
0x468: {  	s12 =	simm.s32 $0xDD00  }
0x469: {  	[tilespmem:s12], [sflag:$0x2] =	stream.indirect_vreg.gather [hbm4b:s2+s3], $0x80, v3, vm0, $0xb8;
	[tilespmem:$0x18500] =	vst v63  }
0x46a: {  	s13 =	simm.s32 $0xE500  }
0x46b: {  	[tilespmem:s13], [sflag:$0x2] =	stream.indirect_vreg.gather [hbm4b:s26+s3], $0x80, v3, vm0, $0xb8;
	[tilespmem:$0x18500] =	vst v63  }
0x46c: {  	s14 =	simm.s32 $0xED00  }
0x46d: {  	[tilespmem:s14], [sflag:$0x2] =	stream.indirect_vreg.gather [hbm4b:s28+s3], $0x80, v3, vm0, $0xb8;
	[tilespmem:$0x18500] =	vst v63  }
0x46e: {  	v3 =	vld [tilespmem:$0x350];
	_ =	sdelay $0x4  }
0x46f: {  	v45 =	vshrl.u32 v3, $0x3  }
0x470: {  	v4 =	vmul.u32 $0x30, v45  }
0x471: {  	v3 =	vand.u32 $0x7, v3  }
0x472: {  	v3 =	vor.u32 v3, v4  }
0x473: {  	v4 =	vperm.xlane v3, v0;
	_ =	sdelay $0x1  }
0x474: {  	v4 =	vadd.s32 v1, v4;
	_ =	sdelay $0x3  }
0x475: {  	s15 =	simm.s32 $0xF500;
	v3 =	vperm.xlane v3, v2  }
0x476: {  	[tilespmem:s15], [sflag:$0x2] =	stream.indirect_vreg.gather [hbm4b:s2+s3], $0x80, v4, vm0, $0xb8;
	[tilespmem:$0x18500] =	vst v63  }
0x477: {  	s25 =	simm.s32 $0xFD00;
	v3 =	vadd.s32 v1, v3  }
0x478: {  	[tilespmem:s25], [sflag:$0x2] =	stream.indirect_vreg.gather [hbm4b:s26+s3], $0x80, v4, vm0, $0xb8;
	[tilespmem:$0x18500] =	vst v63  }
0x479: {  	s16 =	simm.s32 $0x10500  }
0x47a: {  	[tilespmem:s16], [sflag:$0x2] =	stream.indirect_vreg.gather [hbm4b:s28+s3], $0x80, v4, vm0, $0xb8;
	[tilespmem:$0x18500] =	vst v63  }
0x47b: {  	s17 =	simm.s32 $0x10D00  }
0x47c: {  	[tilespmem:s17], [sflag:$0x2] =	stream.indirect_vreg.gather [hbm4b:s2+s3], $0x80, v3, vm0, $0xb8;
	[tilespmem:$0x18500] =	vst v63  }
0x47d: {  	s18 =	simm.s32 $0x11500  }
0x47e: {  	[tilespmem:s18], [sflag:$0x2] =	stream.indirect_vreg.gather [hbm4b:s26+s3], $0x80, v3, vm0, $0xb8;
	[tilespmem:$0x18500] =	vst v63  }
0x47f: {  	s19 =	simm.s32 $0x11D00  }
0x480: {  	[tilespmem:s19], [sflag:$0x2] =	stream.indirect_vreg.gather [hbm4b:s28+s3], $0x80, v3, vm0, $0xb8;
	[tilespmem:$0x18500] =	vst v63  }
0x481: {  	v3 =	vld [tilespmem:$0x360];
	_ =	sdelay $0x4  }
0x482: {  	v46 =	vshrl.u32 v3, $0x3  }
0x483: {  	v4 =	vmul.u32 $0x30, v46  }
0x484: {  	v3 =	vand.u32 $0x7, v3  }
0x485: {  	v3 =	vor.u32 v3, v4  }
0x486: {  	v4 =	vperm.xlane v3, v0;
	_ =	sdelay $0x1  }
0x487: {  	v4 =	vadd.s32 v1, v4;
	_ =	sdelay $0x3  }
0x488: {  	s20 =	simm.s32 $0x12500;
	v3 =	vperm.xlane v3, v2  }
0x489: {  	[tilespmem:s20], [sflag:$0x2] =	stream.indirect_vreg.gather [hbm4b:s2+s3], $0x80, v4, vm0, $0xb8;
	[tilespmem:$0x18500] =	vst v63  }
0x48a: {  	s21 =	simm.s32 $0x12D00;
	v3 =	vadd.s32 v1, v3  }
0x48b: {  	[tilespmem:s21], [sflag:$0x2] =	stream.indirect_vreg.gather [hbm4b:s26+s3], $0x80, v4, vm0, $0xb8;
	[tilespmem:$0x18500] =	vst v63  }
0x48c: {  	s24 =	simm.s32 $0x13500  }
0x48d: {  	[tilespmem:s24], [sflag:$0x2] =	stream.indirect_vreg.gather [hbm4b:s28+s3], $0x80, v4, vm0, $0xb8;
	[tilespmem:$0x18500] =	vst v63  }
0x48e: {  	s23 =	simm.s32 $0x13D00  }
0x48f: {  	[tilespmem:s23], [sflag:$0x2] =	stream.indirect_vreg.gather [hbm4b:s2+s3], $0x80, v3, vm0, $0xb8;
	[tilespmem:$0x18500] =	vst v63  }
0x490: {  	s24 =	simm.s32 $0x14500  }
0x491: {  	[tilespmem:s24], [sflag:$0x2] =	stream.indirect_vreg.gather [hbm4b:s26+s3], $0x80, v3, vm0, $0xb8;
	[tilespmem:$0x18500] =	vst v63  }
0x492: {  	s25 =	simm.s32 $0x14D00  }
0x493: {  	[tilespmem:s25], [sflag:$0x2] =	stream.indirect_vreg.gather [hbm4b:s28+s3], $0x80, v3, vm0, $0xb8;
	[tilespmem:$0x18500] =	vst v63  }
0x494: {  	v3 =	vld [tilespmem:$0x370];
	_ =	sdelay $0x4  }
0x495: {  	v47 =	vshrl.u32 v3, $0x3  }
0x496: {  	v4 =	vmul.u32 $0x30, v47  }
0x497: {  	v3 =	vand.u32 $0x7, v3  }
0x498: {  	v3 =	vor.u32 v3, v4  }
0x499: {  	v4 =	vperm.xlane v3, v0;
	_ =	sdelay $0x1  }
0x49a: {  	v4 =	vadd.s32 v1, v4;
	_ =	sdelay $0x3  }
0x49b: {  	s6 =	simm.s32 $0x15500;
	v3 =	vperm.xlane v3, v2  }
0x49c: {  	[tilespmem:s6], [sflag:$0x2] =	stream.indirect_vreg.gather [hbm4b:s2+s3], $0x80, v4, vm0, $0xb8;
	[tilespmem:$0x18500] =	vst v63  }
0x49d: {  	s7 =	simm.s32 $0x15D00;
	v3 =	vadd.s32 v1, v3  }
0x49e: {  	[tilespmem:s7], [sflag:$0x2] =	stream.indirect_vreg.gather [hbm4b:s26+s3], $0x80, v4, vm0, $0xb8;
	[tilespmem:$0x18500] =	vst v63  }
0x49f: {  	s8 =	simm.s32 $0x16500  }
0x4a0: {  	[tilespmem:s8], [sflag:$0x2] =	stream.indirect_vreg.gather [hbm4b:s28+s3], $0x80, v4, vm0, $0xb8;
	[tilespmem:$0x18500] =	vst v63  }
0x4a1: {  	s9 =	simm.s32 $0x16D00  }
0x4a2: {  	[tilespmem:s9], [sflag:$0x2] =	stream.indirect_vreg.gather [hbm4b:s2+s3], $0x80, v3, vm0, $0xb8;
	[tilespmem:$0x18500] =	vst v63  }
0x4a3: {  	s10 =	simm.s32 $0x17500  }
0x4a4: {  	[tilespmem:s10], [sflag:$0x2] =	stream.indirect_vreg.gather [hbm4b:s26+s3], $0x80, v3, vm0, $0xb8;
	[tilespmem:$0x18500] =	vst v63  }
0x4a5: {  	s11 =	simm.s32 $0x17D00  }
0x4a6: {  	[tilespmem:s11], [sflag:$0x2] =	stream.indirect_vreg.gather [hbm4b:s28+s3], $0x80, v3, vm0, $0xb8;
	[tilespmem:$0x18500] =	vst v63  }
0x4a7: {  	_ =	swait.ge [sflag:s29], $0xC000  }
0x4a8: {  	[sflag:s29] =	ssyncset.done $0x0  }
0x4a9: {  	s12 =	rddreg [dreg:$0x11];
	[sflag:s29] =	ssyncadd.s32 $0xFFFF4000  }
0x4aa: {  	[hbm4b:s12+s3] =	stream.linear.scatter [tilespmem:s30], [sflag:$0x3], $0xC000, $0x38;
	[tilespmem:$0x18500] =	vst v63  }
0x4ab: {  	_ =	swait.ge [sflag:s31], $0xC000  }
0x4ac: {  	[sflag:s31] =	ssyncset.done $0x0  }
0x4ad: {  	[sflag:s31] =	ssyncadd.s32 $0xFFFF4000  }
0x4ae: {  	v3 =	vld [tilespmem:$0x380];
	_ =	sdelay $0x4  }
0x4af: {  	v48 =	vshrl.u32 v3, $0x3  }
0x4b0: {  	v4 =	vmul.u32 $0x30, v48  }
0x4b1: {  	v3 =	vand.u32 $0x7, v3  }
0x4b2: {  	v3 =	vor.u32 v3, v4  }
0x4b3: {  	v4 =	vperm.xlane v3, v0;
	_ =	sdelay $0x1  }
0x4b4: {  	v4 =	vadd.s32 v1, v4;
	_ =	sdelay $0x3  }
0x4b5: {  	v3 =	vperm.xlane v3, v2  }
0x4b6: {  	[tilespmem:s30], [sflag:$0x1] =	stream.indirect_vreg.gather [hbm4b:s2+s3], $0x80, v4, vm0, $0xb8;
	[tilespmem:$0x18500] =	vst v63  }
0x4b7: {  	s13 =	simm.s32 $0xD00;
	v3 =	vadd.s32 v1, v3  }
0x4b8: {  	[tilespmem:s13], [sflag:$0x1] =	stream.indirect_vreg.gather [hbm4b:s26+s3], $0x80, v4, vm0, $0xb8;
	[tilespmem:$0x18500] =	vst v63  }
0x4b9: {  	s14 =	simm.s32 $0x1500  }
0x4ba: {  	[tilespmem:s14], [sflag:$0x1] =	stream.indirect_vreg.gather [hbm4b:s28+s3], $0x80, v4, vm0, $0xb8;
	[tilespmem:$0x18500] =	vst v63  }
0x4bb: {  	s15 =	simm.s32 $0x1D00  }
0x4bc: {  	[tilespmem:s15], [sflag:$0x1] =	stream.indirect_vreg.gather [hbm4b:s2+s3], $0x80, v3, vm0, $0xb8;
	[tilespmem:$0x18500] =	vst v63  }
0x4bd: {  	s16 =	simm.s32 $0x2500  }
0x4be: {  	[tilespmem:s16], [sflag:$0x1] =	stream.indirect_vreg.gather [hbm4b:s26+s3], $0x80, v3, vm0, $0xb8;
	[tilespmem:$0x18500] =	vst v63  }
0x4bf: {  	s17 =	simm.s32 $0x2D00  }
0x4c0: {  	[tilespmem:s17], [sflag:$0x1] =	stream.indirect_vreg.gather [hbm4b:s28+s3], $0x80, v3, vm0, $0xb8;
	[tilespmem:$0x18500] =	vst v63  }
0x4c1: {  	v3 =	vld [tilespmem:$0x390];
	_ =	sdelay $0x4  }
0x4c2: {  	v49 =	vshrl.u32 v3, $0x3  }
0x4c3: {  	v4 =	vmul.u32 $0x30, v49  }
0x4c4: {  	v3 =	vand.u32 $0x7, v3  }
0x4c5: {  	v3 =	vor.u32 v3, v4  }
0x4c6: {  	v4 =	vperm.xlane v3, v0;
	_ =	sdelay $0x1  }
0x4c7: {  	v4 =	vadd.s32 v1, v4;
	_ =	sdelay $0x3  }
0x4c8: {  	s18 =	simm.s32 $0x3500;
	v3 =	vperm.xlane v3, v2  }
0x4c9: {  	[tilespmem:s18], [sflag:$0x1] =	stream.indirect_vreg.gather [hbm4b:s2+s3], $0x80, v4, vm0, $0xb8;
	[tilespmem:$0x18500] =	vst v63  }
0x4ca: {  	s19 =	simm.s32 $0x3D00;
	v3 =	vadd.s32 v1, v3  }
0x4cb: {  	[tilespmem:s19], [sflag:$0x1] =	stream.indirect_vreg.gather [hbm4b:s26+s3], $0x80, v4, vm0, $0xb8;
	[tilespmem:$0x18500] =	vst v63  }
0x4cc: {  	s20 =	simm.s32 $0x4500  }
0x4cd: {  	[tilespmem:s20], [sflag:$0x1] =	stream.indirect_vreg.gather [hbm4b:s28+s3], $0x80, v4, vm0, $0xb8;
	[tilespmem:$0x18500] =	vst v63  }
0x4ce: {  	s21 =	simm.s32 $0x4D00  }
0x4cf: {  	[tilespmem:s21], [sflag:$0x1] =	stream.indirect_vreg.gather [hbm4b:s2+s3], $0x80, v3, vm0, $0xb8;
	[tilespmem:$0x18500] =	vst v63  }
0x4d0: {  	s23 =	simm.s32 $0x5500  }
0x4d1: {  	[tilespmem:s23], [sflag:$0x1] =	stream.indirect_vreg.gather [hbm4b:s26+s3], $0x80, v3, vm0, $0xb8;
	[tilespmem:$0x18500] =	vst v63  }
0x4d2: {  	s24 =	simm.s32 $0x5D00  }
0x4d3: {  	[tilespmem:s24], [sflag:$0x1] =	stream.indirect_vreg.gather [hbm4b:s28+s3], $0x80, v3, vm0, $0xb8;
	[tilespmem:$0x18500] =	vst v63  }
0x4d4: {  	v3 =	vld [tilespmem:$0x3A0];
	_ =	sdelay $0x4  }
0x4d5: {  	v50 =	vshrl.u32 v3, $0x3  }
0x4d6: {  	v4 =	vmul.u32 $0x30, v50  }
0x4d7: {  	v3 =	vand.u32 $0x7, v3  }
0x4d8: {  	v3 =	vor.u32 v3, v4  }
0x4d9: {  	v4 =	vperm.xlane v3, v0;
	_ =	sdelay $0x1  }
0x4da: {  	v4 =	vadd.s32 v1, v4;
	_ =	sdelay $0x3  }
0x4db: {  	s25 =	simm.s32 $0x6500;
	v3 =	vperm.xlane v3, v2  }
0x4dc: {  	[tilespmem:s25], [sflag:$0x1] =	stream.indirect_vreg.gather [hbm4b:s2+s3], $0x80, v4, vm0, $0xb8;
	[tilespmem:$0x18500] =	vst v63  }
0x4dd: {  	s14 =	simm.s32 $0x6D00;
	v3 =	vadd.s32 v1, v3  }
0x4de: {  	[tilespmem:s14], [sflag:$0x1] =	stream.indirect_vreg.gather [hbm4b:s26+s3], $0x80, v4, vm0, $0xb8;
	[tilespmem:$0x18500] =	vst v63  }
0x4df: {  	s15 =	simm.s32 $0x7500  }
0x4e0: {  	[tilespmem:s15], [sflag:$0x1] =	stream.indirect_vreg.gather [hbm4b:s28+s3], $0x80, v4, vm0, $0xb8;
	[tilespmem:$0x18500] =	vst v63  }
0x4e1: {  	s16 =	simm.s32 $0x7D00  }
0x4e2: {  	[tilespmem:s16], [sflag:$0x1] =	stream.indirect_vreg.gather [hbm4b:s2+s3], $0x80, v3, vm0, $0xb8;
	[tilespmem:$0x18500] =	vst v63  }
0x4e3: {  	s17 =	simm.s32 $0x8500  }
0x4e4: {  	[tilespmem:s17], [sflag:$0x1] =	stream.indirect_vreg.gather [hbm4b:s26+s3], $0x80, v3, vm0, $0xb8;
	[tilespmem:$0x18500] =	vst v63  }
0x4e5: {  	s18 =	simm.s32 $0x8D00  }
0x4e6: {  	[tilespmem:s18], [sflag:$0x1] =	stream.indirect_vreg.gather [hbm4b:s28+s3], $0x80, v3, vm0, $0xb8;
	[tilespmem:$0x18500] =	vst v63  }
0x4e7: {  	v3 =	vld [tilespmem:$0x3B0];
	_ =	sdelay $0x4  }
0x4e8: {  	v51 =	vshrl.u32 v3, $0x3  }
0x4e9: {  	v4 =	vmul.u32 $0x30, v51  }
0x4ea: {  	v3 =	vand.u32 $0x7, v3  }
0x4eb: {  	v3 =	vor.u32 v3, v4  }
0x4ec: {  	v4 =	vperm.xlane v3, v0;
	_ =	sdelay $0x1  }
0x4ed: {  	v4 =	vadd.s32 v1, v4;
	_ =	sdelay $0x3  }
0x4ee: {  	s19 =	simm.s32 $0x9500;
	v3 =	vperm.xlane v3, v2  }
0x4ef: {  	[tilespmem:s19], [sflag:$0x1] =	stream.indirect_vreg.gather [hbm4b:s2+s3], $0x80, v4, vm0, $0xb8;
	[tilespmem:$0x18500] =	vst v63  }
0x4f0: {  	s20 =	simm.s32 $0x9D00;
	v3 =	vadd.s32 v1, v3  }
0x4f1: {  	[tilespmem:s20], [sflag:$0x1] =	stream.indirect_vreg.gather [hbm4b:s26+s3], $0x80, v4, vm0, $0xb8;
	[tilespmem:$0x18500] =	vst v63  }
0x4f2: {  	s21 =	simm.s32 $0xA500  }
0x4f3: {  	[tilespmem:s21], [sflag:$0x1] =	stream.indirect_vreg.gather [hbm4b:s28+s3], $0x80, v4, vm0, $0xb8;
	[tilespmem:$0x18500] =	vst v63  }
0x4f4: {  	s23 =	simm.s32 $0xAD00  }
0x4f5: {  	[tilespmem:s23], [sflag:$0x1] =	stream.indirect_vreg.gather [hbm4b:s2+s3], $0x80, v3, vm0, $0xb8;
	[tilespmem:$0x18500] =	vst v63  }
0x4f6: {  	s24 =	simm.s32 $0xB500  }
0x4f7: {  	[tilespmem:s24], [sflag:$0x1] =	stream.indirect_vreg.gather [hbm4b:s26+s3], $0x80, v3, vm0, $0xb8;
	[tilespmem:$0x18500] =	vst v63  }
0x4f8: {  	s25 =	simm.s32 $0xBD00  }
0x4f9: {  	[tilespmem:s25], [sflag:$0x1] =	stream.indirect_vreg.gather [hbm4b:s28+s3], $0x80, v3, vm0, $0xb8;
	[tilespmem:$0x18500] =	vst v63  }
0x4fa: {  	_ =	swait.ge [sflag:s1], $0xC000  }
0x4fb: {  	[sflag:s1] =	ssyncset.done $0x0  }
0x4fc: {  	s21 =	rddreg [dreg:$0x12];
	[sflag:s1] =	ssyncadd.s32 $0xFFFF4000  }
0x4fd: {  	[hbm4b:s21+s3] =	stream.linear.scatter [tilespmem:s22], [sflag:$0x4], $0xC000, $0x38;
	[tilespmem:$0x18500] =	vst v63  }
0x4fe: {  	_ =	swait.ge [sflag:s0], $0xC000  }
0x4ff: {  	[sflag:s0] =	ssyncset.done $0x0  }
0x500: {  	[sflag:s0] =	ssyncadd.s32 $0xFFFF4000  }
0x501: {  	v3 =	vld [tilespmem:$0x3C0];
	_ =	sdelay $0x4  }
0x502: {  	v52 =	vshrl.u32 v3, $0x3  }
0x503: {  	v4 =	vmul.u32 $0x30, v52  }
0x504: {  	v3 =	vand.u32 $0x7, v3  }
0x505: {  	v3 =	vor.u32 v3, v4  }
0x506: {  	v4 =	vperm.xlane v3, v0;
	_ =	sdelay $0x1  }
0x507: {  	v4 =	vadd.s32 v1, v4;
	_ =	sdelay $0x3  }
0x508: {  	v3 =	vperm.xlane v3, v2  }
0x509: {  	[tilespmem:s22], [sflag:$0x2] =	stream.indirect_vreg.gather [hbm4b:s2+s3], $0x80, v4, vm0, $0xb8;
	[tilespmem:$0x18500] =	vst v63  }
0x50a: {  	s23 =	simm.s32 $0xCD00;
	v3 =	vadd.s32 v1, v3  }
0x50b: {  	[tilespmem:s23], [sflag:$0x2] =	stream.indirect_vreg.gather [hbm4b:s26+s3], $0x80, v4, vm0, $0xb8;
	[tilespmem:$0x18500] =	vst v63  }
0x50c: {  	s5 =	simm.s32 $0xD500  }
0x50d: {  	[tilespmem:s5], [sflag:$0x2] =	stream.indirect_vreg.gather [hbm4b:s28+s3], $0x80, v4, vm0, $0xb8;
	[tilespmem:$0x18500] =	vst v63  }
0x50e: {  	s24 =	simm.s32 $0xDD00  }
0x50f: {  	[tilespmem:s24], [sflag:$0x2] =	stream.indirect_vreg.gather [hbm4b:s2+s3], $0x80, v3, vm0, $0xb8;
	[tilespmem:$0x18500] =	vst v63  }
0x510: {  	s25 =	simm.s32 $0xE500  }
0x511: {  	[tilespmem:s25], [sflag:$0x2] =	stream.indirect_vreg.gather [hbm4b:s26+s3], $0x80, v3, vm0, $0xb8;
	[tilespmem:$0x18500] =	vst v63  }
0x512: {  	s23 =	simm.s32 $0xED00  }
0x513: {  	[tilespmem:s23], [sflag:$0x2] =	stream.indirect_vreg.gather [hbm4b:s28+s3], $0x80, v3, vm0, $0xb8;
	[tilespmem:$0x18500] =	vst v63  }
0x514: {  	v3 =	vld [tilespmem:$0x3D0];
	_ =	sdelay $0x4  }
0x515: {  	v53 =	vshrl.u32 v3, $0x3  }
0x516: {  	v4 =	vmul.u32 $0x30, v53  }
0x517: {  	v3 =	vand.u32 $0x7, v3  }
0x518: {  	v3 =	vor.u32 v3, v4  }
0x519: {  	v4 =	vperm.xlane v3, v0;
	_ =	sdelay $0x1  }
0x51a: {  	v4 =	vadd.s32 v1, v4;
	_ =	sdelay $0x3  }
0x51b: {  	s23 =	simm.s32 $0xF500;
	v3 =	vperm.xlane v3, v2  }
0x51c: {  	[tilespmem:s23], [sflag:$0x2] =	stream.indirect_vreg.gather [hbm4b:s2+s3], $0x80, v4, vm0, $0xb8;
	[tilespmem:$0x18500] =	vst v63  }
0x51d: {  	v3 =	vadd.s32 v1, v3;
	s23 =	simm.s32 $0xFD00  }
0x51e: {  	[tilespmem:s23], [sflag:$0x2] =	stream.indirect_vreg.gather [hbm4b:s26+s3], $0x80, v4, vm0, $0xb8;
	[tilespmem:$0x18500] =	vst v63  }
0x51f: {  	s23 =	simm.s32 $0x10500  }
0x520: {  	[tilespmem:s23], [sflag:$0x2] =	stream.indirect_vreg.gather [hbm4b:s28+s3], $0x80, v4, vm0, $0xb8;
	[tilespmem:$0x18500] =	vst v63  }
0x521: {  	s23 =	simm.s32 $0x10D00  }
0x522: {  	[tilespmem:s23], [sflag:$0x2] =	stream.indirect_vreg.gather [hbm4b:s2+s3], $0x80, v3, vm0, $0xb8;
	[tilespmem:$0x18500] =	vst v63  }
0x523: {  	s23 =	simm.s32 $0x11500  }
0x524: {  	[tilespmem:s23], [sflag:$0x2] =	stream.indirect_vreg.gather [hbm4b:s26+s3], $0x80, v3, vm0, $0xb8;
	[tilespmem:$0x18500] =	vst v63  }
0x525: {  	s23 =	simm.s32 $0x11D00  }
0x526: {  	[tilespmem:s23], [sflag:$0x2] =	stream.indirect_vreg.gather [hbm4b:s28+s3], $0x80, v3, vm0, $0xb8;
	[tilespmem:$0x18500] =	vst v63  }
0x527: {  	v3 =	vld [tilespmem:$0x3E0];
	_ =	sdelay $0x4  }
0x528: {  	v54 =	vshrl.u32 v3, $0x3  }
0x529: {  	v4 =	vmul.u32 $0x30, v54  }
0x52a: {  	v3 =	vand.u32 $0x7, v3  }
0x52b: {  	v3 =	vor.u32 v3, v4  }
0x52c: {  	v4 =	vperm.xlane v3, v0;
	_ =	sdelay $0x1  }
0x52d: {  	v4 =	vadd.s32 v1, v4;
	_ =	sdelay $0x3  }
0x52e: {  	s23 =	simm.s32 $0x12500;
	v3 =	vperm.xlane v3, v2  }
0x52f: {  	[tilespmem:s23], [sflag:$0x2] =	stream.indirect_vreg.gather [hbm4b:s2+s3], $0x80, v4, vm0, $0xb8;
	[tilespmem:$0x18500] =	vst v63  }
0x530: {  	v3 =	vadd.s32 v1, v3;
	s23 =	simm.s32 $0x12D00  }
0x531: {  	[tilespmem:s23], [sflag:$0x2] =	stream.indirect_vreg.gather [hbm4b:s26+s3], $0x80, v4, vm0, $0xb8;
	[tilespmem:$0x18500] =	vst v63  }
0x532: {  	s23 =	simm.s32 $0x13500  }
0x533: {  	[tilespmem:s23], [sflag:$0x2] =	stream.indirect_vreg.gather [hbm4b:s28+s3], $0x80, v4, vm0, $0xb8;
	[tilespmem:$0x18500] =	vst v63  }
0x534: {  	s23 =	simm.s32 $0x13D00  }
0x535: {  	[tilespmem:s23], [sflag:$0x2] =	stream.indirect_vreg.gather [hbm4b:s2+s3], $0x80, v3, vm0, $0xb8;
	[tilespmem:$0x18500] =	vst v63  }
0x536: {  	s23 =	simm.s32 $0x14500  }
0x537: {  	[tilespmem:s23], [sflag:$0x2] =	stream.indirect_vreg.gather [hbm4b:s26+s3], $0x80, v3, vm0, $0xb8;
	[tilespmem:$0x18500] =	vst v63  }
0x538: {  	s23 =	simm.s32 $0x14D00  }
0x539: {  	[tilespmem:s23], [sflag:$0x2] =	stream.indirect_vreg.gather [hbm4b:s28+s3], $0x80, v3, vm0, $0xb8;
	[tilespmem:$0x18500] =	vst v63  }
0x53a: {  	v3 =	vld [tilespmem:$0x3F0];
	_ =	sdelay $0x4  }
0x53b: {  	v55 =	vshrl.u32 v3, $0x3  }
0x53c: {  	v4 =	vmul.u32 $0x30, v55  }
0x53d: {  	v3 =	vand.u32 $0x7, v3  }
0x53e: {  	v3 =	vor.u32 v3, v4  }
0x53f: {  	v4 =	vperm.xlane v3, v0;
	_ =	sdelay $0x1  }
0x540: {  	v4 =	vadd.s32 v1, v4;
	_ =	sdelay $0x3  }
0x541: {  	s23 =	simm.s32 $0x15500;
	v3 =	vperm.xlane v3, v2  }
0x542: {  	[tilespmem:s23], [sflag:$0x2] =	stream.indirect_vreg.gather [hbm4b:s2+s3], $0x80, v4, vm0, $0xb8;
	[tilespmem:$0x18500] =	vst v63  }
0x543: {  	v3 =	vadd.s32 v1, v3;
	s23 =	simm.s32 $0x15D00  }
0x544: {  	[tilespmem:s23], [sflag:$0x2] =	stream.indirect_vreg.gather [hbm4b:s26+s3], $0x80, v4, vm0, $0xb8;
	[tilespmem:$0x18500] =	vst v63  }
0x545: {  	s23 =	simm.s32 $0x16500  }
0x546: {  	[tilespmem:s23], [sflag:$0x2] =	stream.indirect_vreg.gather [hbm4b:s28+s3], $0x80, v4, vm0, $0xb8;
	[tilespmem:$0x18500] =	vst v63  }
0x547: {  	s23 =	simm.s32 $0x16D00  }
0x548: {  	[tilespmem:s23], [sflag:$0x2] =	stream.indirect_vreg.gather [hbm4b:s2+s3], $0x80, v3, vm0, $0xb8;
	[tilespmem:$0x18500] =	vst v63  }
0x549: {  	s23 =	simm.s32 $0x17500  }
0x54a: {  	[tilespmem:s23], [sflag:$0x2] =	stream.indirect_vreg.gather [hbm4b:s26+s3], $0x80, v3, vm0, $0xb8;
	[tilespmem:$0x18500] =	vst v63  }
0x54b: {  	s23 =	simm.s32 $0x17D00  }
0x54c: {  	[tilespmem:s23], [sflag:$0x2] =	stream.indirect_vreg.gather [hbm4b:s28+s3], $0x80, v3, vm0, $0xb8;
	[tilespmem:$0x18500] =	vst v63  }
0x54d: {  	_ =	swait.ge [sflag:s29], $0xC000  }
0x54e: {  	[sflag:s29] =	ssyncset.done $0x0  }
0x54f: {  	s23 =	rddreg [dreg:$0x13];
	[sflag:s29] =	ssyncadd.s32 $0xFFFF4000  }
0x550: {  	[hbm4b:s23+s3] =	stream.linear.scatter [tilespmem:s30], [sflag:$0x3], $0xC000, $0x38;
	[tilespmem:$0x18500] =	vst v63  }
0x551: {  	_ =	swait.ge [sflag:s31], $0xC000  }
0x552: {  	[sflag:s31] =	ssyncset.done $0x0  }
0x553: {  	[sflag:s31] =	ssyncadd.s32 $0xFFFF4000  }
0x554: {  	v3 =	vld [tilespmem:$0x400];
	_ =	sdelay $0x4  }
0x555: {  	v56 =	vshrl.u32 v3, $0x3  }
0x556: {  	v4 =	vmul.u32 $0x30, v56  }
0x557: {  	v3 =	vand.u32 $0x7, v3  }
0x558: {  	v3 =	vor.u32 v3, v4  }
0x559: {  	v4 =	vperm.xlane v3, v0;
	_ =	sdelay $0x1  }
0x55a: {  	v4 =	vadd.s32 v1, v4;
	_ =	sdelay $0x3  }
0x55b: {  	v3 =	vperm.xlane v3, v2  }
0x55c: {  	[tilespmem:s30], [sflag:$0x1] =	stream.indirect_vreg.gather [hbm4b:s2+s3], $0x80, v4, vm0, $0xb8;
	[tilespmem:$0x18500] =	vst v63  }
0x55d: {  	s4 =	simm.s32 $0xD00;
	v3 =	vadd.s32 v1, v3  }
0x55e: {  	[tilespmem:s4], [sflag:$0x1] =	stream.indirect_vreg.gather [hbm4b:s26+s3], $0x80, v4, vm0, $0xb8;
	[tilespmem:$0x18500] =	vst v63  }
0x55f: {  	s6 =	simm.s32 $0x1500  }
0x560: {  	[tilespmem:s6], [sflag:$0x1] =	stream.indirect_vreg.gather [hbm4b:s28+s3], $0x80, v4, vm0, $0xb8;
	[tilespmem:$0x18500] =	vst v63  }
0x561: {  	s7 =	simm.s32 $0x1D00  }
0x562: {  	[tilespmem:s7], [sflag:$0x1] =	stream.indirect_vreg.gather [hbm4b:s2+s3], $0x80, v3, vm0, $0xb8;
	[tilespmem:$0x18500] =	vst v63  }
0x563: {  	s8 =	simm.s32 $0x2500  }
0x564: {  	[tilespmem:s8], [sflag:$0x1] =	stream.indirect_vreg.gather [hbm4b:s26+s3], $0x80, v3, vm0, $0xb8;
	[tilespmem:$0x18500] =	vst v63  }
0x565: {  	s7 =	simm.s32 $0x2D00  }
0x566: {  	[tilespmem:s7], [sflag:$0x1] =	stream.indirect_vreg.gather [hbm4b:s28+s3], $0x80, v3, vm0, $0xb8;
	[tilespmem:$0x18500] =	vst v63  }
0x567: {  	v3 =	vld [tilespmem:$0x410];
	_ =	sdelay $0x4  }
0x568: {  	v57 =	vshrl.u32 v3, $0x3  }
0x569: {  	v4 =	vmul.u32 $0x30, v57  }
0x56a: {  	v3 =	vand.u32 $0x7, v3  }
0x56b: {  	v3 =	vor.u32 v3, v4  }
0x56c: {  	v4 =	vperm.xlane v3, v0;
	_ =	sdelay $0x1  }
0x56d: {  	v4 =	vadd.s32 v1, v4;
	_ =	sdelay $0x3  }
0x56e: {  	s8 =	simm.s32 $0x3500;
	v3 =	vperm.xlane v3, v2  }
0x56f: {  	[tilespmem:s8], [sflag:$0x1] =	stream.indirect_vreg.gather [hbm4b:s2+s3], $0x80, v4, vm0, $0xb8;
	[tilespmem:$0x18500] =	vst v63  }
0x570: {  	s9 =	simm.s32 $0x3D00;
	v3 =	vadd.s32 v1, v3  }
0x571: {  	[tilespmem:s9], [sflag:$0x1] =	stream.indirect_vreg.gather [hbm4b:s26+s3], $0x80, v4, vm0, $0xb8;
	[tilespmem:$0x18500] =	vst v63  }
0x572: {  	s10 =	simm.s32 $0x4500  }
0x573: {  	[tilespmem:s10], [sflag:$0x1] =	stream.indirect_vreg.gather [hbm4b:s28+s3], $0x80, v4, vm0, $0xb8;
	[tilespmem:$0x18500] =	vst v63  }
0x574: {  	s11 =	simm.s32 $0x4D00  }
0x575: {  	[tilespmem:s11], [sflag:$0x1] =	stream.indirect_vreg.gather [hbm4b:s2+s3], $0x80, v3, vm0, $0xb8;
	[tilespmem:$0x18500] =	vst v63  }
0x576: {  	s12 =	simm.s32 $0x5500  }
0x577: {  	[tilespmem:s12], [sflag:$0x1] =	stream.indirect_vreg.gather [hbm4b:s26+s3], $0x80, v3, vm0, $0xb8;
	[tilespmem:$0x18500] =	vst v63  }
0x578: {  	s11 =	simm.s32 $0x5D00  }
0x579: {  	[tilespmem:s11], [sflag:$0x1] =	stream.indirect_vreg.gather [hbm4b:s28+s3], $0x80, v3, vm0, $0xb8;
	[tilespmem:$0x18500] =	vst v63  }
0x57a: {  	v3 =	vld [tilespmem:$0x420];
	_ =	sdelay $0x4  }
0x57b: {  	v58 =	vshrl.u32 v3, $0x3  }
0x57c: {  	v4 =	vmul.u32 $0x30, v58  }
0x57d: {  	v3 =	vand.u32 $0x7, v3  }
0x57e: {  	v3 =	vor.u32 v3, v4  }
0x57f: {  	v4 =	vperm.xlane v3, v0;
	_ =	sdelay $0x1  }
0x580: {  	v4 =	vadd.s32 v1, v4;
	_ =	sdelay $0x3  }
0x581: {  	s12 =	simm.s32 $0x6500;
	v3 =	vperm.xlane v3, v2  }
0x582: {  	[tilespmem:s12], [sflag:$0x1] =	stream.indirect_vreg.gather [hbm4b:s2+s3], $0x80, v4, vm0, $0xb8;
	[tilespmem:$0x18500] =	vst v63  }
0x583: {  	s13 =	simm.s32 $0x6D00;
	v3 =	vadd.s32 v1, v3  }
0x584: {  	[tilespmem:s13], [sflag:$0x1] =	stream.indirect_vreg.gather [hbm4b:s26+s3], $0x80, v4, vm0, $0xb8;
	[tilespmem:$0x18500] =	vst v63  }
0x585: {  	s14 =	simm.s32 $0x7500  }
0x586: {  	[tilespmem:s14], [sflag:$0x1] =	stream.indirect_vreg.gather [hbm4b:s28+s3], $0x80, v4, vm0, $0xb8;
	[tilespmem:$0x18500] =	vst v63  }
0x587: {  	s15 =	simm.s32 $0x7D00  }
0x588: {  	[tilespmem:s15], [sflag:$0x1] =	stream.indirect_vreg.gather [hbm4b:s2+s3], $0x80, v3, vm0, $0xb8;
	[tilespmem:$0x18500] =	vst v63  }
0x589: {  	s16 =	simm.s32 $0x8500  }
0x58a: {  	[tilespmem:s16], [sflag:$0x1] =	stream.indirect_vreg.gather [hbm4b:s26+s3], $0x80, v3, vm0, $0xb8;
	[tilespmem:$0x18500] =	vst v63  }
0x58b: {  	s15 =	simm.s32 $0x8D00  }
0x58c: {  	[tilespmem:s15], [sflag:$0x1] =	stream.indirect_vreg.gather [hbm4b:s28+s3], $0x80, v3, vm0, $0xb8;
	[tilespmem:$0x18500] =	vst v63  }
0x58d: {  	v3 =	vld [tilespmem:$0x430];
	_ =	sdelay $0x4  }
0x58e: {  	v59 =	vshrl.u32 v3, $0x3  }
0x58f: {  	v4 =	vmul.u32 $0x30, v59  }
0x590: {  	v3 =	vand.u32 $0x7, v3  }
0x591: {  	v3 =	vor.u32 v3, v4  }
0x592: {  	v4 =	vperm.xlane v3, v0;
	_ =	sdelay $0x1  }
0x593: {  	v4 =	vadd.s32 v1, v4;
	_ =	sdelay $0x3  }
0x594: {  	s16 =	simm.s32 $0x9500;
	v3 =	vperm.xlane v3, v2  }
0x595: {  	[tilespmem:s16], [sflag:$0x1] =	stream.indirect_vreg.gather [hbm4b:s2+s3], $0x80, v4, vm0, $0xb8;
	[tilespmem:$0x18500] =	vst v63  }
0x596: {  	s17 =	simm.s32 $0x9D00;
	v3 =	vadd.s32 v1, v3  }
0x597: {  	[tilespmem:s17], [sflag:$0x1] =	stream.indirect_vreg.gather [hbm4b:s26+s3], $0x80, v4, vm0, $0xb8;
	[tilespmem:$0x18500] =	vst v63  }
0x598: {  	s18 =	simm.s32 $0xA500  }
0x599: {  	[tilespmem:s18], [sflag:$0x1] =	stream.indirect_vreg.gather [hbm4b:s28+s3], $0x80, v4, vm0, $0xb8;
	[tilespmem:$0x18500] =	vst v63  }
0x59a: {  	s19 =	simm.s32 $0xAD00  }
0x59b: {  	[tilespmem:s19], [sflag:$0x1] =	stream.indirect_vreg.gather [hbm4b:s2+s3], $0x80, v3, vm0, $0xb8;
	[tilespmem:$0x18500] =	vst v63  }
0x59c: {  	s20 =	simm.s32 $0xB500  }
0x59d: {  	[tilespmem:s20], [sflag:$0x1] =	stream.indirect_vreg.gather [hbm4b:s26+s3], $0x80, v3, vm0, $0xb8;
	[tilespmem:$0x18500] =	vst v63  }
0x59e: {  	s17 =	simm.s32 $0xBD00  }
0x59f: {  	[tilespmem:s17], [sflag:$0x1] =	stream.indirect_vreg.gather [hbm4b:s28+s3], $0x80, v3, vm0, $0xb8;
	[tilespmem:$0x18500] =	vst v63  }
0x5a0: {  	_ =	swait.ge [sflag:s1], $0xC000  }
0x5a1: {  	[sflag:s1] =	ssyncset.done $0x0  }
0x5a2: {  	s18 =	rddreg [dreg:$0x14];
	[sflag:s1] =	ssyncadd.s32 $0xFFFF4000  }
0x5a3: {  	[hbm4b:s18+s3] =	stream.linear.scatter [tilespmem:s22], [sflag:$0x4], $0xC000, $0x38;
	[tilespmem:$0x18500] =	vst v63  }
0x5a4: {  	_ =	swait.ge [sflag:s0], $0xC000  }
0x5a5: {  	[sflag:s0] =	ssyncset.done $0x0  }
0x5a6: {  	[sflag:s0] =	ssyncadd.s32 $0xFFFF4000  }
0x5a7: {  	v3 =	vld [tilespmem:$0x440];
	_ =	sdelay $0x4  }
0x5a8: {  	v60 =	vshrl.u32 v3, $0x3  }
0x5a9: {  	v4 =	vmul.u32 $0x30, v60  }
0x5aa: {  	v3 =	vand.u32 $0x7, v3  }
0x5ab: {  	v3 =	vor.u32 v3, v4  }
0x5ac: {  	v4 =	vperm.xlane v3, v0;
	_ =	sdelay $0x1  }
0x5ad: {  	v4 =	vadd.s32 v1, v4;
	_ =	sdelay $0x3  }
0x5ae: {  	v3 =	vperm.xlane v3, v2  }
0x5af: {  	[tilespmem:s22], [sflag:$0x2] =	stream.indirect_vreg.gather [hbm4b:s2+s3], $0x80, v4, vm0, $0xb8;
	[tilespmem:$0x18500] =	vst v63  }
0x5b0: {  	s21 =	simm.s32 $0xCD00;
	v3 =	vadd.s32 v1, v3  }
0x5b1: {  	[tilespmem:s21], [sflag:$0x2] =	stream.indirect_vreg.gather [hbm4b:s26+s3], $0x80, v4, vm0, $0xb8;
	[tilespmem:$0x18500] =	vst v63  }
0x5b2: {  	s5 =	simm.s32 $0xD500  }
0x5b3: {  	[tilespmem:s5], [sflag:$0x2] =	stream.indirect_vreg.gather [hbm4b:s28+s3], $0x80, v4, vm0, $0xb8;
	[tilespmem:$0x18500] =	vst v63  }
0x5b4: {  	s24 =	simm.s32 $0xDD00  }
0x5b5: {  	[tilespmem:s24], [sflag:$0x2] =	stream.indirect_vreg.gather [hbm4b:s2+s3], $0x80, v3, vm0, $0xb8;
	[tilespmem:$0x18500] =	vst v63  }
0x5b6: {  	s25 =	simm.s32 $0xE500  }
0x5b7: {  	[tilespmem:s25], [sflag:$0x2] =	stream.indirect_vreg.gather [hbm4b:s26+s3], $0x80, v3, vm0, $0xb8;
	[tilespmem:$0x18500] =	vst v63  }
0x5b8: {  	s19 =	simm.s32 $0xED00  }
0x5b9: {  	[tilespmem:s19], [sflag:$0x2] =	stream.indirect_vreg.gather [hbm4b:s28+s3], $0x80, v3, vm0, $0xb8;
	[tilespmem:$0x18500] =	vst v63  }
0x5ba: {  	v3 =	vld [tilespmem:$0x450];
	_ =	sdelay $0x4  }
0x5bb: {  	v61 =	vshrl.u32 v3, $0x3  }
0x5bc: {  	v4 =	vmul.u32 $0x30, v61  }
0x5bd: {  	v3 =	vand.u32 $0x7, v3  }
0x5be: {  	v3 =	vor.u32 v3, v4  }
0x5bf: {  	v4 =	vperm.xlane v3, v0;
	_ =	sdelay $0x1  }
0x5c0: {  	v4 =	vadd.s32 v1, v4;
	_ =	sdelay $0x3  }
0x5c1: {  	s20 =	simm.s32 $0xF500;
	v3 =	vperm.xlane v3, v2  }
0x5c2: {  	[tilespmem:s20], [sflag:$0x2] =	stream.indirect_vreg.gather [hbm4b:s2+s3], $0x80, v4, vm0, $0xb8;
	[tilespmem:$0x18500] =	vst v63  }
0x5c3: {  	s21 =	simm.s32 $0xFD00;
	v3 =	vadd.s32 v1, v3  }
0x5c4: {  	[tilespmem:s21], [sflag:$0x2] =	stream.indirect_vreg.gather [hbm4b:s26+s3], $0x80, v4, vm0, $0xb8;
	[tilespmem:$0x18500] =	vst v63  }
0x5c5: {  	s23 =	simm.s32 $0x10500  }
0x5c6: {  	[tilespmem:s23], [sflag:$0x2] =	stream.indirect_vreg.gather [hbm4b:s28+s3], $0x80, v4, vm0, $0xb8;
	[tilespmem:$0x18500] =	vst v63  }
0x5c7: {  	s24 =	simm.s32 $0x10D00  }
0x5c8: {  	[tilespmem:s24], [sflag:$0x2] =	stream.indirect_vreg.gather [hbm4b:s2+s3], $0x80, v3, vm0, $0xb8;
	[tilespmem:$0x18500] =	vst v63  }
0x5c9: {  	s25 =	simm.s32 $0x11500  }
0x5ca: {  	[tilespmem:s25], [sflag:$0x2] =	stream.indirect_vreg.gather [hbm4b:s26+s3], $0x80, v3, vm0, $0xb8;
	[tilespmem:$0x18500] =	vst v63  }
0x5cb: {  	s5 =	simm.s32 $0x11D00  }
0x5cc: {  	[tilespmem:s5], [sflag:$0x2] =	stream.indirect_vreg.gather [hbm4b:s28+s3], $0x80, v3, vm0, $0xb8;
	[tilespmem:$0x18500] =	vst v63  }
0x5cd: {  	v3 =	vld [tilespmem:$0x460];
	_ =	sdelay $0x4  }
0x5ce: {  	v62 =	vshrl.u32 v3, $0x3  }
0x5cf: {  	v4 =	vmul.u32 $0x30, v62  }
0x5d0: {  	v3 =	vand.u32 $0x7, v3  }
0x5d1: {  	v3 =	vor.u32 v3, v4  }
0x5d2: {  	v4 =	vperm.xlane v3, v0;
	_ =	sdelay $0x1  }
0x5d3: {  	v4 =	vadd.s32 v1, v4;
	_ =	sdelay $0x3  }
0x5d4: {  	s11 =	simm.s32 $0x12500;
	v3 =	vperm.xlane v3, v2  }
0x5d5: {  	[tilespmem:s11], [sflag:$0x2] =	stream.indirect_vreg.gather [hbm4b:s2+s3], $0x80, v4, vm0, $0xb8;
	[tilespmem:$0x18500] =	vst v63  }
0x5d6: {  	s12 =	simm.s32 $0x12D00;
	v3 =	vadd.s32 v1, v3  }
0x5d7: {  	[tilespmem:s12], [sflag:$0x2] =	stream.indirect_vreg.gather [hbm4b:s26+s3], $0x80, v4, vm0, $0xb8;
	[tilespmem:$0x18500] =	vst v63  }
0x5d8: {  	s13 =	simm.s32 $0x13500  }
0x5d9: {  	[tilespmem:s13], [sflag:$0x2] =	stream.indirect_vreg.gather [hbm4b:s28+s3], $0x80, v4, vm0, $0xb8;
	[tilespmem:$0x18500] =	vst v63  }
0x5da: {  	s14 =	simm.s32 $0x13D00  }
0x5db: {  	[tilespmem:s14], [sflag:$0x2] =	stream.indirect_vreg.gather [hbm4b:s2+s3], $0x80, v3, vm0, $0xb8;
	[tilespmem:$0x18500] =	vst v63  }
0x5dc: {  	s15 =	simm.s32 $0x14500  }
0x5dd: {  	[tilespmem:s15], [sflag:$0x2] =	stream.indirect_vreg.gather [hbm4b:s26+s3], $0x80, v3, vm0, $0xb8;
	[tilespmem:$0x18500] =	vst v63  }
0x5de: {  	s16 =	simm.s32 $0x14D00  }
0x5df: {  	[tilespmem:s16], [sflag:$0x2] =	stream.indirect_vreg.gather [hbm4b:s28+s3], $0x80, v3, vm0, $0xb8;
	[tilespmem:$0x18500] =	vst v63  }
0x5e0: {  	v3 =	vld [tilespmem:$0x470];
	_ =	sdelay $0x4  }
0x5e1: {  	v63 =	vshrl.u32 v3, $0x3  }
0x5e2: {  	v4 =	vmul.u32 $0x30, v63  }
0x5e3: {  	v3 =	vand.u32 $0x7, v3  }
0x5e4: {  	v3 =	vor.u32 v3, v4  }
0x5e5: {  	v4 =	vperm.xlane v3, v0;
	_ =	sdelay $0x1  }
0x5e6: {  	v4 =	vadd.s32 v1, v4;
	_ =	sdelay $0x3  }
0x5e7: {  	s17 =	simm.s32 $0x15500;
	v3 =	vperm.xlane v3, v2  }
0x5e8: {  	[tilespmem:s17], [sflag:$0x2] =	stream.indirect_vreg.gather [hbm4b:s2+s3], $0x80, v4, vm0, $0xb8;
	[tilespmem:$0x18500] =	vst v63  }
0x5e9: {  	s18 =	simm.s32 $0x15D00;
	v3 =	vadd.s32 v1, v3  }
0x5ea: {  	[tilespmem:s18], [sflag:$0x2] =	stream.indirect_vreg.gather [hbm4b:s26+s3], $0x80, v4, vm0, $0xb8;
	[tilespmem:$0x18500] =	vst v63  }
0x5eb: {  	s19 =	simm.s32 $0x16500  }
0x5ec: {  	[tilespmem:s19], [sflag:$0x2] =	stream.indirect_vreg.gather [hbm4b:s28+s3], $0x80, v4, vm0, $0xb8;
	[tilespmem:$0x18500] =	vst v63  }
0x5ed: {  	s20 =	simm.s32 $0x16D00  }
0x5ee: {  	[tilespmem:s20], [sflag:$0x2] =	stream.indirect_vreg.gather [hbm4b:s2+s3], $0x80, v3, vm0, $0xb8;
	[tilespmem:$0x18500] =	vst v63  }
0x5ef: {  	s21 =	simm.s32 $0x17500  }
0x5f0: {  	[tilespmem:s21], [sflag:$0x2] =	stream.indirect_vreg.gather [hbm4b:s26+s3], $0x80, v3, vm0, $0xb8;
	[tilespmem:$0x18500] =	vst v63  }
0x5f1: {  	s23 =	simm.s32 $0x17D00  }
0x5f2: {  	[tilespmem:s23], [sflag:$0x2] =	stream.indirect_vreg.gather [hbm4b:s28+s3], $0x80, v3, vm0, $0xb8;
	[tilespmem:$0x18500] =	vst v63  }
0x5f3: {  	_ =	swait.ge [sflag:s29], $0xC000  }
0x5f4: {  	[sflag:s29] =	ssyncset.done $0x0  }
0x5f5: {  	s24 =	rddreg [dreg:$0x15];
	[sflag:s29] =	ssyncadd.s32 $0xFFFF4000  }
0x5f6: {  	[hbm4b:s24+s3] =	stream.linear.scatter [tilespmem:s30], [sflag:$0x3], $0xC000, $0x38;
	[tilespmem:$0x18500] =	vst v63  }
0x5f7: {  	_ =	swait.ge [sflag:s1], $0xC000  }
0x5f8: {  	[sflag:s1] =	ssyncset.done $0x0  }
.Ltmp2:
0x5f9: {  	s25 =	rddreg [dreg:$0x16];
	[sflag:s1] =	ssyncadd.s32 $0xFFFF4000;
	(pc) =	sbr.rel @p0 .LBB2_3-.Ltmp2, $4  }
0x5fa: {  	[hbm4b:s25+s3] =	stream.linear.scatter [tilespmem:s22], [sflag:$0x4], $0xC000, $0x38;
	[tilespmem:$0x18500] =	vst v63  }
0x5fb: {  	s6 =	simm.s32 $0xA500;
	_ =	swait.ge [sflag:s31], $0xC000  }
0x5fc: {  	s7 =	simm.s32 $0x5500;
	s8 =	simm.s32 $0x9500;
	[sflag:s31] =	ssyncset.done $0x0  }
0x5fd: {  	s9 =	simm.s32 $0x8500;
	s10 =	simm.s32 $0x5D00;
	[sflag:s31] =	ssyncadd.s32 $0xFFFF4000  }
0x5fe: {  	s23 =	rddreg [dreg:$0x17];
	s4 =	simm.s32 $0x480;
	s24 =	simm.s32 $0x5  }
0x5ff: {  	[tilespmem:s4], [sflag:$0x5] =	stream.linear.gather [hbm4b:s23+s3], $0x40, $0x38;
	[tilespmem:$0x18500] =	vst v63  }
0x600: {  	_ =	swait.ge [sflag:s24], $0x40  }
0x601: {  	[sflag:s24] =	ssyncset.done $0x0  }
0x602: {  	[sflag:s24] =	ssyncadd.s32 $0xFFFFFFC0  }
0x603: {  	v3 =	vld [tilespmem:$0x480];
	_ =	sdelay $0x4  }
0x604: {  	v4 =	vshrl.u32 v3, $0x3  }
0x605: {  	v4 =	vmul.u32 $0x30, v4  }
0x606: {  	v3 =	vand.u32 $0x7, v3  }
0x607: {  	v3 =	vor.u32 v3, v4  }
0x608: {  	v4 =	vperm.xlane v3, v0;
	_ =	sdelay $0x1  }
0x609: {  	v4 =	vadd.s32 v1, v4;
	_ =	sdelay $0x3  }
0x60a: {  	v3 =	vperm.xlane v3, v2  }
0x60b: {  	[tilespmem:s30], [sflag:$0x1] =	stream.indirect_vreg.gather [hbm4b:s2+s3], $0x80, v4, vm0, $0xb8;
	[tilespmem:$0x18500] =	vst v63  }
0x60c: {  	s19 =	simm.s32 $0xD00;
	v3 =	vadd.s32 v1, v3  }
0x60d: {  	[tilespmem:s19], [sflag:$0x1] =	stream.indirect_vreg.gather [hbm4b:s26+s3], $0x80, v4, vm0, $0xb8;
	[tilespmem:$0x18500] =	vst v63  }
0x60e: {  	s20 =	simm.s32 $0x1500  }
0x60f: {  	[tilespmem:s20], [sflag:$0x1] =	stream.indirect_vreg.gather [hbm4b:s28+s3], $0x80, v4, vm0, $0xb8;
	[tilespmem:$0x18500] =	vst v63  }
0x610: {  	s21 =	simm.s32 $0x1D00  }
0x611: {  	[tilespmem:s21], [sflag:$0x1] =	stream.indirect_vreg.gather [hbm4b:s2+s3], $0x80, v3, vm0, $0xb8;
	[tilespmem:$0x18500] =	vst v63  }
0x612: {  	s23 =	simm.s32 $0x2500  }
0x613: {  	[tilespmem:s23], [sflag:$0x1] =	stream.indirect_vreg.gather [hbm4b:s26+s3], $0x80, v3, vm0, $0xb8;
	[tilespmem:$0x18500] =	vst v63  }
0x614: {  	s25 =	simm.s32 $0x2D00  }
0x615: {  	[tilespmem:s25], [sflag:$0x1] =	stream.indirect_vreg.gather [hbm4b:s28+s3], $0x80, v3, vm0, $0xb8;
	[tilespmem:$0x18500] =	vst v63  }
0x616: {  	v3 =	vld [tilespmem:$0x490];
	_ =	sdelay $0x4  }
0x617: {  	v61 =	vshrl.u32 v3, $0x3  }
0x618: {  	v4 =	vmul.u32 $0x30, v61  }
0x619: {  	v3 =	vand.u32 $0x7, v3  }
0x61a: {  	v3 =	vor.u32 v3, v4  }
0x61b: {  	v4 =	vperm.xlane v3, v0;
	_ =	sdelay $0x1  }
0x61c: {  	v4 =	vadd.s32 v1, v4;
	_ =	sdelay $0x3  }
0x61d: {  	s5 =	simm.s32 $0x3500;
	v3 =	vperm.xlane v3, v2  }
0x61e: {  	[tilespmem:s5], [sflag:$0x1] =	stream.indirect_vreg.gather [hbm4b:s2+s3], $0x80, v4, vm0, $0xb8;
	[tilespmem:$0x18500] =	vst v63  }
0x61f: {  	s11 =	simm.s32 $0x3D00;
	v3 =	vadd.s32 v1, v3  }
0x620: {  	[tilespmem:s11], [sflag:$0x1] =	stream.indirect_vreg.gather [hbm4b:s26+s3], $0x80, v4, vm0, $0xb8;
	[tilespmem:$0x18500] =	vst v63  }
0x621: {  	s12 =	simm.s32 $0x4500  }
0x622: {  	[tilespmem:s12], [sflag:$0x1] =	stream.indirect_vreg.gather [hbm4b:s28+s3], $0x80, v4, vm0, $0xb8;
	[tilespmem:$0x18500] =	vst v63  }
0x623: {  	s13 =	simm.s32 $0x4D00  }
0x624: {  	[tilespmem:s13], [sflag:$0x1] =	stream.indirect_vreg.gather [hbm4b:s2+s3], $0x80, v3, vm0, $0xb8;
	[tilespmem:$0x18500] =	vst v63  }
0x625: {  	_ = 	snop  }
0x626: {  	[tilespmem:s7], [sflag:$0x1] =	stream.indirect_vreg.gather [hbm4b:s26+s3], $0x80, v3, vm0, $0xb8;
	[tilespmem:$0x18500] =	vst v63  }
0x627: {  	_ = 	snop  }
0x628: {  	[tilespmem:s10], [sflag:$0x1] =	stream.indirect_vreg.gather [hbm4b:s28+s3], $0x80, v3, vm0, $0xb8;
	[tilespmem:$0x18500] =	vst v63  }
0x629: {  	v3 =	vld [tilespmem:$0x4A0];
	_ =	sdelay $0x4  }
0x62a: {  	v62 =	vshrl.u32 v3, $0x3  }
0x62b: {  	v4 =	vmul.u32 $0x30, v62  }
0x62c: {  	v3 =	vand.u32 $0x7, v3  }
0x62d: {  	v3 =	vor.u32 v3, v4  }
0x62e: {  	v4 =	vperm.xlane v3, v0;
	_ =	sdelay $0x1  }
0x62f: {  	v4 =	vadd.s32 v1, v4;
	_ =	sdelay $0x3  }
0x630: {  	s14 =	simm.s32 $0x6500;
	v3 =	vperm.xlane v3, v2  }
0x631: {  	[tilespmem:s14], [sflag:$0x1] =	stream.indirect_vreg.gather [hbm4b:s2+s3], $0x80, v4, vm0, $0xb8;
	[tilespmem:$0x18500] =	vst v63  }
0x632: {  	s15 =	simm.s32 $0x6D00;
	v3 =	vadd.s32 v1, v3  }
0x633: {  	[tilespmem:s15], [sflag:$0x1] =	stream.indirect_vreg.gather [hbm4b:s26+s3], $0x80, v4, vm0, $0xb8;
	[tilespmem:$0x18500] =	vst v63  }
0x634: {  	s16 =	simm.s32 $0x7500  }
0x635: {  	[tilespmem:s16], [sflag:$0x1] =	stream.indirect_vreg.gather [hbm4b:s28+s3], $0x80, v4, vm0, $0xb8;
	[tilespmem:$0x18500] =	vst v63  }
0x636: {  	s17 =	simm.s32 $0x7D00  }
0x637: {  	[tilespmem:s17], [sflag:$0x1] =	stream.indirect_vreg.gather [hbm4b:s2+s3], $0x80, v3, vm0, $0xb8;
	[tilespmem:$0x18500] =	vst v63  }
0x638: {  	_ = 	snop  }
0x639: {  	[tilespmem:s9], [sflag:$0x1] =	stream.indirect_vreg.gather [hbm4b:s26+s3], $0x80, v3, vm0, $0xb8;
	[tilespmem:$0x18500] =	vst v63  }
0x63a: {  	s18 =	simm.s32 $0x8D00  }
0x63b: {  	[tilespmem:s18], [sflag:$0x1] =	stream.indirect_vreg.gather [hbm4b:s28+s3], $0x80, v3, vm0, $0xb8;
	[tilespmem:$0x18500] =	vst v63  }
0x63c: {  	v3 =	vld [tilespmem:$0x4B0];
	_ =	sdelay $0x4  }
0x63d: {  	v63 =	vshrl.u32 v3, $0x3  }
0x63e: {  	v4 =	vmul.u32 $0x30, v63  }
0x63f: {  	v3 =	vand.u32 $0x7, v3  }
0x640: {  	v3 =	vor.u32 v3, v4  }
0x641: {  	v4 =	vperm.xlane v3, v0;
	_ =	sdelay $0x1  }
0x642: {  	v4 =	vadd.s32 v1, v4;
	_ =	sdelay $0x3  }
0x643: {  	v3 =	vperm.xlane v3, v2  }
0x644: {  	[tilespmem:s8], [sflag:$0x1] =	stream.indirect_vreg.gather [hbm4b:s2+s3], $0x80, v4, vm0, $0xb8;
	[tilespmem:$0x18500] =	vst v63  }
0x645: {  	s19 =	simm.s32 $0x9D00;
	v3 =	vadd.s32 v1, v3  }
0x646: {  	[tilespmem:s19], [sflag:$0x1] =	stream.indirect_vreg.gather [hbm4b:s26+s3], $0x80, v4, vm0, $0xb8;
	[tilespmem:$0x18500] =	vst v63  }
0x647: {  	_ = 	snop  }
0x648: {  	[tilespmem:s6], [sflag:$0x1] =	stream.indirect_vreg.gather [hbm4b:s28+s3], $0x80, v4, vm0, $0xb8;
	[tilespmem:$0x18500] =	vst v63  }
0x649: {  	s20 =	simm.s32 $0xAD00  }
0x64a: {  	[tilespmem:s20], [sflag:$0x1] =	stream.indirect_vreg.gather [hbm4b:s2+s3], $0x80, v3, vm0, $0xb8;
	[tilespmem:$0x18500] =	vst v63  }
0x64b: {  	s21 =	simm.s32 $0xB500  }
0x64c: {  	[tilespmem:s21], [sflag:$0x1] =	stream.indirect_vreg.gather [hbm4b:s26+s3], $0x80, v3, vm0, $0xb8;
	[tilespmem:$0x18500] =	vst v63  }
0x64d: {  	s23 =	simm.s32 $0xBD00  }
0x64e: {  	[tilespmem:s23], [sflag:$0x1] =	stream.indirect_vreg.gather [hbm4b:s28+s3], $0x80, v3, vm0, $0xb8;
	[tilespmem:$0x18500] =	vst v63  }
0x64f: {  	_ =	swait.ge [sflag:s29], $0xC000  }
0x650: {  	[sflag:s29] =	ssyncset.done $0x0  }
.Ltmp3:
0x651: {  	s25 =	rddreg [dreg:$0x18];
	[sflag:s29] =	ssyncadd.s32 $0xFFFF4000;
	(pc) =	sbr.rel .LBB2_3-.Ltmp3, $4  }
0x652: {  	[hbm4b:s25+s3] =	stream.linear.scatter [tilespmem:s30], [sflag:$0x5], $0xC000, $0x38;
	[tilespmem:$0x18500] =	vst v63  }
0x653: {  	_ =	swait.ge [sflag:s24], $0xC000  }
0x654: {  	[sflag:s24] =	ssyncset.done $0x0  }
0x655: {  	[sflag:s24] =	ssyncadd.s32 $0xFFFF4000  }
.LBB2_4:
0x656: {  	_ =	sfence.sel $0x180000  }
0x657: {  	[bflag:$0x0] =	sbarrier.arrive $0xFFFF  }
0x658: {  	_ =	strace $0x90000047  }
0x659: {  	s0 =	stileid.u32;
	[bflag:$0x2] =	sbarrier.arrive $0xFFFF  }
0x65a: {  	p0 =	sne.s32 s0, $0x0;
	s0 =	rddreg [dreg:$0x3]  }
0x65b: {  	s0 =	sadd.s32 @!p0 $0x100000, s0  }
0x65c: {  	[sflag:s0] =	ssyncadd.tile.s32 @!p0 $0x1;
	_ =	shalt  }
.Lfunc_end2:
_tile_overlayer_lowered:
.L_overlay_start_2:
0x65d: {  	(tag) =	ssettag $0x2  }
0x65e: {  	s0 =	rddreg [dreg:$0x0];
	s2 =	stileid.u32  }
0x65f: {  	s1 =	rddreg [dreg:$0x1];
	p0 =	sne.s32 s2, $0x0  }
0x660: {  	s3 =	rddreg [dreg:$0x2];
	[bflag:$0x3] =	sbarrier.arrive $0xFFFF;
	s2 =	simm.s32 @!p0 $0x1C05  }
0x661: {  	[timem:s3], [sflag:s2] =	dma.local @!p0 [hbm:s0], s1  }
0x662: {  	s0 =	simm.s32 @!p0 $0x5  }
0x663: {  	_ =	swait.ge @!p0 [sflag:s0], s1  }
0x664: {  	s1 =	ssub.s32 @!p0 $0x0, s1;
	[sflag:s0] =	ssyncset.done @!p0 $0x0  }
0x665: {  	[sflag:s0] =	ssyncadd.s32 @!p0 s1  }
0x666: {  	[bflag:$0x3] =	sbarrier.arrive $0xFFFF  }
0x667: {  	_ =	shalt  }

</sc_bundles>
